<compile_context>
chip_gen: v7x
topology: tpu7x:2x2x1
jax: 0.10.2.dev20260603
libtpu: 0.0.44.dev20260713+nightly
codegen_flags: <defaults>
</compile_context>

<pallas_src>
import functools

import jax
import jax.numpy as jnp
from jax import lax
from jax.experimental import pallas as pl
from jax.experimental.pallas import tpu as pltpu
from jax.experimental.pallas import tpu_sc as plsc

TOP_K = 8


def _l2n(x):
    sq = jnp.sum(x * x, axis=-1, keepdims=True)
    return x * lax.rsqrt(jnp.maximum(sq, 1e-12))


def _tc_fused(b, s, d, p, k):
    nc = 1
    bpc = b // nc
    ppc = p // nc
    mesh = pltpu.create_tensorcore_mesh("x", num_cores=nc)

    @functools.partial(
        pl.kernel,
        mesh=mesh,
        out_type=[
            jax.ShapeDtypeStruct((b, p), jnp.float32),
            jax.ShapeDtypeStruct((b, k), jnp.int32),
            jax.ShapeDtypeStruct((p, d), jnp.float32),
            jax.ShapeDtypeStruct((nc, 1), jnp.float32),
        ],
        scratch_types=[
            pltpu.VMEM((p, d), jnp.float32),
            pltpu.VMEM((1, s, d), jnp.float32),
            pltpu.VMEM((1, s, d), jnp.float32),
            pltpu.VMEM((bpc, d), jnp.float32),
            pltpu.VMEM((bpc, p), jnp.float32),
            pltpu.VMEM((bpc, k), jnp.int32),
            pltpu.VMEM((1, 1), jnp.float32),
            pltpu.SemaphoreType.DMA,
            pltpu.SemaphoreType.DMA,
            pltpu.SemaphoreType.DMA,
            pltpu.SemaphoreType.DMA,
        ],
    )
    def fused(x_hbm, pk_hbm, sim_hbm, idx_hbm, keyn_hbm, rs_hbm,
              pkv, xb0, xb1, mv, simv, idxv, rsv, spk, sx0, sx1, so):
        ci = lax.axis_index("x")
        base = ci * bpc
        xbs = (xb0, xb1)
        sxs = (sx0, sx1)

        hpk = pltpu.async_copy(pk_hbm, pkv, spk)

        def x_start(m):
            return pltpu.async_copy(
                x_hbm.at[pl.ds(base + m, 1)], xbs[m % 2], sxs[m % 2])

        hx = {0: x_start(0)}
        for m in range(bpc):
            if m + 1 < bpc:
                hx[m + 1] = x_start(m + 1)
            hx.pop(m).wait()
            mv[m:m + 1, :] = (
                jnp.sum(xbs[m % 2][0], axis=0, keepdims=True) * (1.0 / s))

        hpk.wait()
        key_norm = _l2n(pkv[...])
        pkv[...] = key_norm
        hkn = pltpu.async_copy(
            pkv.at[pl.ds(ci * ppc, ppc)],
            keyn_hbm.at[pl.ds(ci * ppc, ppc)], so)

        x_norm = _l2n(mv[...])
        sim = lax.dot_general(
            x_norm, key_norm,
            dimension_numbers=(((1,), (1,)), ((), ())),
            preferred_element_type=jnp.float32,
        )
        simv[...] = sim

        ids = lax.broadcasted_iota(jnp.int32, (bpc, p), 1)
        cur = sim
        total = jnp.zeros((bpc, 1), jnp.float32)
        for kk in range(k):
            m = jnp.max(cur, axis=1, keepdims=True)
            cand = jnp.where(cur == m, ids, jnp.int32(2**30))
            j = jnp.min(cand, axis=1, keepdims=True)
            idxv[:, kk:kk + 1] = j
            total = total + m
            cur = jnp.where(ids == j, -jnp.inf, cur)
        rsv[...] = jnp.sum(total, axis=0, keepdims=True) * (1.0 / b)

        pltpu.sync_copy(simv, sim_hbm.at[pl.ds(base, bpc)])
        pltpu.sync_copy(idxv, idx_hbm.at[pl.ds(base, bpc)])
        pltpu.sync_copy(rsv, rs_hbm.at[pl.ds(ci, 1)])
        hkn.wait()

    return fused


def _sc_gather(l, p, length, d, b, k):
    nrow = l * b * k * length
    nkey = b * k
    nw = 32
    rpw = nrow // nw
    kpw = nkey // nw
    cw = 32
    nchunk = rpw // cw
    nbuf = 4
    mesh = plsc.VectorSubcoreMesh(core_axis_name="c", subcore_axis_name="s")

    @functools.partial(
        pl.kernel,
        mesh=mesh,
        out_type=[
            jax.ShapeDtypeStruct((nrow, d), jnp.float32),
            jax.ShapeDtypeStruct((nkey, d), jnp.float32),
        ],
        scratch_types=[
            pltpu.VMEM((rpw,), jnp.int32),
            pltpu.VMEM((nkey,), jnp.int32),
            pltpu.VMEM((cw, d), jnp.float32),
            pltpu.VMEM((cw, d), jnp.float32),
            pltpu.VMEM((cw, d), jnp.float32),
            pltpu.VMEM((cw, d), jnp.float32),
            pltpu.VMEM((kpw, d), jnp.float32),
            pltpu.SemaphoreType.DMA,
            pltpu.SemaphoreType.DMA,
            pltpu.SemaphoreType.DMA,
            pltpu.SemaphoreType.DMA,
            pltpu.SemaphoreType.DMA,
            pltpu.SemaphoreType.DMA,
            pltpu.SemaphoreType.DMA,
        ],
    )
    def gather_kernel(table_hbm, keyn_hbm, gidx_hbm, kidx_hbm,
                      out1_hbm, out2_hbm,
                      gidx_v, kidx_v, buf0, buf1, buf2, buf3, krows_v,
                      sg0, sg1, sg2, sg3, sw0, sw1, sk):
        wid = lax.axis_index("s") * 2 + lax.axis_index("c")
        base = wid * rpw
        bufs = (buf0, buf1, buf2, buf3)
        gsems = (sg0, sg1, sg2, sg3)
        wsems = (sw0, sw1)

        pltpu.sync_copy(gidx_hbm.at[pl.ds(base, rpw)], gidx_v)

        pltpu.sync_copy(kidx_hbm, kidx_v)
        hk = pltpu.async_copy(
            keyn_hbm.at[kidx_v.at[pl.ds(wid * kpw, kpw)]], krows_v, sk)

        def g_start(c):
            return pltpu.async_copy(
                table_hbm.at[gidx_v.at[pl.ds(c * cw, cw)]],
                bufs[c % nbuf], gsems[c % nbuf])

        def w_start(c):
            return pltpu.async_copy(
                bufs[c % nbuf], out1_hbm.at[pl.ds(base + c * cw, cw)],
                wsems[c % 2])

        hg = {t: g_start(t) for t in range(min(3, nchunk))}
        hw = {}
        for c in range(nchunk):
            hg.pop(c).wait()
            hw[c] = w_start(c)
            nxt = c + 3
            if nxt < nchunk:
                if c >= 1:
                    hw.pop(c - 1).wait()
                hg[nxt] = g_start(nxt)
        for c in sorted(hw):
            hw.pop(c).wait()

        hk.wait()
        pltpu.sync_copy(krows_v, out2_hbm.at[pl.ds(wid * kpw, kpw)])

    return gather_kernel


def kernel(x_embed, prompt, prompt_key):
    b, s, d = x_embed.shape
    l, p, length, d2 = prompt.shape
    k = TOP_K

    sim, idx, key_norm, rs = _tc_fused(b, s, d, p, k)(x_embed, prompt_key)

    flat = idx.reshape(-1)
    table = jnp.transpose(prompt, (0, 2, 1, 3)).reshape(l * length * p, d)
    gidx = (idx[None, :, :, None]
            + (jnp.arange(l, dtype=jnp.int32) * length * p)[:, None, None, None]
            + (jnp.arange(length, dtype=jnp.int32) * p)[None, None, None, :]
            ).reshape(-1)
    out1, out2 = _sc_gather(l, p, length, d, b, k)(table, key_norm, gidx, flat)

    batched_prompt = out1.reshape(l, b, k * length, d)
    batched_key_norm = out2.reshape(b, k, d)
    reduce_sim = jnp.sum(rs).reshape(())
    return (sim, idx, batched_prompt, batched_key_norm, reduce_sim)

# --- scband reference (transcript-rebuilt; emitter-appended) ---
"""Pipeline reference for scband-eprompt-9234179687675 (READ-ONLY COPY).

The authoritative reference and input builder live on the scoring server;
editing this copy changes nothing except your own understanding.
"""

import jax, jax.numpy as jnp
import numpy as np

NUM_LAYERS = 12
POOL_SIZE = 1024
LENGTH = 5
EMBED_DIM = 768
TOP_K = 8
BATCH = 32
SEQ = 2048


def l2_normalize(x, axis=None, epsilon=1e-12):
    square_sum = jnp.sum(x ** 2, axis=axis, keepdims=True)
    x_inv_norm = jax.lax.rsqrt(jnp.maximum(square_sum, epsilon))
    return x * x_inv_norm


def setup_inputs(seed: int = 0) -> dict:
    key = jax.random.key(seed)
    k1, k2, k3 = jax.random.split(key, 3)
    x_embed = jax.random.normal(k1, (BATCH, SEQ, EMBED_DIM), dtype=jnp.float32)
    # learned params per init_kwargs (prompt_init='uniform' -> U(-1,1))
    prompt = jax.random.uniform(k2, (NUM_LAYERS, POOL_SIZE, LENGTH, EMBED_DIM), minval=-1.0, maxval=1.0, dtype=jnp.float32)
    prompt_key = jax.random.uniform(k3, (POOL_SIZE, EMBED_DIM), minval=-1.0, maxval=1.0, dtype=jnp.float32)
    return {"x_embed": x_embed, "prompt": prompt, "prompt_key": prompt_key}


def reference(x_embed, prompt, prompt_key):
    # embedding_key == 'mean'
    x_embed_mean = jnp.mean(x_embed, axis=1)                      # [B, D]
    prompt_key_norm = l2_normalize(prompt_key, axis=-1)            # [P, D]
    x_embed_norm = l2_normalize(x_embed_mean, axis=-1)             # [B, D]
    similarity = jnp.matmul(prompt_key_norm, x_embed_norm.T)       # [P, B]
    similarity = similarity.T                                      # [B, P]
    similarity_top_k, idx = jax.lax.top_k(similarity, TOP_K)       # [B, K]
    # batchwise_prompt=False, prompt_mask=None -> use idx directly
    # use_prefix_tune_for_e_prompt=False branch
    batched_prompt_raw = prompt[:, idx]                            # [L, B, K, length, D]
    num_layers, batch_size, top_k, length, embed_dim = batched_prompt_raw.shape
    batched_prompt = batched_prompt_raw.reshape(num_layers, batch_size, top_k * length, embed_dim)
    batched_key_norm = prompt_key_norm[idx]                        # [B, K, D]
    x_embed_norm_e = x_embed_norm[:, None, :]                      # [B, 1, D]
    sim = batched_key_norm * x_embed_norm_e
    reduce_sim = jnp.sum(sim) / x_embed.shape[0]
    return (similarity, idx, batched_prompt, batched_key_norm, reduce_sim)

if __name__ == "__main__":
    import jax
    _d = setup_inputs()
    print(jax.jit(kernel)(*tuple(_d.values())))

</pallas_src>

<mosaic_0001>
#map = affine_map<(d0, d1) -> (0, 0)>
#map1 = affine_map<(d0, d1) -> (0)>
module attributes {stable_mosaic.version = 14 : i64} {
  func.func @gather_kernel(%arg0: i32, %arg1: i32, %arg2: memref<61440x768xf32, #tpu.memory_space<hbm>>, %arg3: memref<1024x768xf32, #tpu.memory_space<hbm>>, %arg4: memref<15360xi32, #tpu.memory_space<hbm>>, %arg5: memref<256xi32, #tpu.memory_space<hbm>>, %arg6: memref<15360x768xf32, #tpu.memory_space<hbm>>, %arg7: memref<256x768xf32, #tpu.memory_space<hbm>>, %arg8: memref<480xi32, #tpu.memory_space<vmem>>, %arg9: memref<256xi32, #tpu.memory_space<vmem>>, %arg10: memref<32x768xf32, #tpu.memory_space<vmem>>, %arg11: memref<32x768xf32, #tpu.memory_space<vmem>>, %arg12: memref<32x768xf32, #tpu.memory_space<vmem>>, %arg13: memref<32x768xf32, #tpu.memory_space<vmem>>, %arg14: memref<8x768xf32, #tpu.memory_space<vmem>>, %arg15: memref<!tpu.dma_semaphore, #tpu.memory_space<semaphore_mem>>, %arg16: memref<!tpu.dma_semaphore, #tpu.memory_space<semaphore_mem>>, %arg17: memref<!tpu.dma_semaphore, #tpu.memory_space<semaphore_mem>>, %arg18: memref<!tpu.dma_semaphore, #tpu.memory_space<semaphore_mem>>, %arg19: memref<!tpu.dma_semaphore, #tpu.memory_space<semaphore_mem>>, %arg20: memref<!tpu.dma_semaphore, #tpu.memory_space<semaphore_mem>>, %arg21: memref<!tpu.dma_semaphore, #tpu.memory_space<semaphore_mem>>) attributes {dimension_semantics = [#tpu.dimension_semantics<core_parallel>, #tpu.dimension_semantics<subcore_parallel>], iteration_bounds = array<i64: 2, 16>, scalar_prefetch = 0 : i64, scratch_operands = 14 : i64, tpu.core_type = #tpu.core_type<sc_vector_subcore>, window_params = [{transform_indices = #map}, {transform_indices = #map}, {transform_indices = #map1}, {transform_indices = #map1}, {transform_indices = #map}, {transform_indices = #map}]} {
    %mul3A = arith.constant 2 : i32
    %mul3A_0 = arith.muli %arg1, %mul3A : i32
    %add3A = arith.addi %mul3A_0, %arg0 : i32
    %mul3A_1 = arith.constant 480 : i32
    %mul3A_2 = arith.muli %add3A, %mul3A_1 : i32
    "tpu.region"() ({
      %run_scoped3A = tpu.sem_alloc : memref<!tpu.dma_semaphore, #tpu.memory_space<semaphore_mem>>
      %dma_start3A_313 = tpu.memref_slice %arg4[%mul3A_2] : memref<15360xi32, #tpu.memory_space<hbm>> -> memref<480xi32, #tpu.memory_space<hbm>>
      %dma_start3A_314 = tpu.memref_slice %arg4[%mul3A_2] : memref<15360xi32, #tpu.memory_space<hbm>> -> memref<480xi32, #tpu.memory_space<hbm>>
      tpu.enqueue_dma source(%dma_start3A_314 : memref<480xi32, #tpu.memory_space<hbm>>) target(%arg8 : memref<480xi32, #tpu.memory_space<vmem>>) target_semaphore(%run_scoped3A : memref<!tpu.dma_semaphore, #tpu.memory_space<semaphore_mem>>)
      %dma_wait3A_315 = tpu.memref_slice %arg4[%mul3A_2] : memref<15360xi32, #tpu.memory_space<hbm>> -> memref<480xi32, #tpu.memory_space<hbm>>
      %dma_wait3A_316 = tpu.memref_slice %arg4[%mul3A_2] : memref<15360xi32, #tpu.memory_space<hbm>> -> memref<480xi32, #tpu.memory_space<hbm>>
      tpu.wait_dma2 semaphore(%run_scoped3A : memref<!tpu.dma_semaphore, #tpu.memory_space<semaphore_mem>>) src(%dma_wait3A_316 : memref<480xi32, #tpu.memory_space<hbm>>) dst(%arg8 : memref<480xi32, #tpu.memory_space<vmem>>)
      tpu.yield
    }) : () -> ()
    "tpu.region"() ({
      %run_scoped3A = tpu.sem_alloc : memref<!tpu.dma_semaphore, #tpu.memory_space<semaphore_mem>>
      tpu.enqueue_dma source(%arg5 : memref<256xi32, #tpu.memory_space<hbm>>) target(%arg9 : memref<256xi32, #tpu.memory_space<vmem>>) target_semaphore(%run_scoped3A : memref<!tpu.dma_semaphore, #tpu.memory_space<semaphore_mem>>)
      tpu.wait_dma2 semaphore(%run_scoped3A : memref<!tpu.dma_semaphore, #tpu.memory_space<semaphore_mem>>) src(%arg5 : memref<256xi32, #tpu.memory_space<hbm>>) dst(%arg9 : memref<256xi32, #tpu.memory_space<vmem>>)
      tpu.yield
    }) : () -> ()
    %mul3A_3 = arith.constant 8 : i32
    %mul3A_4 = arith.muli %add3A, %mul3A_3 : i32
    %dma_start3A = tpu.memref_slice %arg9[%mul3A_4] : memref<256xi32, #tpu.memory_space<vmem>> -> memref<8xi32, #tpu.memory_space<vmem>>
    %dma_start3A_5 = arith.constant 0 : i32
    %dma_start3A_6 = arith.constant 0 : i32
    %dma_start3A_7 = tpu.memref_slice %arg3[%dma_start3A_5, %dma_start3A_6] : memref<1024x768xf32, #tpu.memory_space<hbm>> -> memref<1024x768xf32, #tpu.memory_space<hbm>>
    tpu.enqueue_indirect_dma source(%dma_start3A_7 : memref<1024x768xf32, #tpu.memory_space<hbm>>) target(%arg14 : memref<8x768xf32, #tpu.memory_space<vmem>>) offsets(%dma_start3A : memref<8xi32, #tpu.memory_space<vmem>>) semaphore(%arg21 : memref<!tpu.dma_semaphore, #tpu.memory_space<semaphore_mem>>)
    %dma_start3A_8 = arith.constant 0 : i32
    %dma_start3A_9 = tpu.memref_slice %arg8[%dma_start3A_8] : memref<480xi32, #tpu.memory_space<vmem>> -> memref<32xi32, #tpu.memory_space<vmem>>
    %dma_start3A_10 = arith.constant 0 : i32
    %dma_start3A_11 = arith.constant 0 : i32
    %dma_start3A_12 = tpu.memref_slice %arg2[%dma_start3A_10, %dma_start3A_11] : memref<61440x768xf32, #tpu.memory_space<hbm>> -> memref<61440x768xf32, #tpu.memory_space<hbm>>
    tpu.enqueue_indirect_dma source(%dma_start3A_12 : memref<61440x768xf32, #tpu.memory_space<hbm>>) target(%arg10 : memref<32x768xf32, #tpu.memory_space<vmem>>) offsets(%dma_start3A_9 : memref<32xi32, #tpu.memory_space<vmem>>) semaphore(%arg15 : memref<!tpu.dma_semaphore, #tpu.memory_space<semaphore_mem>>)
    %dma_start3A_13 = arith.constant 32 : i32
    %dma_start3A_14 = tpu.memref_slice %arg8[%dma_start3A_13] : memref<480xi32, #tpu.memory_space<vmem>> -> memref<32xi32, #tpu.memory_space<vmem>>
    %dma_start3A_15 = arith.constant 0 : i32
    %dma_start3A_16 = arith.constant 0 : i32
    %dma_start3A_17 = tpu.memref_slice %arg2[%dma_start3A_15, %dma_start3A_16] : memref<61440x768xf32, #tpu.memory_space<hbm>> -> memref<61440x768xf32, #tpu.memory_space<hbm>>
    tpu.enqueue_indirect_dma source(%dma_start3A_17 : memref<61440x768xf32, #tpu.memory_space<hbm>>) target(%arg11 : memref<32x768xf32, #tpu.memory_space<vmem>>) offsets(%dma_start3A_14 : memref<32xi32, #tpu.memory_space<vmem>>) semaphore(%arg16 : memref<!tpu.dma_semaphore, #tpu.memory_space<semaphore_mem>>)
    %dma_start3A_18 = arith.constant 64 : i32
    %dma_start3A_19 = tpu.memref_slice %arg8[%dma_start3A_18] : memref<480xi32, #tpu.memory_space<vmem>> -> memref<32xi32, #tpu.memory_space<vmem>>
    %dma_start3A_20 = arith.constant 0 : i32
    %dma_start3A_21 = arith.constant 0 : i32
    %dma_start3A_22 = tpu.memref_slice %arg2[%dma_start3A_20, %dma_start3A_21] : memref<61440x768xf32, #tpu.memory_space<hbm>> -> memref<61440x768xf32, #tpu.memory_space<hbm>>
    tpu.enqueue_indirect_dma source(%dma_start3A_22 : memref<61440x768xf32, #tpu.memory_space<hbm>>) target(%arg12 : memref<32x768xf32, #tpu.memory_space<vmem>>) offsets(%dma_start3A_19 : memref<32xi32, #tpu.memory_space<vmem>>) semaphore(%arg17 : memref<!tpu.dma_semaphore, #tpu.memory_space<semaphore_mem>>)
    %dma_wait3A = arith.constant 0 : i32
    %dma_wait3A_23 = tpu.memref_slice %arg8[%dma_wait3A] : memref<480xi32, #tpu.memory_space<vmem>> -> memref<32xi32, #tpu.memory_space<vmem>>
    %dma_wait3A_24 = arith.constant 0 : i32
    %dma_wait3A_25 = arith.constant 0 : i32
    %dma_wait3A_26 = tpu.memref_slice %arg2[%dma_wait3A_24, %dma_wait3A_25] : memref<61440x768xf32, #tpu.memory_space<hbm>> -> memref<61440x768xf32, #tpu.memory_space<hbm>>
    tpu.wait_indirect_dma semaphore(%arg15 : memref<!tpu.dma_semaphore, #tpu.memory_space<semaphore_mem>>) src(%dma_wait3A_26 : memref<61440x768xf32, #tpu.memory_space<hbm>>) dst(%arg10 : memref<32x768xf32, #tpu.memory_space<vmem>>)
    %add3A_27 = arith.constant 0 : i32
    %add3A_28 = arith.addi %mul3A_2, %add3A_27 : i32
    %dma_start3A_29 = arith.constant 0 : i32
    %dma_start3A_30 = tpu.memref_slice %arg6[%add3A_28, %dma_start3A_29] : memref<15360x768xf32, #tpu.memory_space<hbm>> -> memref<32x768xf32, #tpu.memory_space<hbm>>
    %dma_start3A_31 = arith.constant 0 : i32
    %dma_start3A_32 = tpu.memref_slice %arg6[%add3A_28, %dma_start3A_31] : memref<15360x768xf32, #tpu.memory_space<hbm>> -> memref<32x768xf32, #tpu.memory_space<hbm>>
    tpu.enqueue_dma source(%arg10 : memref<32x768xf32, #tpu.memory_space<vmem>>) target(%dma_start3A_32 : memref<32x768xf32, #tpu.memory_space<hbm>>) target_semaphore(%arg19 : memref<!tpu.dma_semaphore, #tpu.memory_space<semaphore_mem>>)
    %dma_start3A_33 = arith.constant 96 : i32
    %dma_start3A_34 = tpu.memref_slice %arg8[%dma_start3A_33] : memref<480xi32, #tpu.memory_space<vmem>> -> memref<32xi32, #tpu.memory_space<vmem>>
    %dma_start3A_35 = arith.constant 0 : i32
    %dma_start3A_36 = arith.constant 0 : i32
    %dma_start3A_37 = tpu.memref_slice %arg2[%dma_start3A_35, %dma_start3A_36] : memref<61440x768xf32, #tpu.memory_space<hbm>> -> memref<61440x768xf32, #tpu.memory_space<hbm>>
    tpu.enqueue_indirect_dma source(%dma_start3A_37 : memref<61440x768xf32, #tpu.memory_space<hbm>>) target(%arg13 : memref<32x768xf32, #tpu.memory_space<vmem>>) offsets(%dma_start3A_34 : memref<32xi32, #tpu.memory_space<vmem>>) semaphore(%arg18 : memref<!tpu.dma_semaphore, #tpu.memory_space<semaphore_mem>>)
    %dma_wait3A_38 = arith.constant 32 : i32
    %dma_wait3A_39 = tpu.memref_slice %arg8[%dma_wait3A_38] : memref<480xi32, #tpu.memory_space<vmem>> -> memref<32xi32, #tpu.memory_space<vmem>>
    %dma_wait3A_40 = arith.constant 0 : i32
    %dma_wait3A_41 = arith.constant 0 : i32
    %dma_wait3A_42 = tpu.memref_slice %arg2[%dma_wait3A_40, %dma_wait3A_41] : memref<61440x768xf32, #tpu.memory_space<hbm>> -> memref<61440x768xf32, #tpu.memory_space<hbm>>
    tpu.wait_indirect_dma semaphore(%arg16 : memref<!tpu.dma_semaphore, #tpu.memory_space<semaphore_mem>>) src(%dma_wait3A_42 : memref<61440x768xf32, #tpu.memory_space<hbm>>) dst(%arg11 : memref<32x768xf32, #tpu.memory_space<vmem>>)
    %add3A_43 = arith.constant 32 : i32
    %add3A_44 = arith.addi %mul3A_2, %add3A_43 : i32
    %dma_start3A_45 = arith.constant 0 : i32
    %dma_start3A_46 = tpu.memref_slice %arg6[%add3A_44, %dma_start3A_45] : memref<15360x768xf32, #tpu.memory_space<hbm>> -> memref<32x768xf32, #tpu.memory_space<hbm>>
    %dma_start3A_47 = arith.constant 0 : i32
    %dma_start3A_48 = tpu.memref_slice %arg6[%add3A_44, %dma_start3A_47] : memref<15360x768xf32, #tpu.memory_space<hbm>> -> memref<32x768xf32, #tpu.memory_space<hbm>>
    tpu.enqueue_dma source(%arg11 : memref<32x768xf32, #tpu.memory_space<vmem>>) target(%dma_start3A_48 : memref<32x768xf32, #tpu.memory_space<hbm>>) target_semaphore(%arg20 : memref<!tpu.dma_semaphore, #tpu.memory_space<semaphore_mem>>)
    %dma_wait3A_49 = arith.constant 0 : i32
    %dma_wait3A_50 = tpu.memref_slice %arg6[%add3A_28, %dma_wait3A_49] : memref<15360x768xf32, #tpu.memory_space<hbm>> -> memref<32x768xf32, #tpu.memory_space<hbm>>
    %dma_wait3A_51 = arith.constant 0 : i32
    %dma_wait3A_52 = tpu.memref_slice %arg6[%add3A_28, %dma_wait3A_51] : memref<15360x768xf32, #tpu.memory_space<hbm>> -> memref<32x768xf32, #tpu.memory_space<hbm>>
    tpu.wait_dma2 semaphore(%arg19 : memref<!tpu.dma_semaphore, #tpu.memory_space<semaphore_mem>>) src(%arg10 : memref<32x768xf32, #tpu.memory_space<vmem>>) dst(%dma_wait3A_52 : memref<32x768xf32, #tpu.memory_space<hbm>>)
    %dma_start3A_53 = arith.constant 128 : i32
    %dma_start3A_54 = tpu.memref_slice %arg8[%dma_start3A_53] : memref<480xi32, #tpu.memory_space<vmem>> -> memref<32xi32, #tpu.memory_space<vmem>>
    %dma_start3A_55 = arith.constant 0 : i32
    %dma_start3A_56 = arith.constant 0 : i32
    %dma_start3A_57 = tpu.memref_slice %arg2[%dma_start3A_55, %dma_start3A_56] : memref<61440x768xf32, #tpu.memory_space<hbm>> -> memref<61440x768xf32, #tpu.memory_space<hbm>>
    tpu.enqueue_indirect_dma source(%dma_start3A_57 : memref<61440x768xf32, #tpu.memory_space<hbm>>) target(%arg10 : memref<32x768xf32, #tpu.memory_space<vmem>>) offsets(%dma_start3A_54 : memref<32xi32, #tpu.memory_space<vmem>>) semaphore(%arg15 : memref<!tpu.dma_semaphore, #tpu.memory_space<semaphore_mem>>)
    %dma_wait3A_58 = arith.constant 64 : i32
    %dma_wait3A_59 = tpu.memref_slice %arg8[%dma_wait3A_58] : memref<480xi32, #tpu.memory_space<vmem>> -> memref<32xi32, #tpu.memory_space<vmem>>
    %dma_wait3A_60 = arith.constant 0 : i32
    %dma_wait3A_61 = arith.constant 0 : i32
    %dma_wait3A_62 = tpu.memref_slice %arg2[%dma_wait3A_60, %dma_wait3A_61] : memref<61440x768xf32, #tpu.memory_space<hbm>> -> memref<61440x768xf32, #tpu.memory_space<hbm>>
    tpu.wait_indirect_dma semaphore(%arg17 : memref<!tpu.dma_semaphore, #tpu.memory_space<semaphore_mem>>) src(%dma_wait3A_62 : memref<61440x768xf32, #tpu.memory_space<hbm>>) dst(%arg12 : memref<32x768xf32, #tpu.memory_space<vmem>>)
    %add3A_63 = arith.constant 64 : i32
    %add3A_64 = arith.addi %mul3A_2, %add3A_63 : i32
    %dma_start3A_65 = arith.constant 0 : i32
    %dma_start3A_66 = tpu.memref_slice %arg6[%add3A_64, %dma_start3A_65] : memref<15360x768xf32, #tpu.memory_space<hbm>> -> memref<32x768xf32, #tpu.memory_space<hbm>>
    %dma_start3A_67 = arith.constant 0 : i32
    %dma_start3A_68 = tpu.memref_slice %arg6[%add3A_64, %dma_start3A_67] : memref<15360x768xf32, #tpu.memory_space<hbm>> -> memref<32x768xf32, #tpu.memory_space<hbm>>
    tpu.enqueue_dma source(%arg12 : memref<32x768xf32, #tpu.memory_space<vmem>>) target(%dma_start3A_68 : memref<32x768xf32, #tpu.memory_space<hbm>>) target_semaphore(%arg19 : memref<!tpu.dma_semaphore, #tpu.memory_space<semaphore_mem>>)
    %dma_wait3A_69 = arith.constant 0 : i32
    %dma_wait3A_70 = tpu.memref_slice %arg6[%add3A_44, %dma_wait3A_69] : memref<15360x768xf32, #tpu.memory_space<hbm>> -> memref<32x768xf32, #tpu.memory_space<hbm>>
    %dma_wait3A_71 = arith.constant 0 : i32
    %dma_wait3A_72 = tpu.memref_slice %arg6[%add3A_44, %dma_wait3A_71] : memref<15360x768xf32, #tpu.memory_space<hbm>> -> memref<32x768xf32, #tpu.memory_space<hbm>>
    tpu.wait_dma2 semaphore(%arg20 : memref<!tpu.dma_semaphore, #tpu.memory_space<semaphore_mem>>) src(%arg11 : memref<32x768xf32, #tpu.memory_space<vmem>>) dst(%dma_wait3A_72 : memref<32x768xf32, #tpu.memory_space<hbm>>)
    %dma_start3A_73 = arith.constant 160 : i32
    %dma_start3A_74 = tpu.memref_slice %arg8[%dma_start3A_73] : memref<480xi32, #tpu.memory_space<vmem>> -> memref<32xi32, #tpu.memory_space<vmem>>
    %dma_start3A_75 = arith.constant 0 : i32
    %dma_start3A_76 = arith.constant 0 : i32
    %dma_start3A_77 = tpu.memref_slice %arg2[%dma_start3A_75, %dma_start3A_76] : memref<61440x768xf32, #tpu.memory_space<hbm>> -> memref<61440x768xf32, #tpu.memory_space<hbm>>
    tpu.enqueue_indirect_dma source(%dma_start3A_77 : memref<61440x768xf32, #tpu.memory_space<hbm>>) target(%arg11 : memref<32x768xf32, #tpu.memory_space<vmem>>) offsets(%dma_start3A_74 : memref<32xi32, #tpu.memory_space<vmem>>) semaphore(%arg16 : memref<!tpu.dma_semaphore, #tpu.memory_space<semaphore_mem>>)
    %dma_wait3A_78 = arith.constant 96 : i32
    %dma_wait3A_79 = tpu.memref_slice %arg8[%dma_wait3A_78] : memref<480xi32, #tpu.memory_space<vmem>> -> memref<32xi32, #tpu.memory_space<vmem>>
    %dma_wait3A_80 = arith.constant 0 : i32
    %dma_wait3A_81 = arith.constant 0 : i32
    %dma_wait3A_82 = tpu.memref_slice %arg2[%dma_wait3A_80, %dma_wait3A_81] : memref<61440x768xf32, #tpu.memory_space<hbm>> -> memref<61440x768xf32, #tpu.memory_space<hbm>>
    tpu.wait_indirect_dma semaphore(%arg18 : memref<!tpu.dma_semaphore, #tpu.memory_space<semaphore_mem>>) src(%dma_wait3A_82 : memref<61440x768xf32, #tpu.memory_space<hbm>>) dst(%arg13 : memref<32x768xf32, #tpu.memory_space<vmem>>)
    %add3A_83 = arith.constant 96 : i32
    %add3A_84 = arith.addi %mul3A_2, %add3A_83 : i32
    %dma_start3A_85 = arith.constant 0 : i32
    %dma_start3A_86 = tpu.memref_slice %arg6[%add3A_84, %dma_start3A_85] : memref<15360x768xf32, #tpu.memory_space<hbm>> -> memref<32x768xf32, #tpu.memory_space<hbm>>
    %dma_start3A_87 = arith.constant 0 : i32
    %dma_start3A_88 = tpu.memref_slice %arg6[%add3A_84, %dma_start3A_87] : memref<15360x768xf32, #tpu.memory_space<hbm>> -> memref<32x768xf32, #tpu.memory_space<hbm>>
    tpu.enqueue_dma source(%arg13 : memref<32x768xf32, #tpu.memory_space<vmem>>) target(%dma_start3A_88 : memref<32x768xf32, #tpu.memory_space<hbm>>) target_semaphore(%arg20 : memref<!tpu.dma_semaphore, #tpu.memory_space<semaphore_mem>>)
    %dma_wait3A_89 = arith.constant 0 : i32
    %dma_wait3A_90 = tpu.memref_slice %arg6[%add3A_64, %dma_wait3A_89] : memref<15360x768xf32, #tpu.memory_space<hbm>> -> memref<32x768xf32, #tpu.memory_space<hbm>>
    %dma_wait3A_91 = arith.constant 0 : i32
    %dma_wait3A_92 = tpu.memref_slice %arg6[%add3A_64, %dma_wait3A_91] : memref<15360x768xf32, #tpu.memory_space<hbm>> -> memref<32x768xf32, #tpu.memory_space<hbm>>
    tpu.wait_dma2 semaphore(%arg19 : memref<!tpu.dma_semaphore, #tpu.memory_space<semaphore_mem>>) src(%arg12 : memref<32x768xf32, #tpu.memory_space<vmem>>) dst(%dma_wait3A_92 : memref<32x768xf32, #tpu.memory_space<hbm>>)
    %dma_start3A_93 = arith.constant 192 : i32
    %dma_start3A_94 = tpu.memref_slice %arg8[%dma_start3A_93] : memref<480xi32, #tpu.memory_space<vmem>> -> memref<32xi32, #tpu.memory_space<vmem>>
    %dma_start3A_95 = arith.constant 0 : i32
    %dma_start3A_96 = arith.constant 0 : i32
    %dma_start3A_97 = tpu.memref_slice %arg2[%dma_start3A_95, %dma_start3A_96] : memref<61440x768xf32, #tpu.memory_space<hbm>> -> memref<61440x768xf32, #tpu.memory_space<hbm>>
    tpu.enqueue_indirect_dma source(%dma_start3A_97 : memref<61440x768xf32, #tpu.memory_space<hbm>>) target(%arg12 : memref<32x768xf32, #tpu.memory_space<vmem>>) offsets(%dma_start3A_94 : memref<32xi32, #tpu.memory_space<vmem>>) semaphore(%arg17 : memref<!tpu.dma_semaphore, #tpu.memory_space<semaphore_mem>>)
    %dma_wait3A_98 = arith.constant 128 : i32
    %dma_wait3A_99 = tpu.memref_slice %arg8[%dma_wait3A_98] : memref<480xi32, #tpu.memory_space<vmem>> -> memref<32xi32, #tpu.memory_space<vmem>>
    %dma_wait3A_100 = arith.constant 0 : i32
    %dma_wait3A_101 = arith.constant 0 : i32
    %dma_wait3A_102 = tpu.memref_slice %arg2[%dma_wait3A_100, %dma_wait3A_101] : memref<61440x768xf32, #tpu.memory_space<hbm>> -> memref<61440x768xf32, #tpu.memory_space<hbm>>
    tpu.wait_indirect_dma semaphore(%arg15 : memref<!tpu.dma_semaphore, #tpu.memory_space<semaphore_mem>>) src(%dma_wait3A_102 : memref<61440x768xf32, #tpu.memory_space<hbm>>) dst(%arg10 : memref<32x768xf32, #tpu.memory_space<vmem>>)
    %add3A_103 = arith.constant 128 : i32
    %add3A_104 = arith.addi %mul3A_2, %add3A_103 : i32
    %dma_start3A_105 = arith.constant 0 : i32
    %dma_start3A_106 = tpu.memref_slice %arg6[%add3A_104, %dma_start3A_105] : memref<15360x768xf32, #tpu.memory_space<hbm>> -> memref<32x768xf32, #tpu.memory_space<hbm>>
    %dma_start3A_107 = arith.constant 0 : i32
    %dma_start3A_108 = tpu.memref_slice %arg6[%add3A_104, %dma_start3A_107] : memref<15360x768xf32, #tpu.memory_space<hbm>> -> memref<32x768xf32, #tpu.memory_space<hbm>>
    tpu.enqueue_dma source(%arg10 : memref<32x768xf32, #tpu.memory_space<vmem>>) target(%dma_start3A_108 : memref<32x768xf32, #tpu.memory_space<hbm>>) target_semaphore(%arg19 : memref<!tpu.dma_semaphore, #tpu.memory_space<semaphore_mem>>)
    %dma_wait3A_109 = arith.constant 0 : i32
    %dma_wait3A_110 = tpu.memref_slice %arg6[%add3A_84, %dma_wait3A_109] : memref<15360x768xf32, #tpu.memory_space<hbm>> -> memref<32x768xf32, #tpu.memory_space<hbm>>
    %dma_wait3A_111 = arith.constant 0 : i32
    %dma_wait3A_112 = tpu.memref_slice %arg6[%add3A_84, %dma_wait3A_111] : memref<15360x768xf32, #tpu.memory_space<hbm>> -> memref<32x768xf32, #tpu.memory_space<hbm>>
    tpu.wait_dma2 semaphore(%arg20 : memref<!tpu.dma_semaphore, #tpu.memory_space<semaphore_mem>>) src(%arg13 : memref<32x768xf32, #tpu.memory_space<vmem>>) dst(%dma_wait3A_112 : memref<32x768xf32, #tpu.memory_space<hbm>>)
    %dma_start3A_113 = arith.constant 224 : i32
    %dma_start3A_114 = tpu.memref_slice %arg8[%dma_start3A_113] : memref<480xi32, #tpu.memory_space<vmem>> -> memref<32xi32, #tpu.memory_space<vmem>>
    %dma_start3A_115 = arith.constant 0 : i32
    %dma_start3A_116 = arith.constant 0 : i32
    %dma_start3A_117 = tpu.memref_slice %arg2[%dma_start3A_115, %dma_start3A_116] : memref<61440x768xf32, #tpu.memory_space<hbm>> -> memref<61440x768xf32, #tpu.memory_space<hbm>>
    tpu.enqueue_indirect_dma source(%dma_start3A_117 : memref<61440x768xf32, #tpu.memory_space<hbm>>) target(%arg13 : memref<32x768xf32, #tpu.memory_space<vmem>>) offsets(%dma_start3A_114 : memref<32xi32, #tpu.memory_space<vmem>>) semaphore(%arg18 : memref<!tpu.dma_semaphore, #tpu.memory_space<semaphore_mem>>)
    %dma_wait3A_118 = arith.constant 160 : i32
    %dma_wait3A_119 = tpu.memref_slice %arg8[%dma_wait3A_118] : memref<480xi32, #tpu.memory_space<vmem>> -> memref<32xi32, #tpu.memory_space<vmem>>
    %dma_wait3A_120 = arith.constant 0 : i32
    %dma_wait3A_121 = arith.constant 0 : i32
    %dma_wait3A_122 = tpu.memref_slice %arg2[%dma_wait3A_120, %dma_wait3A_121] : memref<61440x768xf32, #tpu.memory_space<hbm>> -> memref<61440x768xf32, #tpu.memory_space<hbm>>
    tpu.wait_indirect_dma semaphore(%arg16 : memref<!tpu.dma_semaphore, #tpu.memory_space<semaphore_mem>>) src(%dma_wait3A_122 : memref<61440x768xf32, #tpu.memory_space<hbm>>) dst(%arg11 : memref<32x768xf32, #tpu.memory_space<vmem>>)
    %add3A_123 = arith.constant 160 : i32
    %add3A_124 = arith.addi %mul3A_2, %add3A_123 : i32
    %dma_start3A_125 = arith.constant 0 : i32
    %dma_start3A_126 = tpu.memref_slice %arg6[%add3A_124, %dma_start3A_125] : memref<15360x768xf32, #tpu.memory_space<hbm>> -> memref<32x768xf32, #tpu.memory_space<hbm>>
    %dma_start3A_127 = arith.constant 0 : i32
    %dma_start3A_128 = tpu.memref_slice %arg6[%add3A_124, %dma_start3A_127] : memref<15360x768xf32, #tpu.memory_space<hbm>> -> memref<32x768xf32, #tpu.memory_space<hbm>>
    tpu.enqueue_dma source(%arg11 : memref<32x768xf32, #tpu.memory_space<vmem>>) target(%dma_start3A_128 : memref<32x768xf32, #tpu.memory_space<hbm>>) target_semaphore(%arg20 : memref<!tpu.dma_semaphore, #tpu.memory_space<semaphore_mem>>)
    %dma_wait3A_129 = arith.constant 0 : i32
    %dma_wait3A_130 = tpu.memref_slice %arg6[%add3A_104, %dma_wait3A_129] : memref<15360x768xf32, #tpu.memory_space<hbm>> -> memref<32x768xf32, #tpu.memory_space<hbm>>
    %dma_wait3A_131 = arith.constant 0 : i32
    %dma_wait3A_132 = tpu.memref_slice %arg6[%add3A_104, %dma_wait3A_131] : memref<15360x768xf32, #tpu.memory_space<hbm>> -> memref<32x768xf32, #tpu.memory_space<hbm>>
    tpu.wait_dma2 semaphore(%arg19 : memref<!tpu.dma_semaphore, #tpu.memory_space<semaphore_mem>>) src(%arg10 : memref<32x768xf32, #tpu.memory_space<vmem>>) dst(%dma_wait3A_132 : memref<32x768xf32, #tpu.memory_space<hbm>>)
    %dma_start3A_133 = arith.constant 256 : i32
    %dma_start3A_134 = tpu.memref_slice %arg8[%dma_start3A_133] : memref<480xi32, #tpu.memory_space<vmem>> -> memref<32xi32, #tpu.memory_space<vmem>>
    %dma_start3A_135 = arith.constant 0 : i32
    %dma_start3A_136 = arith.constant 0 : i32
    %dma_start3A_137 = tpu.memref_slice %arg2[%dma_start3A_135, %dma_start3A_136] : memref<61440x768xf32, #tpu.memory_space<hbm>> -> memref<61440x768xf32, #tpu.memory_space<hbm>>
    tpu.enqueue_indirect_dma source(%dma_start3A_137 : memref<61440x768xf32, #tpu.memory_space<hbm>>) target(%arg10 : memref<32x768xf32, #tpu.memory_space<vmem>>) offsets(%dma_start3A_134 : memref<32xi32, #tpu.memory_space<vmem>>) semaphore(%arg15 : memref<!tpu.dma_semaphore, #tpu.memory_space<semaphore_mem>>)
    %dma_wait3A_138 = arith.constant 192 : i32
    %dma_wait3A_139 = tpu.memref_slice %arg8[%dma_wait3A_138] : memref<480xi32, #tpu.memory_space<vmem>> -> memref<32xi32, #tpu.memory_space<vmem>>
    %dma_wait3A_140 = arith.constant 0 : i32
    %dma_wait3A_141 = arith.constant 0 : i32
    %dma_wait3A_142 = tpu.memref_slice %arg2[%dma_wait3A_140, %dma_wait3A_141] : memref<61440x768xf32, #tpu.memory_space<hbm>> -> memref<61440x768xf32, #tpu.memory_space<hbm>>
    tpu.wait_indirect_dma semaphore(%arg17 : memref<!tpu.dma_semaphore, #tpu.memory_space<semaphore_mem>>) src(%dma_wait3A_142 : memref<61440x768xf32, #tpu.memory_space<hbm>>) dst(%arg12 : memref<32x768xf32, #tpu.memory_space<vmem>>)
    %add3A_143 = arith.constant 192 : i32
    %add3A_144 = arith.addi %mul3A_2, %add3A_143 : i32
    %dma_start3A_145 = arith.constant 0 : i32
    %dma_start3A_146 = tpu.memref_slice %arg6[%add3A_144, %dma_start3A_145] : memref<15360x768xf32, #tpu.memory_space<hbm>> -> memref<32x768xf32, #tpu.memory_space<hbm>>
    %dma_start3A_147 = arith.constant 0 : i32
    %dma_start3A_148 = tpu.memref_slice %arg6[%add3A_144, %dma_start3A_147] : memref<15360x768xf32, #tpu.memory_space<hbm>> -> memref<32x768xf32, #tpu.memory_space<hbm>>
    tpu.enqueue_dma source(%arg12 : memref<32x768xf32, #tpu.memory_space<vmem>>) target(%dma_start3A_148 : memref<32x768xf32, #tpu.memory_space<hbm>>) target_semaphore(%arg19 : memref<!tpu.dma_semaphore, #tpu.memory_space<semaphore_mem>>)
    %dma_wait3A_149 = arith.constant 0 : i32
    %dma_wait3A_150 = tpu.memref_slice %arg6[%add3A_124, %dma_wait3A_149] : memref<15360x768xf32, #tpu.memory_space<hbm>> -> memref<32x768xf32, #tpu.memory_space<hbm>>
    %dma_wait3A_151 = arith.constant 0 : i32
    %dma_wait3A_152 = tpu.memref_slice %arg6[%add3A_124, %dma_wait3A_151] : memref<15360x768xf32, #tpu.memory_space<hbm>> -> memref<32x768xf32, #tpu.memory_space<hbm>>
    tpu.wait_dma2 semaphore(%arg20 : memref<!tpu.dma_semaphore, #tpu.memory_space<semaphore_mem>>) src(%arg11 : memref<32x768xf32, #tpu.memory_space<vmem>>) dst(%dma_wait3A_152 : memref<32x768xf32, #tpu.memory_space<hbm>>)
    %dma_start3A_153 = arith.constant 288 : i32
    %dma_start3A_154 = tpu.memref_slice %arg8[%dma_start3A_153] : memref<480xi32, #tpu.memory_space<vmem>> -> memref<32xi32, #tpu.memory_space<vmem>>
    %dma_start3A_155 = arith.constant 0 : i32
    %dma_start3A_156 = arith.constant 0 : i32
    %dma_start3A_157 = tpu.memref_slice %arg2[%dma_start3A_155, %dma_start3A_156] : memref<61440x768xf32, #tpu.memory_space<hbm>> -> memref<61440x768xf32, #tpu.memory_space<hbm>>
    tpu.enqueue_indirect_dma source(%dma_start3A_157 : memref<61440x768xf32, #tpu.memory_space<hbm>>) target(%arg11 : memref<32x768xf32, #tpu.memory_space<vmem>>) offsets(%dma_start3A_154 : memref<32xi32, #tpu.memory_space<vmem>>) semaphore(%arg16 : memref<!tpu.dma_semaphore, #tpu.memory_space<semaphore_mem>>)
    %dma_wait3A_158 = arith.constant 224 : i32
    %dma_wait3A_159 = tpu.memref_slice %arg8[%dma_wait3A_158] : memref<480xi32, #tpu.memory_space<vmem>> -> memref<32xi32, #tpu.memory_space<vmem>>
    %dma_wait3A_160 = arith.constant 0 : i32
    %dma_wait3A_161 = arith.constant 0 : i32
    %dma_wait3A_162 = tpu.memref_slice %arg2[%dma_wait3A_160, %dma_wait3A_161] : memref<61440x768xf32, #tpu.memory_space<hbm>> -> memref<61440x768xf32, #tpu.memory_space<hbm>>
    tpu.wait_indirect_dma semaphore(%arg18 : memref<!tpu.dma_semaphore, #tpu.memory_space<semaphore_mem>>) src(%dma_wait3A_162 : memref<61440x768xf32, #tpu.memory_space<hbm>>) dst(%arg13 : memref<32x768xf32, #tpu.memory_space<vmem>>)
    %add3A_163 = arith.constant 224 : i32
    %add3A_164 = arith.addi %mul3A_2, %add3A_163 : i32
    %dma_start3A_165 = arith.constant 0 : i32
    %dma_start3A_166 = tpu.memref_slice %arg6[%add3A_164, %dma_start3A_165] : memref<15360x768xf32, #tpu.memory_space<hbm>> -> memref<32x768xf32, #tpu.memory_space<hbm>>
    %dma_start3A_167 = arith.constant 0 : i32
    %dma_start3A_168 = tpu.memref_slice %arg6[%add3A_164, %dma_start3A_167] : memref<15360x768xf32, #tpu.memory_space<hbm>> -> memref<32x768xf32, #tpu.memory_space<hbm>>
    tpu.enqueue_dma source(%arg13 : memref<32x768xf32, #tpu.memory_space<vmem>>) target(%dma_start3A_168 : memref<32x768xf32, #tpu.memory_space<hbm>>) target_semaphore(%arg20 : memref<!tpu.dma_semaphore, #tpu.memory_space<semaphore_mem>>)
    %dma_wait3A_169 = arith.constant 0 : i32
    %dma_wait3A_170 = tpu.memref_slice %arg6[%add3A_144, %dma_wait3A_169] : memref<15360x768xf32, #tpu.memory_space<hbm>> -> memref<32x768xf32, #tpu.memory_space<hbm>>
    %dma_wait3A_171 = arith.constant 0 : i32
    %dma_wait3A_172 = tpu.memref_slice %arg6[%add3A_144, %dma_wait3A_171] : memref<15360x768xf32, #tpu.memory_space<hbm>> -> memref<32x768xf32, #tpu.memory_space<hbm>>
    tpu.wait_dma2 semaphore(%arg19 : memref<!tpu.dma_semaphore, #tpu.memory_space<semaphore_mem>>) src(%arg12 : memref<32x768xf32, #tpu.memory_space<vmem>>) dst(%dma_wait3A_172 : memref<32x768xf32, #tpu.memory_space<hbm>>)
    %dma_start3A_173 = arith.constant 320 : i32
    %dma_start3A_174 = tpu.memref_slice %arg8[%dma_start3A_173] : memref<480xi32, #tpu.memory_space<vmem>> -> memref<32xi32, #tpu.memory_space<vmem>>
    %dma_start3A_175 = arith.constant 0 : i32
    %dma_start3A_176 = arith.constant 0 : i32
    %dma_start3A_177 = tpu.memref_slice %arg2[%dma_start3A_175, %dma_start3A_176] : memref<61440x768xf32, #tpu.memory_space<hbm>> -> memref<61440x768xf32, #tpu.memory_space<hbm>>
    tpu.enqueue_indirect_dma source(%dma_start3A_177 : memref<61440x768xf32, #tpu.memory_space<hbm>>) target(%arg12 : memref<32x768xf32, #tpu.memory_space<vmem>>) offsets(%dma_start3A_174 : memref<32xi32, #tpu.memory_space<vmem>>) semaphore(%arg17 : memref<!tpu.dma_semaphore, #tpu.memory_space<semaphore_mem>>)
    %dma_wait3A_178 = arith.constant 256 : i32
    %dma_wait3A_179 = tpu.memref_slice %arg8[%dma_wait3A_178] : memref<480xi32, #tpu.memory_space<vmem>> -> memref<32xi32, #tpu.memory_space<vmem>>
    %dma_wait3A_180 = arith.constant 0 : i32
    %dma_wait3A_181 = arith.constant 0 : i32
    %dma_wait3A_182 = tpu.memref_slice %arg2[%dma_wait3A_180, %dma_wait3A_181] : memref<61440x768xf32, #tpu.memory_space<hbm>> -> memref<61440x768xf32, #tpu.memory_space<hbm>>
    tpu.wait_indirect_dma semaphore(%arg15 : memref<!tpu.dma_semaphore, #tpu.memory_space<semaphore_mem>>) src(%dma_wait3A_182 : memref<61440x768xf32, #tpu.memory_space<hbm>>) dst(%arg10 : memref<32x768xf32, #tpu.memory_space<vmem>>)
    %add3A_183 = arith.constant 256 : i32
    %add3A_184 = arith.addi %mul3A_2, %add3A_183 : i32
    %dma_start3A_185 = arith.constant 0 : i32
    %dma_start3A_186 = tpu.memref_slice %arg6[%add3A_184, %dma_start3A_185] : memref<15360x768xf32, #tpu.memory_space<hbm>> -> memref<32x768xf32, #tpu.memory_space<hbm>>
    %dma_start3A_187 = arith.constant 0 : i32
    %dma_start3A_188 = tpu.memref_slice %arg6[%add3A_184, %dma_start3A_187] : memref<15360x768xf32, #tpu.memory_space<hbm>> -> memref<32x768xf32, #tpu.memory_space<hbm>>
    tpu.enqueue_dma source(%arg10 : memref<32x768xf32, #tpu.memory_space<vmem>>) target(%dma_start3A_188 : memref<32x768xf32, #tpu.memory_space<hbm>>) target_semaphore(%arg19 : memref<!tpu.dma_semaphore, #tpu.memory_space<semaphore_mem>>)
    %dma_wait3A_189 = arith.constant 0 : i32
    %dma_wait3A_190 = tpu.memref_slice %arg6[%add3A_164, %dma_wait3A_189] : memref<15360x768xf32, #tpu.memory_space<hbm>> -> memref<32x768xf32, #tpu.memory_space<hbm>>
    %dma_wait3A_191 = arith.constant 0 : i32
    %dma_wait3A_192 = tpu.memref_slice %arg6[%add3A_164, %dma_wait3A_191] : memref<15360x768xf32, #tpu.memory_space<hbm>> -> memref<32x768xf32, #tpu.memory_space<hbm>>
    tpu.wait_dma2 semaphore(%arg20 : memref<!tpu.dma_semaphore, #tpu.memory_space<semaphore_mem>>) src(%arg13 : memref<32x768xf32, #tpu.memory_space<vmem>>) dst(%dma_wait3A_192 : memref<32x768xf32, #tpu.memory_space<hbm>>)
    %dma_start3A_193 = arith.constant 352 : i32
    %dma_start3A_194 = tpu.memref_slice %arg8[%dma_start3A_193] : memref<480xi32, #tpu.memory_space<vmem>> -> memref<32xi32, #tpu.memory_space<vmem>>
    %dma_start3A_195 = arith.constant 0 : i32
    %dma_start3A_196 = arith.constant 0 : i32
    %dma_start3A_197 = tpu.memref_slice %arg2[%dma_start3A_195, %dma_start3A_196] : memref<61440x768xf32, #tpu.memory_space<hbm>> -> memref<61440x768xf32, #tpu.memory_space<hbm>>
    tpu.enqueue_indirect_dma source(%dma_start3A_197 : memref<61440x768xf32, #tpu.memory_space<hbm>>) target(%arg13 : memref<32x768xf32, #tpu.memory_space<vmem>>) offsets(%dma_start3A_194 : memref<32xi32, #tpu.memory_space<vmem>>) semaphore(%arg18 : memref<!tpu.dma_semaphore, #tpu.memory_space<semaphore_mem>>)
    %dma_wait3A_198 = arith.constant 288 : i32
    %dma_wait3A_199 = tpu.memref_slice %arg8[%dma_wait3A_198] : memref<480xi32, #tpu.memory_space<vmem>> -> memref<32xi32, #tpu.memory_space<vmem>>
    %dma_wait3A_200 = arith.constant 0 : i32
    %dma_wait3A_201 = arith.constant 0 : i32
    %dma_wait3A_202 = tpu.memref_slice %arg2[%dma_wait3A_200, %dma_wait3A_201] : memref<61440x768xf32, #tpu.memory_space<hbm>> -> memref<61440x768xf32, #tpu.memory_space<hbm>>
    tpu.wait_indirect_dma semaphore(%arg16 : memref<!tpu.dma_semaphore, #tpu.memory_space<semaphore_mem>>) src(%dma_wait3A_202 : memref<61440x768xf32, #tpu.memory_space<hbm>>) dst(%arg11 : memref<32x768xf32, #tpu.memory_space<vmem>>)
    %add3A_203 = arith.constant 288 : i32
    %add3A_204 = arith.addi %mul3A_2, %add3A_203 : i32
    %dma_start3A_205 = arith.constant 0 : i32
    %dma_start3A_206 = tpu.memref_slice %arg6[%add3A_204, %dma_start3A_205] : memref<15360x768xf32, #tpu.memory_space<hbm>> -> memref<32x768xf32, #tpu.memory_space<hbm>>
    %dma_start3A_207 = arith.constant 0 : i32
    %dma_start3A_208 = tpu.memref_slice %arg6[%add3A_204, %dma_start3A_207] : memref<15360x768xf32, #tpu.memory_space<hbm>> -> memref<32x768xf32, #tpu.memory_space<hbm>>
    tpu.enqueue_dma source(%arg11 : memref<32x768xf32, #tpu.memory_space<vmem>>) target(%dma_start3A_208 : memref<32x768xf32, #tpu.memory_space<hbm>>) target_semaphore(%arg20 : memref<!tpu.dma_semaphore, #tpu.memory_space<semaphore_mem>>)
    %dma_wait3A_209 = arith.constant 0 : i32
    %dma_wait3A_210 = tpu.memref_slice %arg6[%add3A_184, %dma_wait3A_209] : memref<15360x768xf32, #tpu.memory_space<hbm>> -> memref<32x768xf32, #tpu.memory_space<hbm>>
    %dma_wait3A_211 = arith.constant 0 : i32
    %dma_wait3A_212 = tpu.memref_slice %arg6[%add3A_184, %dma_wait3A_211] : memref<15360x768xf32, #tpu.memory_space<hbm>> -> memref<32x768xf32, #tpu.memory_space<hbm>>
    tpu.wait_dma2 semaphore(%arg19 : memref<!tpu.dma_semaphore, #tpu.memory_space<semaphore_mem>>) src(%arg10 : memref<32x768xf32, #tpu.memory_space<vmem>>) dst(%dma_wait3A_212 : memref<32x768xf32, #tpu.memory_space<hbm>>)
    %dma_start3A_213 = arith.constant 384 : i32
    %dma_start3A_214 = tpu.memref_slice %arg8[%dma_start3A_213] : memref<480xi32, #tpu.memory_space<vmem>> -> memref<32xi32, #tpu.memory_space<vmem>>
    %dma_start3A_215 = arith.constant 0 : i32
    %dma_start3A_216 = arith.constant 0 : i32
    %dma_start3A_217 = tpu.memref_slice %arg2[%dma_start3A_215, %dma_start3A_216] : memref<61440x768xf32, #tpu.memory_space<hbm>> -> memref<61440x768xf32, #tpu.memory_space<hbm>>
    tpu.enqueue_indirect_dma source(%dma_start3A_217 : memref<61440x768xf32, #tpu.memory_space<hbm>>) target(%arg10 : memref<32x768xf32, #tpu.memory_space<vmem>>) offsets(%dma_start3A_214 : memref<32xi32, #tpu.memory_space<vmem>>) semaphore(%arg15 : memref<!tpu.dma_semaphore, #tpu.memory_space<semaphore_mem>>)
    %dma_wait3A_218 = arith.constant 320 : i32
    %dma_wait3A_219 = tpu.memref_slice %arg8[%dma_wait3A_218] : memref<480xi32, #tpu.memory_space<vmem>> -> memref<32xi32, #tpu.memory_space<vmem>>
    %dma_wait3A_220 = arith.constant 0 : i32
    %dma_wait3A_221 = arith.constant 0 : i32
    %dma_wait3A_222 = tpu.memref_slice %arg2[%dma_wait3A_220, %dma_wait3A_221] : memref<61440x768xf32, #tpu.memory_space<hbm>> -> memref<61440x768xf32, #tpu.memory_space<hbm>>
    tpu.wait_indirect_dma semaphore(%arg17 : memref<!tpu.dma_semaphore, #tpu.memory_space<semaphore_mem>>) src(%dma_wait3A_222 : memref<61440x768xf32, #tpu.memory_space<hbm>>) dst(%arg12 : memref<32x768xf32, #tpu.memory_space<vmem>>)
    %add3A_223 = arith.constant 320 : i32
    %add3A_224 = arith.addi %mul3A_2, %add3A_223 : i32
    %dma_start3A_225 = arith.constant 0 : i32
    %dma_start3A_226 = tpu.memref_slice %arg6[%add3A_224, %dma_start3A_225] : memref<15360x768xf32, #tpu.memory_space<hbm>> -> memref<32x768xf32, #tpu.memory_space<hbm>>
    %dma_start3A_227 = arith.constant 0 : i32
    %dma_start3A_228 = tpu.memref_slice %arg6[%add3A_224, %dma_start3A_227] : memref<15360x768xf32, #tpu.memory_space<hbm>> -> memref<32x768xf32, #tpu.memory_space<hbm>>
    tpu.enqueue_dma source(%arg12 : memref<32x768xf32, #tpu.memory_space<vmem>>) target(%dma_start3A_228 : memref<32x768xf32, #tpu.memory_space<hbm>>) target_semaphore(%arg19 : memref<!tpu.dma_semaphore, #tpu.memory_space<semaphore_mem>>)
    %dma_wait3A_229 = arith.constant 0 : i32
    %dma_wait3A_230 = tpu.memref_slice %arg6[%add3A_204, %dma_wait3A_229] : memref<15360x768xf32, #tpu.memory_space<hbm>> -> memref<32x768xf32, #tpu.memory_space<hbm>>
    %dma_wait3A_231 = arith.constant 0 : i32
    %dma_wait3A_232 = tpu.memref_slice %arg6[%add3A_204, %dma_wait3A_231] : memref<15360x768xf32, #tpu.memory_space<hbm>> -> memref<32x768xf32, #tpu.memory_space<hbm>>
    tpu.wait_dma2 semaphore(%arg20 : memref<!tpu.dma_semaphore, #tpu.memory_space<semaphore_mem>>) src(%arg11 : memref<32x768xf32, #tpu.memory_space<vmem>>) dst(%dma_wait3A_232 : memref<32x768xf32, #tpu.memory_space<hbm>>)
    %dma_start3A_233 = arith.constant 416 : i32
    %dma_start3A_234 = tpu.memref_slice %arg8[%dma_start3A_233] : memref<480xi32, #tpu.memory_space<vmem>> -> memref<32xi32, #tpu.memory_space<vmem>>
    %dma_start3A_235 = arith.constant 0 : i32
    %dma_start3A_236 = arith.constant 0 : i32
    %dma_start3A_237 = tpu.memref_slice %arg2[%dma_start3A_235, %dma_start3A_236] : memref<61440x768xf32, #tpu.memory_space<hbm>> -> memref<61440x768xf32, #tpu.memory_space<hbm>>
    tpu.enqueue_indirect_dma source(%dma_start3A_237 : memref<61440x768xf32, #tpu.memory_space<hbm>>) target(%arg11 : memref<32x768xf32, #tpu.memory_space<vmem>>) offsets(%dma_start3A_234 : memref<32xi32, #tpu.memory_space<vmem>>) semaphore(%arg16 : memref<!tpu.dma_semaphore, #tpu.memory_space<semaphore_mem>>)
    %dma_wait3A_238 = arith.constant 352 : i32
    %dma_wait3A_239 = tpu.memref_slice %arg8[%dma_wait3A_238] : memref<480xi32, #tpu.memory_space<vmem>> -> memref<32xi32, #tpu.memory_space<vmem>>
    %dma_wait3A_240 = arith.constant 0 : i32
    %dma_wait3A_241 = arith.constant 0 : i32
    %dma_wait3A_242 = tpu.memref_slice %arg2[%dma_wait3A_240, %dma_wait3A_241] : memref<61440x768xf32, #tpu.memory_space<hbm>> -> memref<61440x768xf32, #tpu.memory_space<hbm>>
    tpu.wait_indirect_dma semaphore(%arg18 : memref<!tpu.dma_semaphore, #tpu.memory_space<semaphore_mem>>) src(%dma_wait3A_242 : memref<61440x768xf32, #tpu.memory_space<hbm>>) dst(%arg13 : memref<32x768xf32, #tpu.memory_space<vmem>>)
    %add3A_243 = arith.constant 352 : i32
    %add3A_244 = arith.addi %mul3A_2, %add3A_243 : i32
    %dma_start3A_245 = arith.constant 0 : i32
    %dma_start3A_246 = tpu.memref_slice %arg6[%add3A_244, %dma_start3A_245] : memref<15360x768xf32, #tpu.memory_space<hbm>> -> memref<32x768xf32, #tpu.memory_space<hbm>>
    %dma_start3A_247 = arith.constant 0 : i32
    %dma_start3A_248 = tpu.memref_slice %arg6[%add3A_244, %dma_start3A_247] : memref<15360x768xf32, #tpu.memory_space<hbm>> -> memref<32x768xf32, #tpu.memory_space<hbm>>
    tpu.enqueue_dma source(%arg13 : memref<32x768xf32, #tpu.memory_space<vmem>>) target(%dma_start3A_248 : memref<32x768xf32, #tpu.memory_space<hbm>>) target_semaphore(%arg20 : memref<!tpu.dma_semaphore, #tpu.memory_space<semaphore_mem>>)
    %dma_wait3A_249 = arith.constant 0 : i32
    %dma_wait3A_250 = tpu.memref_slice %arg6[%add3A_224, %dma_wait3A_249] : memref<15360x768xf32, #tpu.memory_space<hbm>> -> memref<32x768xf32, #tpu.memory_space<hbm>>
    %dma_wait3A_251 = arith.constant 0 : i32
    %dma_wait3A_252 = tpu.memref_slice %arg6[%add3A_224, %dma_wait3A_251] : memref<15360x768xf32, #tpu.memory_space<hbm>> -> memref<32x768xf32, #tpu.memory_space<hbm>>
    tpu.wait_dma2 semaphore(%arg19 : memref<!tpu.dma_semaphore, #tpu.memory_space<semaphore_mem>>) src(%arg12 : memref<32x768xf32, #tpu.memory_space<vmem>>) dst(%dma_wait3A_252 : memref<32x768xf32, #tpu.memory_space<hbm>>)
    %dma_start3A_253 = arith.constant 448 : i32
    %dma_start3A_254 = tpu.memref_slice %arg8[%dma_start3A_253] : memref<480xi32, #tpu.memory_space<vmem>> -> memref<32xi32, #tpu.memory_space<vmem>>
    %dma_start3A_255 = arith.constant 0 : i32
    %dma_start3A_256 = arith.constant 0 : i32
    %dma_start3A_257 = tpu.memref_slice %arg2[%dma_start3A_255, %dma_start3A_256] : memref<61440x768xf32, #tpu.memory_space<hbm>> -> memref<61440x768xf32, #tpu.memory_space<hbm>>
    tpu.enqueue_indirect_dma source(%dma_start3A_257 : memref<61440x768xf32, #tpu.memory_space<hbm>>) target(%arg12 : memref<32x768xf32, #tpu.memory_space<vmem>>) offsets(%dma_start3A_254 : memref<32xi32, #tpu.memory_space<vmem>>) semaphore(%arg17 : memref<!tpu.dma_semaphore, #tpu.memory_space<semaphore_mem>>)
    %dma_wait3A_258 = arith.constant 384 : i32
    %dma_wait3A_259 = tpu.memref_slice %arg8[%dma_wait3A_258] : memref<480xi32, #tpu.memory_space<vmem>> -> memref<32xi32, #tpu.memory_space<vmem>>
    %dma_wait3A_260 = arith.constant 0 : i32
    %dma_wait3A_261 = arith.constant 0 : i32
    %dma_wait3A_262 = tpu.memref_slice %arg2[%dma_wait3A_260, %dma_wait3A_261] : memref<61440x768xf32, #tpu.memory_space<hbm>> -> memref<61440x768xf32, #tpu.memory_space<hbm>>
    tpu.wait_indirect_dma semaphore(%arg15 : memref<!tpu.dma_semaphore, #tpu.memory_space<semaphore_mem>>) src(%dma_wait3A_262 : memref<61440x768xf32, #tpu.memory_space<hbm>>) dst(%arg10 : memref<32x768xf32, #tpu.memory_space<vmem>>)
    %add3A_263 = arith.constant 384 : i32
    %add3A_264 = arith.addi %mul3A_2, %add3A_263 : i32
    %dma_start3A_265 = arith.constant 0 : i32
    %dma_start3A_266 = tpu.memref_slice %arg6[%add3A_264, %dma_start3A_265] : memref<15360x768xf32, #tpu.memory_space<hbm>> -> memref<32x768xf32, #tpu.memory_space<hbm>>
    %dma_start3A_267 = arith.constant 0 : i32
    %dma_start3A_268 = tpu.memref_slice %arg6[%add3A_264, %dma_start3A_267] : memref<15360x768xf32, #tpu.memory_space<hbm>> -> memref<32x768xf32, #tpu.memory_space<hbm>>
    tpu.enqueue_dma source(%arg10 : memref<32x768xf32, #tpu.memory_space<vmem>>) target(%dma_start3A_268 : memref<32x768xf32, #tpu.memory_space<hbm>>) target_semaphore(%arg19 : memref<!tpu.dma_semaphore, #tpu.memory_space<semaphore_mem>>)
    %dma_wait3A_269 = arith.constant 416 : i32
    %dma_wait3A_270 = tpu.memref_slice %arg8[%dma_wait3A_269] : memref<480xi32, #tpu.memory_space<vmem>> -> memref<32xi32, #tpu.memory_space<vmem>>
    %dma_wait3A_271 = arith.constant 0 : i32
    %dma_wait3A_272 = arith.constant 0 : i32
    %dma_wait3A_273 = tpu.memref_slice %arg2[%dma_wait3A_271, %dma_wait3A_272] : memref<61440x768xf32, #tpu.memory_space<hbm>> -> memref<61440x768xf32, #tpu.memory_space<hbm>>
    tpu.wait_indirect_dma semaphore(%arg16 : memref<!tpu.dma_semaphore, #tpu.memory_space<semaphore_mem>>) src(%dma_wait3A_273 : memref<61440x768xf32, #tpu.memory_space<hbm>>) dst(%arg11 : memref<32x768xf32, #tpu.memory_space<vmem>>)
    %add3A_274 = arith.constant 416 : i32
    %add3A_275 = arith.addi %mul3A_2, %add3A_274 : i32
    %dma_start3A_276 = arith.constant 0 : i32
    %dma_start3A_277 = tpu.memref_slice %arg6[%add3A_275, %dma_start3A_276] : memref<15360x768xf32, #tpu.memory_space<hbm>> -> memref<32x768xf32, #tpu.memory_space<hbm>>
    %dma_start3A_278 = arith.constant 0 : i32
    %dma_start3A_279 = tpu.memref_slice %arg6[%add3A_275, %dma_start3A_278] : memref<15360x768xf32, #tpu.memory_space<hbm>> -> memref<32x768xf32, #tpu.memory_space<hbm>>
    tpu.enqueue_dma source(%arg11 : memref<32x768xf32, #tpu.memory_space<vmem>>) target(%dma_start3A_279 : memref<32x768xf32, #tpu.memory_space<hbm>>) target_semaphore(%arg20 : memref<!tpu.dma_semaphore, #tpu.memory_space<semaphore_mem>>)
    %dma_wait3A_280 = arith.constant 448 : i32
    %dma_wait3A_281 = tpu.memref_slice %arg8[%dma_wait3A_280] : memref<480xi32, #tpu.memory_space<vmem>> -> memref<32xi32, #tpu.memory_space<vmem>>
    %dma_wait3A_282 = arith.constant 0 : i32
    %dma_wait3A_283 = arith.constant 0 : i32
    %dma_wait3A_284 = tpu.memref_slice %arg2[%dma_wait3A_282, %dma_wait3A_283] : memref<61440x768xf32, #tpu.memory_space<hbm>> -> memref<61440x768xf32, #tpu.memory_space<hbm>>
    tpu.wait_indirect_dma semaphore(%arg17 : memref<!tpu.dma_semaphore, #tpu.memory_space<semaphore_mem>>) src(%dma_wait3A_284 : memref<61440x768xf32, #tpu.memory_space<hbm>>) dst(%arg12 : memref<32x768xf32, #tpu.memory_space<vmem>>)
    %add3A_285 = arith.constant 448 : i32
    %add3A_286 = arith.addi %mul3A_2, %add3A_285 : i32
    %dma_start3A_287 = arith.constant 0 : i32
    %dma_start3A_288 = tpu.memref_slice %arg6[%add3A_286, %dma_start3A_287] : memref<15360x768xf32, #tpu.memory_space<hbm>> -> memref<32x768xf32, #tpu.memory_space<hbm>>
    %dma_start3A_289 = arith.constant 0 : i32
    %dma_start3A_290 = tpu.memref_slice %arg6[%add3A_286, %dma_start3A_289] : memref<15360x768xf32, #tpu.memory_space<hbm>> -> memref<32x768xf32, #tpu.memory_space<hbm>>
    tpu.enqueue_dma source(%arg12 : memref<32x768xf32, #tpu.memory_space<vmem>>) target(%dma_start3A_290 : memref<32x768xf32, #tpu.memory_space<hbm>>) target_semaphore(%arg19 : memref<!tpu.dma_semaphore, #tpu.memory_space<semaphore_mem>>)
    %dma_wait3A_291 = arith.constant 0 : i32
    %dma_wait3A_292 = tpu.memref_slice %arg6[%add3A_244, %dma_wait3A_291] : memref<15360x768xf32, #tpu.memory_space<hbm>> -> memref<32x768xf32, #tpu.memory_space<hbm>>
    %dma_wait3A_293 = arith.constant 0 : i32
    %dma_wait3A_294 = tpu.memref_slice %arg6[%add3A_244, %dma_wait3A_293] : memref<15360x768xf32, #tpu.memory_space<hbm>> -> memref<32x768xf32, #tpu.memory_space<hbm>>
    tpu.wait_dma2 semaphore(%arg20 : memref<!tpu.dma_semaphore, #tpu.memory_space<semaphore_mem>>) src(%arg13 : memref<32x768xf32, #tpu.memory_space<vmem>>) dst(%dma_wait3A_294 : memref<32x768xf32, #tpu.memory_space<hbm>>)
    %dma_wait3A_295 = arith.constant 0 : i32
    %dma_wait3A_296 = tpu.memref_slice %arg6[%add3A_264, %dma_wait3A_295] : memref<15360x768xf32, #tpu.memory_space<hbm>> -> memref<32x768xf32, #tpu.memory_space<hbm>>
    %dma_wait3A_297 = arith.constant 0 : i32
    %dma_wait3A_298 = tpu.memref_slice %arg6[%add3A_264, %dma_wait3A_297] : memref<15360x768xf32, #tpu.memory_space<hbm>> -> memref<32x768xf32, #tpu.memory_space<hbm>>
    tpu.wait_dma2 semaphore(%arg19 : memref<!tpu.dma_semaphore, #tpu.memory_space<semaphore_mem>>) src(%arg10 : memref<32x768xf32, #tpu.memory_space<vmem>>) dst(%dma_wait3A_298 : memref<32x768xf32, #tpu.memory_space<hbm>>)
    %dma_wait3A_299 = arith.constant 0 : i32
    %dma_wait3A_300 = tpu.memref_slice %arg6[%add3A_275, %dma_wait3A_299] : memref<15360x768xf32, #tpu.memory_space<hbm>> -> memref<32x768xf32, #tpu.memory_space<hbm>>
    %dma_wait3A_301 = arith.constant 0 : i32
    %dma_wait3A_302 = tpu.memref_slice %arg6[%add3A_275, %dma_wait3A_301] : memref<15360x768xf32, #tpu.memory_space<hbm>> -> memref<32x768xf32, #tpu.memory_space<hbm>>
    tpu.wait_dma2 semaphore(%arg20 : memref<!tpu.dma_semaphore, #tpu.memory_space<semaphore_mem>>) src(%arg11 : memref<32x768xf32, #tpu.memory_space<vmem>>) dst(%dma_wait3A_302 : memref<32x768xf32, #tpu.memory_space<hbm>>)
    %dma_wait3A_303 = arith.constant 0 : i32
    %dma_wait3A_304 = tpu.memref_slice %arg6[%add3A_286, %dma_wait3A_303] : memref<15360x768xf32, #tpu.memory_space<hbm>> -> memref<32x768xf32, #tpu.memory_space<hbm>>
    %dma_wait3A_305 = arith.constant 0 : i32
    %dma_wait3A_306 = tpu.memref_slice %arg6[%add3A_286, %dma_wait3A_305] : memref<15360x768xf32, #tpu.memory_space<hbm>> -> memref<32x768xf32, #tpu.memory_space<hbm>>
    tpu.wait_dma2 semaphore(%arg19 : memref<!tpu.dma_semaphore, #tpu.memory_space<semaphore_mem>>) src(%arg12 : memref<32x768xf32, #tpu.memory_space<vmem>>) dst(%dma_wait3A_306 : memref<32x768xf32, #tpu.memory_space<hbm>>)
    %dma_wait3A_307 = tpu.memref_slice %arg9[%mul3A_4] : memref<256xi32, #tpu.memory_space<vmem>> -> memref<8xi32, #tpu.memory_space<vmem>>
    %dma_wait3A_308 = arith.constant 0 : i32
    %dma_wait3A_309 = arith.constant 0 : i32
    %dma_wait3A_310 = tpu.memref_slice %arg3[%dma_wait3A_308, %dma_wait3A_309] : memref<1024x768xf32, #tpu.memory_space<hbm>> -> memref<1024x768xf32, #tpu.memory_space<hbm>>
    tpu.wait_indirect_dma semaphore(%arg21 : memref<!tpu.dma_semaphore, #tpu.memory_space<semaphore_mem>>) src(%dma_wait3A_310 : memref<1024x768xf32, #tpu.memory_space<hbm>>) dst(%arg14 : memref<8x768xf32, #tpu.memory_space<vmem>>)
    %mul3A_311 = arith.constant 8 : i32
    %mul3A_312 = arith.muli %add3A, %mul3A_311 : i32
    "tpu.region"() ({
      %run_scoped3A = tpu.sem_alloc : memref<!tpu.dma_semaphore, #tpu.memory_space<semaphore_mem>>
      %dma_start3A_313 = arith.constant 0 : i32
      %dma_start3A_314 = tpu.memref_slice %arg7[%mul3A_312, %dma_start3A_313] : memref<256x768xf32, #tpu.memory_space<hbm>> -> memref<8x768xf32, #tpu.memory_space<hbm>>
      %dma_start3A_315 = arith.constant 0 : i32
      %dma_start3A_316 = tpu.memref_slice %arg7[%mul3A_312, %dma_start3A_315] : memref<256x768xf32, #tpu.memory_space<hbm>> -> memref<8x768xf32, #tpu.memory_space<hbm>>
      tpu.enqueue_dma source(%arg14 : memref<8x768xf32, #tpu.memory_space<vmem>>) target(%dma_start3A_316 : memref<8x768xf32, #tpu.memory_space<hbm>>) target_semaphore(%run_scoped3A : memref<!tpu.dma_semaphore, #tpu.memory_space<semaphore_mem>>)
      %dma_wait3A_317 = arith.constant 0 : i32
      %dma_wait3A_318 = tpu.memref_slice %arg7[%mul3A_312, %dma_wait3A_317] : memref<256x768xf32, #tpu.memory_space<hbm>> -> memref<8x768xf32, #tpu.memory_space<hbm>>
      %dma_wait3A_319 = arith.constant 0 : i32
      %dma_wait3A_320 = tpu.memref_slice %arg7[%mul3A_312, %dma_wait3A_319] : memref<256x768xf32, #tpu.memory_space<hbm>> -> memref<8x768xf32, #tpu.memory_space<hbm>>
      tpu.wait_dma2 semaphore(%run_scoped3A : memref<!tpu.dma_semaphore, #tpu.memory_space<semaphore_mem>>) src(%arg14 : memref<8x768xf32, #tpu.memory_space<vmem>>) dst(%dma_wait3A_320 : memref<8x768xf32, #tpu.memory_space<hbm>>)
      tpu.yield
    }) : () -> ()
    return
  }
}

module attributes {stable_mosaic.version = 14 : i64} {
  func.func @fused(%arg0: i32, %arg1: memref<32x2048x768xf32, #tpu.memory_space<any>>, %arg2: memref<1024x768xf32, #tpu.memory_space<any>>, %arg3: memref<32x1024xf32, #tpu.memory_space<any>>, %arg4: memref<32x8xi32, #tpu.memory_space<any>>, %arg5: memref<1024x768xf32, #tpu.memory_space<any>>, %arg6: memref<1x1xf32, #tpu.memory_space<any>>, %arg7: memref<1024x768xf32, #tpu.memory_space<vmem>>, %arg8: memref<1x2048x768xf32, #tpu.memory_space<vmem>>, %arg9: memref<1x2048x768xf32, #tpu.memory_space<vmem>>, %arg10: memref<32x768xf32, #tpu.memory_space<vmem>>, %arg11: memref<32x1024xf32, #tpu.memory_space<vmem>>, %arg12: memref<32x8xi32, #tpu.memory_space<vmem>>, %arg13: memref<1x1xf32, #tpu.memory_space<vmem>>, %arg14: memref<!tpu.dma_semaphore, #tpu.memory_space<semaphore_mem>>, %arg15: memref<!tpu.dma_semaphore, #tpu.memory_space<semaphore_mem>>, %arg16: memref<!tpu.dma_semaphore, #tpu.memory_space<semaphore_mem>>, %arg17: memref<!tpu.dma_semaphore, #tpu.memory_space<semaphore_mem>>) attributes {dimension_semantics = [#tpu.dimension_semantics<parallel>], iteration_bounds = array<i64: 1>, scalar_prefetch = 0 : i64, scratch_operands = 11 : i64, tpu.core_type = #tpu.core_type<tc>, window_params = [{}, {}, {}, {}, {}, {}]} {
    %mul3A = arith.constant 32 : i32
    %mul3A_0 = arith.muli %arg0, %mul3A : i32
    tpu.enqueue_dma source(%arg2 : memref<1024x768xf32, #tpu.memory_space<any>>) target(%arg7 : memref<1024x768xf32, #tpu.memory_space<vmem>>) target_semaphore(%arg14 : memref<!tpu.dma_semaphore, #tpu.memory_space<semaphore_mem>>)
    %add3A = arith.constant 0 : i32
    %add3A_1 = arith.addi %mul3A_0, %add3A : i32
    %dma_start3A = arith.constant 0 : i32
    %dma_start3A_2 = arith.constant 0 : i32
    %dma_start3A_3 = tpu.memref_slice %arg1[%add3A_1, %dma_start3A, %dma_start3A_2] : memref<32x2048x768xf32, #tpu.memory_space<any>> -> memref<1x2048x768xf32, #tpu.memory_space<any>>
    tpu.enqueue_dma source(%dma_start3A_3 : memref<1x2048x768xf32, #tpu.memory_space<any>>) target(%arg8 : memref<1x2048x768xf32, #tpu.memory_space<vmem>>) target_semaphore(%arg15 : memref<!tpu.dma_semaphore, #tpu.memory_space<semaphore_mem>>)
    %add3A_4 = arith.constant 1 : i32
    %add3A_5 = arith.addi %mul3A_0, %add3A_4 : i32
    %dma_start3A_6 = arith.constant 0 : i32
    %dma_start3A_7 = arith.constant 0 : i32
    %dma_start3A_8 = tpu.memref_slice %arg1[%add3A_5, %dma_start3A_6, %dma_start3A_7] : memref<32x2048x768xf32, #tpu.memory_space<any>> -> memref<1x2048x768xf32, #tpu.memory_space<any>>
    tpu.enqueue_dma source(%dma_start3A_8 : memref<1x2048x768xf32, #tpu.memory_space<any>>) target(%arg9 : memref<1x2048x768xf32, #tpu.memory_space<vmem>>) target_semaphore(%arg16 : memref<!tpu.dma_semaphore, #tpu.memory_space<semaphore_mem>>)
    %dma_wait3A = arith.constant 0 : i32
    %dma_wait3A_9 = arith.constant 0 : i32
    %dma_wait3A_10 = tpu.memref_slice %arg1[%add3A_1, %dma_wait3A, %dma_wait3A_9] : memref<32x2048x768xf32, #tpu.memory_space<any>> -> memref<1x2048x768xf32, #tpu.memory_space<any>>
    tpu.wait_dma2 semaphore(%arg15 : memref<!tpu.dma_semaphore, #tpu.memory_space<semaphore_mem>>) src(%dma_wait3A_10 : memref<1x2048x768xf32, #tpu.memory_space<any>>) dst(%arg8 : memref<1x2048x768xf32, #tpu.memory_space<vmem>>)
    %get3A = arith.constant 0 : index
    %get3A_11 = arith.constant 0 : index
    %get3A_12 = arith.constant 0 : index
    %get3A_13 = vector.load %arg8[%get3A, %get3A_11, %get3A_12] : memref<1x2048x768xf32, #tpu.memory_space<vmem>>, vector<1x2048x768xf32>
    %get3A_14 = vector.shape_cast %get3A_13 : vector<1x2048x768xf32> to vector<2048x768xf32>
    %reduce_sum3A = arith.constant dense<0.000000e+00> : vector<768xf32>
    %reduce_sum3A_15 = vector.multi_reduction <add>, %get3A_14, %reduce_sum3A [0] : vector<2048x768xf32> to vector<768xf32>
    %broadcast_in_dim3A = vector.shape_cast %reduce_sum3A_15 : vector<768xf32> to vector<1x768xf32>
    %mul3A_16 = arith.constant 4.8828125E-4 : f32
    %mul3A_17 = vector.broadcast %mul3A_16 : f32 to vector<1x768xf32>
    %mul3A_18 = arith.mulf %broadcast_in_dim3A, %mul3A_17 : vector<1x768xf32>
    %swap3A = arith.constant 0 : index
    %swap3A_19 = arith.constant 0 : index
    %swap3A_20 = vector.load %arg10[%swap3A, %swap3A_19] : memref<32x768xf32, #tpu.memory_space<vmem>>, vector<1x768xf32>
    tpu.vector_store %arg10[%swap3A, %swap3A_19], %mul3A_18 {strides = array<i32>} : memref<32x768xf32, #tpu.memory_space<vmem>>, vector<1x768xf32>,
    %add3A_21 = arith.constant 2 : i32
    %add3A_22 = arith.addi %mul3A_0, %add3A_21 : i32
    %dma_start3A_23 = arith.constant 0 : i32
    %dma_start3A_24 = arith.constant 0 : i32
    %dma_start3A_25 = tpu.memref_slice %arg1[%add3A_22, %dma_start3A_23, %dma_start3A_24] : memref<32x2048x768xf32, #tpu.memory_space<any>> -> memref<1x2048x768xf32, #tpu.memory_space<any>>
    tpu.enqueue_dma source(%dma_start3A_25 : memref<1x2048x768xf32, #tpu.memory_space<any>>) target(%arg8 : memref<1x2048x768xf32, #tpu.memory_space<vmem>>) target_semaphore(%arg15 : memref<!tpu.dma_semaphore, #tpu.memory_space<semaphore_mem>>)
    %dma_wait3A_26 = arith.constant 0 : i32
    %dma_wait3A_27 = arith.constant 0 : i32
    %dma_wait3A_28 = tpu.memref_slice %arg1[%add3A_5, %dma_wait3A_26, %dma_wait3A_27] : memref<32x2048x768xf32, #tpu.memory_space<any>> -> memref<1x2048x768xf32, #tpu.memory_space<any>>
    tpu.wait_dma2 semaphore(%arg16 : memref<!tpu.dma_semaphore, #tpu.memory_space<semaphore_mem>>) src(%dma_wait3A_28 : memref<1x2048x768xf32, #tpu.memory_space<any>>) dst(%arg9 : memref<1x2048x768xf32, #tpu.memory_space<vmem>>)
    %get3A_29 = arith.constant 0 : index
    %get3A_30 = arith.constant 0 : index
    %get3A_31 = arith.constant 0 : index
    %get3A_32 = vector.load %arg9[%get3A_29, %get3A_30, %get3A_31] : memref<1x2048x768xf32, #tpu.memory_space<vmem>>, vector<1x2048x768xf32>
    %get3A_33 = vector.shape_cast %get3A_32 : vector<1x2048x768xf32> to vector<2048x768xf32>
    %reduce_sum3A_34 = arith.constant dense<0.000000e+00> : vector<768xf32>
    %reduce_sum3A_35 = vector.multi_reduction <add>, %get3A_33, %reduce_sum3A_34 [0] : vector<2048x768xf32> to vector<768xf32>
    %broadcast_in_dim3A_36 = vector.shape_cast %reduce_sum3A_35 : vector<768xf32> to vector<1x768xf32>
    %mul3A_37 = arith.constant 4.8828125E-4 : f32
    %mul3A_38 = vector.broadcast %mul3A_37 : f32 to vector<1x768xf32>
    %mul3A_39 = arith.mulf %broadcast_in_dim3A_36, %mul3A_38 : vector<1x768xf32>
    %swap3A_40 = arith.constant 1 : index
    %swap3A_41 = arith.constant 0 : index
    %swap3A_42 = vector.load %arg10[%swap3A_40, %swap3A_41] : memref<32x768xf32, #tpu.memory_space<vmem>>, vector<1x768xf32>
    tpu.vector_store %arg10[%swap3A_40, %swap3A_41], %mul3A_39 {strides = array<i32>} : memref<32x768xf32, #tpu.memory_space<vmem>>, vector<1x768xf32>,
    %add3A_43 = arith.constant 3 : i32
    %add3A_44 = arith.addi %mul3A_0, %add3A_43 : i32
    %dma_start3A_45 = arith.constant 0 : i32
    %dma_start3A_46 = arith.constant 0 : i32
    %dma_start3A_47 = tpu.memref_slice %arg1[%add3A_44, %dma_start3A_45, %dma_start3A_46] : memref<32x2048x768xf32, #tpu.memory_space<any>> -> memref<1x2048x768xf32, #tpu.memory_space<any>>
    tpu.enqueue_dma source(%dma_start3A_47 : memref<1x2048x768xf32, #tpu.memory_space<any>>) target(%arg9 : memref<1x2048x768xf32, #tpu.memory_space<vmem>>) target_semaphore(%arg16 : memref<!tpu.dma_semaphore, #tpu.memory_space<semaphore_mem>>)
    %dma_wait3A_48 = arith.constant 0 : i32
    %dma_wait3A_49 = arith.constant 0 : i32
    %dma_wait3A_50 = tpu.memref_slice %arg1[%add3A_22, %dma_wait3A_48, %dma_wait3A_49] : memref<32x2048x768xf32, #tpu.memory_space<any>> -> memref<1x2048x768xf32, #tpu.memory_space<any>>
    tpu.wait_dma2 semaphore(%arg15 : memref<!tpu.dma_semaphore, #tpu.memory_space<semaphore_mem>>) src(%dma_wait3A_50 : memref<1x2048x768xf32, #tpu.memory_space<any>>) dst(%arg8 : memref<1x2048x768xf32, #tpu.memory_space<vmem>>)
    %get3A_51 = arith.constant 0 : index
    %get3A_52 = arith.constant 0 : index
    %get3A_53 = arith.constant 0 : index
    %get3A_54 = vector.load %arg8[%get3A_51, %get3A_52, %get3A_53] : memref<1x2048x768xf32, #tpu.memory_space<vmem>>, vector<1x2048x768xf32>
    %get3A_55 = vector.shape_cast %get3A_54 : vector<1x2048x768xf32> to vector<2048x768xf32>
    %reduce_sum3A_56 = arith.constant dense<0.000000e+00> : vector<768xf32>
    %reduce_sum3A_57 = vector.multi_reduction <add>, %get3A_55, %reduce_sum3A_56 [0] : vector<2048x768xf32> to vector<768xf32>
    %broadcast_in_dim3A_58 = vector.shape_cast %reduce_sum3A_57 : vector<768xf32> to vector<1x768xf32>
    %mul3A_59 = arith.constant 4.8828125E-4 : f32
    %mul3A_60 = vector.broadcast %mul3A_59 : f32 to vector<1x768xf32>
    %mul3A_61 = arith.mulf %broadcast_in_dim3A_58, %mul3A_60 : vector<1x768xf32>
    %swap3A_62 = arith.constant 2 : index
    %swap3A_63 = arith.constant 0 : index
    %swap3A_64 = vector.load %arg10[%swap3A_62, %swap3A_63] : memref<32x768xf32, #tpu.memory_space<vmem>>, vector<1x768xf32>
    tpu.vector_store %arg10[%swap3A_62, %swap3A_63], %mul3A_61 {strides = array<i32>} : memref<32x768xf32, #tpu.memory_space<vmem>>, vector<1x768xf32>,
    %add3A_65 = arith.constant 4 : i32
    %add3A_66 = arith.addi %mul3A_0, %add3A_65 : i32
    %dma_start3A_67 = arith.constant 0 : i32
    %dma_start3A_68 = arith.constant 0 : i32
    %dma_start3A_69 = tpu.memref_slice %arg1[%add3A_66, %dma_start3A_67, %dma_start3A_68] : memref<32x2048x768xf32, #tpu.memory_space<any>> -> memref<1x2048x768xf32, #tpu.memory_space<any>>
    tpu.enqueue_dma source(%dma_start3A_69 : memref<1x2048x768xf32, #tpu.memory_space<any>>) target(%arg8 : memref<1x2048x768xf32, #tpu.memory_space<vmem>>) target_semaphore(%arg15 : memref<!tpu.dma_semaphore, #tpu.memory_space<semaphore_mem>>)
    %dma_wait3A_70 = arith.constant 0 : i32
    %dma_wait3A_71 = arith.constant 0 : i32
    %dma_wait3A_72 = tpu.memref_slice %arg1[%add3A_44, %dma_wait3A_70, %dma_wait3A_71] : memref<32x2048x768xf32, #tpu.memory_space<any>> -> memref<1x2048x768xf32, #tpu.memory_space<any>>
    tpu.wait_dma2 semaphore(%arg16 : memref<!tpu.dma_semaphore, #tpu.memory_space<semaphore_mem>>) src(%dma_wait3A_72 : memref<1x2048x768xf32, #tpu.memory_space<any>>) dst(%arg9 : memref<1x2048x768xf32, #tpu.memory_space<vmem>>)
    %get3A_73 = arith.constant 0 : index
    %get3A_74 = arith.constant 0 : index
    %get3A_75 = arith.constant 0 : index
    %get3A_76 = vector.load %arg9[%get3A_73, %get3A_74, %get3A_75] : memref<1x2048x768xf32, #tpu.memory_space<vmem>>, vector<1x2048x768xf32>
    %get3A_77 = vector.shape_cast %get3A_76 : vector<1x2048x768xf32> to vector<2048x768xf32>
    %reduce_sum3A_78 = arith.constant dense<0.000000e+00> : vector<768xf32>
    %reduce_sum3A_79 = vector.multi_reduction <add>, %get3A_77, %reduce_sum3A_78 [0] : vector<2048x768xf32> to vector<768xf32>
    %broadcast_in_dim3A_80 = vector.shape_cast %reduce_sum3A_79 : vector<768xf32> to vector<1x768xf32>
    %mul3A_81 = arith.constant 4.8828125E-4 : f32
    %mul3A_82 = vector.broadcast %mul3A_81 : f32 to vector<1x768xf32>
    %mul3A_83 = arith.mulf %broadcast_in_dim3A_80, %mul3A_82 : vector<1x768xf32>
    %swap3A_84 = arith.constant 3 : index
    %swap3A_85 = arith.constant 0 : index
    %swap3A_86 = vector.load %arg10[%swap3A_84, %swap3A_85] : memref<32x768xf32, #tpu.memory_space<vmem>>, vector<1x768xf32>
    tpu.vector_store %arg10[%swap3A_84, %swap3A_85], %mul3A_83 {strides = array<i32>} : memref<32x768xf32, #tpu.memory_space<vmem>>, vector<1x768xf32>,
    %add3A_87 = arith.constant 5 : i32
    %add3A_88 = arith.addi %mul3A_0, %add3A_87 : i32
    %dma_start3A_89 = arith.constant 0 : i32
    %dma_start3A_90 = arith.constant 0 : i32
    %dma_start3A_91 = tpu.memref_slice %arg1[%add3A_88, %dma_start3A_89, %dma_start3A_90] : memref<32x2048x768xf32, #tpu.memory_space<any>> -> memref<1x2048x768xf32, #tpu.memory_space<any>>
    tpu.enqueue_dma source(%dma_start3A_91 : memref<1x2048x768xf32, #tpu.memory_space<any>>) target(%arg9 : memref<1x2048x768xf32, #tpu.memory_space<vmem>>) target_semaphore(%arg16 : memref<!tpu.dma_semaphore, #tpu.memory_space<semaphore_mem>>)
    %dma_wait3A_92 = arith.constant 0 : i32
    %dma_wait3A_93 = arith.constant 0 : i32
    %dma_wait3A_94 = tpu.memref_slice %arg1[%add3A_66, %dma_wait3A_92, %dma_wait3A_93] : memref<32x2048x768xf32, #tpu.memory_space<any>> -> memref<1x2048x768xf32, #tpu.memory_space<any>>
    tpu.wait_dma2 semaphore(%arg15 : memref<!tpu.dma_semaphore, #tpu.memory_space<semaphore_mem>>) src(%dma_wait3A_94 : memref<1x2048x768xf32, #tpu.memory_space<any>>) dst(%arg8 : memref<1x2048x768xf32, #tpu.memory_space<vmem>>)
    %get3A_95 = arith.constant 0 : index
    %get3A_96 = arith.constant 0 : index
    %get3A_97 = arith.constant 0 : index
    %get3A_98 = vector.load %arg8[%get3A_95, %get3A_96, %get3A_97] : memref<1x2048x768xf32, #tpu.memory_space<vmem>>, vector<1x2048x768xf32>
    %get3A_99 = vector.shape_cast %get3A_98 : vector<1x2048x768xf32> to vector<2048x768xf32>
    %reduce_sum3A_100 = arith.constant dense<0.000000e+00> : vector<768xf32>
    %reduce_sum3A_101 = vector.multi_reduction <add>, %get3A_99, %reduce_sum3A_100 [0] : vector<2048x768xf32> to vector<768xf32>
    %broadcast_in_dim3A_102 = vector.shape_cast %reduce_sum3A_101 : vector<768xf32> to vector<1x768xf32>
    %mul3A_103 = arith.constant 4.8828125E-4 : f32
    %mul3A_104 = vector.broadcast %mul3A_103 : f32 to vector<1x768xf32>
    %mul3A_105 = arith.mulf %broadcast_in_dim3A_102, %mul3A_104 : vector<1x768xf32>
    %swap3A_106 = arith.constant 4 : index
    %swap3A_107 = arith.constant 0 : index
    %swap3A_108 = vector.load %arg10[%swap3A_106, %swap3A_107] : memref<32x768xf32, #tpu.memory_space<vmem>>, vector<1x768xf32>
    tpu.vector_store %arg10[%swap3A_106, %swap3A_107], %mul3A_105 {strides = array<i32>} : memref<32x768xf32, #tpu.memory_space<vmem>>, vector<1x768xf32>,
    %add3A_109 = arith.constant 6 : i32
    %add3A_110 = arith.addi %mul3A_0, %add3A_109 : i32
    %dma_start3A_111 = arith.constant 0 : i32
    %dma_start3A_112 = arith.constant 0 : i32
    %dma_start3A_113 = tpu.memref_slice %arg1[%add3A_110, %dma_start3A_111, %dma_start3A_112] : memref<32x2048x768xf32, #tpu.memory_space<any>> -> memref<1x2048x768xf32, #tpu.memory_space<any>>
    tpu.enqueue_dma source(%dma_start3A_113 : memref<1x2048x768xf32, #tpu.memory_space<any>>) target(%arg8 : memref<1x2048x768xf32, #tpu.memory_space<vmem>>) target_semaphore(%arg15 : memref<!tpu.dma_semaphore, #tpu.memory_space<semaphore_mem>>)
    %dma_wait3A_114 = arith.constant 0 : i32
    %dma_wait3A_115 = arith.constant 0 : i32
    %dma_wait3A_116 = tpu.memref_slice %arg1[%add3A_88, %dma_wait3A_114, %dma_wait3A_115] : memref<32x2048x768xf32, #tpu.memory_space<any>> -> memref<1x2048x768xf32, #tpu.memory_space<any>>
    tpu.wait_dma2 semaphore(%arg16 : memref<!tpu.dma_semaphore, #tpu.memory_space<semaphore_mem>>) src(%dma_wait3A_116 : memref<1x2048x768xf32, #tpu.memory_space<any>>) dst(%arg9 : memref<1x2048x768xf32, #tpu.memory_space<vmem>>)
    %get3A_117 = arith.constant 0 : index
    %get3A_118 = arith.constant 0 : index
    %get3A_119 = arith.constant 0 : index
    %get3A_120 = vector.load %arg9[%get3A_117, %get3A_118, %get3A_119] : memref<1x2048x768xf32, #tpu.memory_space<vmem>>, vector<1x2048x768xf32>
    %get3A_121 = vector.shape_cast %get3A_120 : vector<1x2048x768xf32> to vector<2048x768xf32>
    %reduce_sum3A_122 = arith.constant dense<0.000000e+00> : vector<768xf32>
    %reduce_sum3A_123 = vector.multi_reduction <add>, %get3A_121, %reduce_sum3A_122 [0] : vector<2048x768xf32> to vector<768xf32>
    %broadcast_in_dim3A_124 = vector.shape_cast %reduce_sum3A_123 : vector<768xf32> to vector<1x768xf32>
    %mul3A_125 = arith.constant 4.8828125E-4 : f32
    %mul3A_126 = vector.broadcast %mul3A_125 : f32 to vector<1x768xf32>
    %mul3A_127 = arith.mulf %broadcast_in_dim3A_124, %mul3A_126 : vector<1x768xf32>
    %swap3A_128 = arith.constant 5 : index
    %swap3A_129 = arith.constant 0 : index
    %swap3A_130 = vector.load %arg10[%swap3A_128, %swap3A_129] : memref<32x768xf32, #tpu.memory_space<vmem>>, vector<1x768xf32>
    tpu.vector_store %arg10[%swap3A_128, %swap3A_129], %mul3A_127 {strides = array<i32>} : memref<32x768xf32, #tpu.memory_space<vmem>>, vector<1x768xf32>,
    %add3A_131 = arith.constant 7 : i32
    %add3A_132 = arith.addi %mul3A_0, %add3A_131 : i32
    %dma_start3A_133 = arith.constant 0 : i32
    %dma_start3A_134 = arith.constant 0 : i32
    %dma_start3A_135 = tpu.memref_slice %arg1[%add3A_132, %dma_start3A_133, %dma_start3A_134] : memref<32x2048x768xf32, #tpu.memory_space<any>> -> memref<1x2048x768xf32, #tpu.memory_space<any>>
    tpu.enqueue_dma source(%dma_start3A_135 : memref<1x2048x768xf32, #tpu.memory_space<any>>) target(%arg9 : memref<1x2048x768xf32, #tpu.memory_space<vmem>>) target_semaphore(%arg16 : memref<!tpu.dma_semaphore, #tpu.memory_space<semaphore_mem>>)
    %dma_wait3A_136 = arith.constant 0 : i32
    %dma_wait3A_137 = arith.constant 0 : i32
    %dma_wait3A_138 = tpu.memref_slice %arg1[%add3A_110, %dma_wait3A_136, %dma_wait3A_137] : memref<32x2048x768xf32, #tpu.memory_space<any>> -> memref<1x2048x768xf32, #tpu.memory_space<any>>
    tpu.wait_dma2 semaphore(%arg15 : memref<!tpu.dma_semaphore, #tpu.memory_space<semaphore_mem>>) src(%dma_wait3A_138 : memref<1x2048x768xf32, #tpu.memory_space<any>>) dst(%arg8 : memref<1x2048x768xf32, #tpu.memory_space<vmem>>)
    %get3A_139 = arith.constant 0 : index
    %get3A_140 = arith.constant 0 : index
    %get3A_141 = arith.constant 0 : index
    %get3A_142 = vector.load %arg8[%get3A_139, %get3A_140, %get3A_141] : memref<1x2048x768xf32, #tpu.memory_space<vmem>>, vector<1x2048x768xf32>
    %get3A_143 = vector.shape_cast %get3A_142 : vector<1x2048x768xf32> to vector<2048x768xf32>
    %reduce_sum3A_144 = arith.constant dense<0.000000e+00> : vector<768xf32>
    %reduce_sum3A_145 = vector.multi_reduction <add>, %get3A_143, %reduce_sum3A_144 [0] : vector<2048x768xf32> to vector<768xf32>
    %broadcast_in_dim3A_146 = vector.shape_cast %reduce_sum3A_145 : vector<768xf32> to vector<1x768xf32>
    %mul3A_147 = arith.constant 4.8828125E-4 : f32
    %mul3A_148 = vector.broadcast %mul3A_147 : f32 to vector<1x768xf32>
    %mul3A_149 = arith.mulf %broadcast_in_dim3A_146, %mul3A_148 : vector<1x768xf32>
    %swap3A_150 = arith.constant 6 : index
    %swap3A_151 = arith.constant 0 : index
    %swap3A_152 = vector.load %arg10[%swap3A_150, %swap3A_151] : memref<32x768xf32, #tpu.memory_space<vmem>>, vector<1x768xf32>
    tpu.vector_store %arg10[%swap3A_150, %swap3A_151], %mul3A_149 {strides = array<i32>} : memref<32x768xf32, #tpu.memory_space<vmem>>, vector<1x768xf32>,
    %add3A_153 = arith.constant 8 : i32
    %add3A_154 = arith.addi %mul3A_0, %add3A_153 : i32
    %dma_start3A_155 = arith.constant 0 : i32
    %dma_start3A_156 = arith.constant 0 : i32
    %dma_start3A_157 = tpu.memref_slice %arg1[%add3A_154, %dma_start3A_155, %dma_start3A_156] : memref<32x2048x768xf32, #tpu.memory_space<any>> -> memref<1x2048x768xf32, #tpu.memory_space<any>>
    tpu.enqueue_dma source(%dma_start3A_157 : memref<1x2048x768xf32, #tpu.memory_space<any>>) target(%arg8 : memref<1x2048x768xf32, #tpu.memory_space<vmem>>) target_semaphore(%arg15 : memref<!tpu.dma_semaphore, #tpu.memory_space<semaphore_mem>>)
    %dma_wait3A_158 = arith.constant 0 : i32
    %dma_wait3A_159 = arith.constant 0 : i32
    %dma_wait3A_160 = tpu.memref_slice %arg1[%add3A_132, %dma_wait3A_158, %dma_wait3A_159] : memref<32x2048x768xf32, #tpu.memory_space<any>> -> memref<1x2048x768xf32, #tpu.memory_space<any>>
    tpu.wait_dma2 semaphore(%arg16 : memref<!tpu.dma_semaphore, #tpu.memory_space<semaphore_mem>>) src(%dma_wait3A_160 : memref<1x2048x768xf32, #tpu.memory_space<any>>) dst(%arg9 : memref<1x2048x768xf32, #tpu.memory_space<vmem>>)
    %get3A_161 = arith.constant 0 : index
    %get3A_162 = arith.constant 0 : index
    %get3A_163 = arith.constant 0 : index
    %get3A_164 = vector.load %arg9[%get3A_161, %get3A_162, %get3A_163] : memref<1x2048x768xf32, #tpu.memory_space<vmem>>, vector<1x2048x768xf32>
    %get3A_165 = vector.shape_cast %get3A_164 : vector<1x2048x768xf32> to vector<2048x768xf32>
    %reduce_sum3A_166 = arith.constant dense<0.000000e+00> : vector<768xf32>
    %reduce_sum3A_167 = vector.multi_reduction <add>, %get3A_165, %reduce_sum3A_166 [0] : vector<2048x768xf32> to vector<768xf32>
    %broadcast_in_dim3A_168 = vector.shape_cast %reduce_sum3A_167 : vector<768xf32> to vector<1x768xf32>
    %mul3A_169 = arith.constant 4.8828125E-4 : f32
    %mul3A_170 = vector.broadcast %mul3A_169 : f32 to vector<1x768xf32>
    %mul3A_171 = arith.mulf %broadcast_in_dim3A_168, %mul3A_170 : vector<1x768xf32>
    %swap3A_172 = arith.constant 7 : index
    %swap3A_173 = arith.constant 0 : index
    %swap3A_174 = vector.load %arg10[%swap3A_172, %swap3A_173] : memref<32x768xf32, #tpu.memory_space<vmem>>, vector<1x768xf32>
    tpu.vector_store %arg10[%swap3A_172, %swap3A_173], %mul3A_171 {strides = array<i32>} : memref<32x768xf32, #tpu.memory_space<vmem>>, vector<1x768xf32>,
    %add3A_175 = arith.constant 9 : i32
    %add3A_176 = arith.addi %mul3A_0, %add3A_175 : i32
    %dma_start3A_177 = arith.constant 0 : i32
    %dma_start3A_178 = arith.constant 0 : i32
    %dma_start3A_179 = tpu.memref_slice %arg1[%add3A_176, %dma_start3A_177, %dma_start3A_178] : memref<32x2048x768xf32, #tpu.memory_space<any>> -> memref<1x2048x768xf32, #tpu.memory_space<any>>
    tpu.enqueue_dma source(%dma_start3A_179 : memref<1x2048x768xf32, #tpu.memory_space<any>>) target(%arg9 : memref<1x2048x768xf32, #tpu.memory_space<vmem>>) target_semaphore(%arg16 : memref<!tpu.dma_semaphore, #tpu.memory_space<semaphore_mem>>)
    %dma_wait3A_180 = arith.constant 0 : i32
    %dma_wait3A_181 = arith.constant 0 : i32
    %dma_wait3A_182 = tpu.memref_slice %arg1[%add3A_154, %dma_wait3A_180, %dma_wait3A_181] : memref<32x2048x768xf32, #tpu.memory_space<any>> -> memref<1x2048x768xf32, #tpu.memory_space<any>>
    tpu.wait_dma2 semaphore(%arg15 : memref<!tpu.dma_semaphore, #tpu.memory_space<semaphore_mem>>) src(%dma_wait3A_182 : memref<1x2048x768xf32, #tpu.memory_space<any>>) dst(%arg8 : memref<1x2048x768xf32, #tpu.memory_space<vmem>>)
    %get3A_183 = arith.constant 0 : index
    %get3A_184 = arith.constant 0 : index
    %get3A_185 = arith.constant 0 : index
    %get3A_186 = vector.load %arg8[%get3A_183, %get3A_184, %get3A_185] : memref<1x2048x768xf32, #tpu.memory_space<vmem>>, vector<1x2048x768xf32>
    %get3A_187 = vector.shape_cast %get3A_186 : vector<1x2048x768xf32> to vector<2048x768xf32>
    %reduce_sum3A_188 = arith.constant dense<0.000000e+00> : vector<768xf32>
    %reduce_sum3A_189 = vector.multi_reduction <add>, %get3A_187, %reduce_sum3A_188 [0] : vector<2048x768xf32> to vector<768xf32>
    %broadcast_in_dim3A_190 = vector.shape_cast %reduce_sum3A_189 : vector<768xf32> to vector<1x768xf32>
    %mul3A_191 = arith.constant 4.8828125E-4 : f32
    %mul3A_192 = vector.broadcast %mul3A_191 : f32 to vector<1x768xf32>
    %mul3A_193 = arith.mulf %broadcast_in_dim3A_190, %mul3A_192 : vector<1x768xf32>
    %swap3A_194 = arith.constant 8 : index
    %swap3A_195 = arith.constant 0 : index
    %swap3A_196 = vector.load %arg10[%swap3A_194, %swap3A_195] : memref<32x768xf32, #tpu.memory_space<vmem>>, vector<1x768xf32>
    tpu.vector_store %arg10[%swap3A_194, %swap3A_195], %mul3A_193 {strides = array<i32>} : memref<32x768xf32, #tpu.memory_space<vmem>>, vector<1x768xf32>,
    %add3A_197 = arith.constant 10 : i32
    %add3A_198 = arith.addi %mul3A_0, %add3A_197 : i32
    %dma_start3A_199 = arith.constant 0 : i32
    %dma_start3A_200 = arith.constant 0 : i32
    %dma_start3A_201 = tpu.memref_slice %arg1[%add3A_198, %dma_start3A_199, %dma_start3A_200] : memref<32x2048x768xf32, #tpu.memory_space<any>> -> memref<1x2048x768xf32, #tpu.memory_space<any>>
    tpu.enqueue_dma source(%dma_start3A_201 : memref<1x2048x768xf32, #tpu.memory_space<any>>) target(%arg8 : memref<1x2048x768xf32, #tpu.memory_space<vmem>>) target_semaphore(%arg15 : memref<!tpu.dma_semaphore, #tpu.memory_space<semaphore_mem>>)
    %dma_wait3A_202 = arith.constant 0 : i32
    %dma_wait3A_203 = arith.constant 0 : i32
    %dma_wait3A_204 = tpu.memref_slice %arg1[%add3A_176, %dma_wait3A_202, %dma_wait3A_203] : memref<32x2048x768xf32, #tpu.memory_space<any>> -> memref<1x2048x768xf32, #tpu.memory_space<any>>
    tpu.wait_dma2 semaphore(%arg16 : memref<!tpu.dma_semaphore, #tpu.memory_space<semaphore_mem>>) src(%dma_wait3A_204 : memref<1x2048x768xf32, #tpu.memory_space<any>>) dst(%arg9 : memref<1x2048x768xf32, #tpu.memory_space<vmem>>)
    %get3A_205 = arith.constant 0 : index
    %get3A_206 = arith.constant 0 : index
    %get3A_207 = arith.constant 0 : index
    %get3A_208 = vector.load %arg9[%get3A_205, %get3A_206, %get3A_207] : memref<1x2048x768xf32, #tpu.memory_space<vmem>>, vector<1x2048x768xf32>
    %get3A_209 = vector.shape_cast %get3A_208 : vector<1x2048x768xf32> to vector<2048x768xf32>
    %reduce_sum3A_210 = arith.constant dense<0.000000e+00> : vector<768xf32>
    %reduce_sum3A_211 = vector.multi_reduction <add>, %get3A_209, %reduce_sum3A_210 [0] : vector<2048x768xf32> to vector<768xf32>
    %broadcast_in_dim3A_212 = vector.shape_cast %reduce_sum3A_211 : vector<768xf32> to vector<1x768xf32>
    %mul3A_213 = arith.constant 4.8828125E-4 : f32
    %mul3A_214 = vector.broadcast %mul3A_213 : f32 to vector<1x768xf32>
    %mul3A_215 = arith.mulf %broadcast_in_dim3A_212, %mul3A_214 : vector<1x768xf32>
    %swap3A_216 = arith.constant 9 : index
    %swap3A_217 = arith.constant 0 : index
    %swap3A_218 = vector.load %arg10[%swap3A_216, %swap3A_217] : memref<32x768xf32, #tpu.memory_space<vmem>>, vector<1x768xf32>
    tpu.vector_store %arg10[%swap3A_216, %swap3A_217], %mul3A_215 {strides = array<i32>} : memref<32x768xf32, #tpu.memory_space<vmem>>, vector<1x768xf32>,
    %add3A_219 = arith.constant 11 : i32
    %add3A_220 = arith.addi %mul3A_0, %add3A_219 : i32
    %dma_start3A_221 = arith.constant 0 : i32
    %dma_start3A_222 = arith.constant 0 : i32
    %dma_start3A_223 = tpu.memref_slice %arg1[%add3A_220, %dma_start3A_221, %dma_start3A_222] : memref<32x2048x768xf32, #tpu.memory_space<any>> -> memref<1x2048x768xf32, #tpu.memory_space<any>>
    tpu.enqueue_dma source(%dma_start3A_223 : memref<1x2048x768xf32, #tpu.memory_space<any>>) target(%arg9 : memref<1x2048x768xf32, #tpu.memory_space<vmem>>) target_semaphore(%arg16 : memref<!tpu.dma_semaphore, #tpu.memory_space<semaphore_mem>>)
    %dma_wait3A_224 = arith.constant 0 : i32
    %dma_wait3A_225 = arith.constant 0 : i32
    %dma_wait3A_226 = tpu.memref_slice %arg1[%add3A_198, %dma_wait3A_224, %dma_wait3A_225] : memref<32x2048x768xf32, #tpu.memory_space<any>> -> memref<1x2048x768xf32, #tpu.memory_space<any>>
    tpu.wait_dma2 semaphore(%arg15 : memref<!tpu.dma_semaphore, #tpu.memory_space<semaphore_mem>>) src(%dma_wait3A_226 : memref<1x2048x768xf32, #tpu.memory_space<any>>) dst(%arg8 : memref<1x2048x768xf32, #tpu.memory_space<vmem>>)
    %get3A_227 = arith.constant 0 : index
    %get3A_228 = arith.constant 0 : index
    %get3A_229 = arith.constant 0 : index
    %get3A_230 = vector.load %arg8[%get3A_227, %get3A_228, %get3A_229] : memref<1x2048x768xf32, #tpu.memory_space<vmem>>, vector<1x2048x768xf32>
    %get3A_231 = vector.shape_cast %get3A_230 : vector<1x2048x768xf32> to vector<2048x768xf32>
    %reduce_sum3A_232 = arith.constant dense<0.000000e+00> : vector<768xf32>
    %reduce_sum3A_233 = vector.multi_reduction <add>, %get3A_231, %reduce_sum3A_232 [0] : vector<2048x768xf32> to vector<768xf32>
    %broadcast_in_dim3A_234 = vector.shape_cast %reduce_sum3A_233 : vector<768xf32> to vector<1x768xf32>
    %mul3A_235 = arith.constant 4.8828125E-4 : f32
    %mul3A_236 = vector.broadcast %mul3A_235 : f32 to vector<1x768xf32>
    %mul3A_237 = arith.mulf %broadcast_in_dim3A_234, %mul3A_236 : vector<1x768xf32>
    %swap3A_238 = arith.constant 10 : index
    %swap3A_239 = arith.constant 0 : index
    %swap3A_240 = vector.load %arg10[%swap3A_238, %swap3A_239] : memref<32x768xf32, #tpu.memory_space<vmem>>, vector<1x768xf32>
    tpu.vector_store %arg10[%swap3A_238, %swap3A_239], %mul3A_237 {strides = array<i32>} : memref<32x768xf32, #tpu.memory_space<vmem>>, vector<1x768xf32>,
    %add3A_241 = arith.constant 12 : i32
    %add3A_242 = arith.addi %mul3A_0, %add3A_241 : i32
    %dma_start3A_243 = arith.constant 0 : i32
    %dma_start3A_244 = arith.constant 0 : i32
    %dma_start3A_245 = tpu.memref_slice %arg1[%add3A_242, %dma_start3A_243, %dma_start3A_244] : memref<32x2048x768xf32, #tpu.memory_space<any>> -> memref<1x2048x768xf32, #tpu.memory_space<any>>
    tpu.enqueue_dma source(%dma_start3A_245 : memref<1x2048x768xf32, #tpu.memory_space<any>>) target(%arg8 : memref<1x2048x768xf32, #tpu.memory_space<vmem>>) target_semaphore(%arg15 : memref<!tpu.dma_semaphore, #tpu.memory_space<semaphore_mem>>)
    %dma_wait3A_246 = arith.constant 0 : i32
    %dma_wait3A_247 = arith.constant 0 : i32
    %dma_wait3A_248 = tpu.memref_slice %arg1[%add3A_220, %dma_wait3A_246, %dma_wait3A_247] : memref<32x2048x768xf32, #tpu.memory_space<any>> -> memref<1x2048x768xf32, #tpu.memory_space<any>>
    tpu.wait_dma2 semaphore(%arg16 : memref<!tpu.dma_semaphore, #tpu.memory_space<semaphore_mem>>) src(%dma_wait3A_248 : memref<1x2048x768xf32, #tpu.memory_space<any>>) dst(%arg9 : memref<1x2048x768xf32, #tpu.memory_space<vmem>>)
    %get3A_249 = arith.constant 0 : index
    %get3A_250 = arith.constant 0 : index
    %get3A_251 = arith.constant 0 : index
    %get3A_252 = vector.load %arg9[%get3A_249, %get3A_250, %get3A_251] : memref<1x2048x768xf32, #tpu.memory_space<vmem>>, vector<1x2048x768xf32>
    %get3A_253 = vector.shape_cast %get3A_252 : vector<1x2048x768xf32> to vector<2048x768xf32>
    %reduce_sum3A_254 = arith.constant dense<0.000000e+00> : vector<768xf32>
    %reduce_sum3A_255 = vector.multi_reduction <add>, %get3A_253, %reduce_sum3A_254 [0] : vector<2048x768xf32> to vector<768xf32>
    %broadcast_in_dim3A_256 = vector.shape_cast %reduce_sum3A_255 : vector<768xf32> to vector<1x768xf32>
    %mul3A_257 = arith.constant 4.8828125E-4 : f32
    %mul3A_258 = vector.broadcast %mul3A_257 : f32 to vector<1x768xf32>
    %mul3A_259 = arith.mulf %broadcast_in_dim3A_256, %mul3A_258 : vector<1x768xf32>
    %swap3A_260 = arith.constant 11 : index
    %swap3A_261 = arith.constant 0 : index
    %swap3A_262 = vector.load %arg10[%swap3A_260, %swap3A_261] : memref<32x768xf32, #tpu.memory_space<vmem>>, vector<1x768xf32>
    tpu.vector_store %arg10[%swap3A_260, %swap3A_261], %mul3A_259 {strides = array<i32>} : memref<32x768xf32, #tpu.memory_space<vmem>>, vector<1x768xf32>,
    %add3A_263 = arith.constant 13 : i32
    %add3A_264 = arith.addi %mul3A_0, %add3A_263 : i32
    %dma_start3A_265 = arith.constant 0 : i32
    %dma_start3A_266 = arith.constant 0 : i32
    %dma_start3A_267 = tpu.memref_slice %arg1[%add3A_264, %dma_start3A_265, %dma_start3A_266] : memref<32x2048x768xf32, #tpu.memory_space<any>> -> memref<1x2048x768xf32, #tpu.memory_space<any>>
    tpu.enqueue_dma source(%dma_start3A_267 : memref<1x2048x768xf32, #tpu.memory_space<any>>) target(%arg9 : memref<1x2048x768xf32, #tpu.memory_space<vmem>>) target_semaphore(%arg16 : memref<!tpu.dma_semaphore, #tpu.memory_space<semaphore_mem>>)
    %dma_wait3A_268 = arith.constant 0 : i32
    %dma_wait3A_269 = arith.constant 0 : i32
    %dma_wait3A_270 = tpu.memref_slice %arg1[%add3A_242, %dma_wait3A_268, %dma_wait3A_269] : memref<32x2048x768xf32, #tpu.memory_space<any>> -> memref<1x2048x768xf32, #tpu.memory_space<any>>
    tpu.wait_dma2 semaphore(%arg15 : memref<!tpu.dma_semaphore, #tpu.memory_space<semaphore_mem>>) src(%dma_wait3A_270 : memref<1x2048x768xf32, #tpu.memory_space<any>>) dst(%arg8 : memref<1x2048x768xf32, #tpu.memory_space<vmem>>)
    %get3A_271 = arith.constant 0 : index
    %get3A_272 = arith.constant 0 : index
    %get3A_273 = arith.constant 0 : index
    %get3A_274 = vector.load %arg8[%get3A_271, %get3A_272, %get3A_273] : memref<1x2048x768xf32, #tpu.memory_space<vmem>>, vector<1x2048x768xf32>
    %get3A_275 = vector.shape_cast %get3A_274 : vector<1x2048x768xf32> to vector<2048x768xf32>
    %reduce_sum3A_276 = arith.constant dense<0.000000e+00> : vector<768xf32>
    %reduce_sum3A_277 = vector.multi_reduction <add>, %get3A_275, %reduce_sum3A_276 [0] : vector<2048x768xf32> to vector<768xf32>
    %broadcast_in_dim3A_278 = vector.shape_cast %reduce_sum3A_277 : vector<768xf32> to vector<1x768xf32>
    %mul3A_279 = arith.constant 4.8828125E-4 : f32
    %mul3A_280 = vector.broadcast %mul3A_279 : f32 to vector<1x768xf32>
    %mul3A_281 = arith.mulf %broadcast_in_dim3A_278, %mul3A_280 : vector<1x768xf32>
    %swap3A_282 = arith.constant 12 : index
    %swap3A_283 = arith.constant 0 : index
    %swap3A_284 = vector.load %arg10[%swap3A_282, %swap3A_283] : memref<32x768xf32, #tpu.memory_space<vmem>>, vector<1x768xf32>
    tpu.vector_store %arg10[%swap3A_282, %swap3A_283], %mul3A_281 {strides = array<i32>} : memref<32x768xf32, #tpu.memory_space<vmem>>, vector<1x768xf32>,
    %add3A_285 = arith.constant 14 : i32
    %add3A_286 = arith.addi %mul3A_0, %add3A_285 : i32
    %dma_start3A_287 = arith.constant 0 : i32
    %dma_start3A_288 = arith.constant 0 : i32
    %dma_start3A_289 = tpu.memref_slice %arg1[%add3A_286, %dma_start3A_287, %dma_start3A_288] : memref<32x2048x768xf32, #tpu.memory_space<any>> -> memref<1x2048x768xf32, #tpu.memory_space<any>>
    tpu.enqueue_dma source(%dma_start3A_289 : memref<1x2048x768xf32, #tpu.memory_space<any>>) target(%arg8 : memref<1x2048x768xf32, #tpu.memory_space<vmem>>) target_semaphore(%arg15 : memref<!tpu.dma_semaphore, #tpu.memory_space<semaphore_mem>>)
    %dma_wait3A_290 = arith.constant 0 : i32
    %dma_wait3A_291 = arith.constant 0 : i32
    %dma_wait3A_292 = tpu.memref_slice %arg1[%add3A_264, %dma_wait3A_290, %dma_wait3A_291] : memref<32x2048x768xf32, #tpu.memory_space<any>> -> memref<1x2048x768xf32, #tpu.memory_space<any>>
    tpu.wait_dma2 semaphore(%arg16 : memref<!tpu.dma_semaphore, #tpu.memory_space<semaphore_mem>>) src(%dma_wait3A_292 : memref<1x2048x768xf32, #tpu.memory_space<any>>) dst(%arg9 : memref<1x2048x768xf32, #tpu.memory_space<vmem>>)
    %get3A_293 = arith.constant 0 : index
    %get3A_294 = arith.constant 0 : index
    %get3A_295 = arith.constant 0 : index
    %get3A_296 = vector.load %arg9[%get3A_293, %get3A_294, %get3A_295] : memref<1x2048x768xf32, #tpu.memory_space<vmem>>, vector<1x2048x768xf32>
    %get3A_297 = vector.shape_cast %get3A_296 : vector<1x2048x768xf32> to vector<2048x768xf32>
    %reduce_sum3A_298 = arith.constant dense<0.000000e+00> : vector<768xf32>
    %reduce_sum3A_299 = vector.multi_reduction <add>, %get3A_297, %reduce_sum3A_298 [0] : vector<2048x768xf32> to vector<768xf32>
    %broadcast_in_dim3A_300 = vector.shape_cast %reduce_sum3A_299 : vector<768xf32> to vector<1x768xf32>
    %mul3A_301 = arith.constant 4.8828125E-4 : f32
    %mul3A_302 = vector.broadcast %mul3A_301 : f32 to vector<1x768xf32>
    %mul3A_303 = arith.mulf %broadcast_in_dim3A_300, %mul3A_302 : vector<1x768xf32>
    %swap3A_304 = arith.constant 13 : index
    %swap3A_305 = arith.constant 0 : index
    %swap3A_306 = vector.load %arg10[%swap3A_304, %swap3A_305] : memref<32x768xf32, #tpu.memory_space<vmem>>, vector<1x768xf32>
    tpu.vector_store %arg10[%swap3A_304, %swap3A_305], %mul3A_303 {strides = array<i32>} : memref<32x768xf32, #tpu.memory_space<vmem>>, vector<1x768xf32>,
    %add3A_307 = arith.constant 15 : i32
    %add3A_308 = arith.addi %mul3A_0, %add3A_307 : i32
    %dma_start3A_309 = arith.constant 0 : i32
    %dma_start3A_310 = arith.constant 0 : i32
    %dma_start3A_311 = tpu.memref_slice %arg1[%add3A_308, %dma_start3A_309, %dma_start3A_310] : memref<32x2048x768xf32, #tpu.memory_space<any>> -> memref<1x2048x768xf32, #tpu.memory_space<any>>
    tpu.enqueue_dma source(%dma_start3A_311 : memref<1x2048x768xf32, #tpu.memory_space<any>>) target(%arg9 : memref<1x2048x768xf32, #tpu.memory_space<vmem>>) target_semaphore(%arg16 : memref<!tpu.dma_semaphore, #tpu.memory_space<semaphore_mem>>)
    %dma_wait3A_312 = arith.constant 0 : i32
    %dma_wait3A_313 = arith.constant 0 : i32
    %dma_wait3A_314 = tpu.memref_slice %arg1[%add3A_286, %dma_wait3A_312, %dma_wait3A_313] : memref<32x2048x768xf32, #tpu.memory_space<any>> -> memref<1x2048x768xf32, #tpu.memory_space<any>>
    tpu.wait_dma2 semaphore(%arg15 : memref<!tpu.dma_semaphore, #tpu.memory_space<semaphore_mem>>) src(%dma_wait3A_314 : memref<1x2048x768xf32, #tpu.memory_space<any>>) dst(%arg8 : memref<1x2048x768xf32, #tpu.memory_space<vmem>>)
    %get3A_315 = arith.constant 0 : index
    %get3A_316 = arith.constant 0 : index
    %get3A_317 = arith.constant 0 : index
    %get3A_318 = vector.load %arg8[%get3A_315, %get3A_316, %get3A_317] : memref<1x2048x768xf32, #tpu.memory_space<vmem>>, vector<1x2048x768xf32>
    %get3A_319 = vector.shape_cast %get3A_318 : vector<1x2048x768xf32> to vector<2048x768xf32>
    %reduce_sum3A_320 = arith.constant dense<0.000000e+00> : vector<768xf32>
    %reduce_sum3A_321 = vector.multi_reduction <add>, %get3A_319, %reduce_sum3A_320 [0] : vector<2048x768xf32> to vector<768xf32>
    %broadcast_in_dim3A_322 = vector.shape_cast %reduce_sum3A_321 : vector<768xf32> to vector<1x768xf32>
    %mul3A_323 = arith.constant 4.8828125E-4 : f32
    %mul3A_324 = vector.broadcast %mul3A_323 : f32 to vector<1x768xf32>
    %mul3A_325 = arith.mulf %broadcast_in_dim3A_322, %mul3A_324 : vector<1x768xf32>
    %swap3A_326 = arith.constant 14 : index
    %swap3A_327 = arith.constant 0 : index
    %swap3A_328 = vector.load %arg10[%swap3A_326, %swap3A_327] : memref<32x768xf32, #tpu.memory_space<vmem>>, vector<1x768xf32>
    tpu.vector_store %arg10[%swap3A_326, %swap3A_327], %mul3A_325 {strides = array<i32>} : memref<32x768xf32, #tpu.memory_space<vmem>>, vector<1x768xf32>,
    %add3A_329 = arith.constant 16 : i32
    %add3A_330 = arith.addi %mul3A_0, %add3A_329 : i32
    %dma_start3A_331 = arith.constant 0 : i32
    %dma_start3A_332 = arith.constant 0 : i32
    %dma_start3A_333 = tpu.memref_slice %arg1[%add3A_330, %dma_start3A_331, %dma_start3A_332] : memref<32x2048x768xf32, #tpu.memory_space<any>> -> memref<1x2048x768xf32, #tpu.memory_space<any>>
    tpu.enqueue_dma source(%dma_start3A_333 : memref<1x2048x768xf32, #tpu.memory_space<any>>) target(%arg8 : memref<1x2048x768xf32, #tpu.memory_space<vmem>>) target_semaphore(%arg15 : memref<!tpu.dma_semaphore, #tpu.memory_space<semaphore_mem>>)
    %dma_wait3A_334 = arith.constant 0 : i32
    %dma_wait3A_335 = arith.constant 0 : i32
    %dma_wait3A_336 = tpu.memref_slice %arg1[%add3A_308, %dma_wait3A_334, %dma_wait3A_335] : memref<32x2048x768xf32, #tpu.memory_space<any>> -> memref<1x2048x768xf32, #tpu.memory_space<any>>
    tpu.wait_dma2 semaphore(%arg16 : memref<!tpu.dma_semaphore, #tpu.memory_space<semaphore_mem>>) src(%dma_wait3A_336 : memref<1x2048x768xf32, #tpu.memory_space<any>>) dst(%arg9 : memref<1x2048x768xf32, #tpu.memory_space<vmem>>)
    %get3A_337 = arith.constant 0 : index
    %get3A_338 = arith.constant 0 : index
    %get3A_339 = arith.constant 0 : index
    %get3A_340 = vector.load %arg9[%get3A_337, %get3A_338, %get3A_339] : memref<1x2048x768xf32, #tpu.memory_space<vmem>>, vector<1x2048x768xf32>
    %get3A_341 = vector.shape_cast %get3A_340 : vector<1x2048x768xf32> to vector<2048x768xf32>
    %reduce_sum3A_342 = arith.constant dense<0.000000e+00> : vector<768xf32>
    %reduce_sum3A_343 = vector.multi_reduction <add>, %get3A_341, %reduce_sum3A_342 [0] : vector<2048x768xf32> to vector<768xf32>
    %broadcast_in_dim3A_344 = vector.shape_cast %reduce_sum3A_343 : vector<768xf32> to vector<1x768xf32>
    %mul3A_345 = arith.constant 4.8828125E-4 : f32
    %mul3A_346 = vector.broadcast %mul3A_345 : f32 to vector<1x768xf32>
    %mul3A_347 = arith.mulf %broadcast_in_dim3A_344, %mul3A_346 : vector<1x768xf32>
    %swap3A_348 = arith.constant 15 : index
    %swap3A_349 = arith.constant 0 : index
    %swap3A_350 = vector.load %arg10[%swap3A_348, %swap3A_349] : memref<32x768xf32, #tpu.memory_space<vmem>>, vector<1x768xf32>
    tpu.vector_store %arg10[%swap3A_348, %swap3A_349], %mul3A_347 {strides = array<i32>} : memref<32x768xf32, #tpu.memory_space<vmem>>, vector<1x768xf32>,
    %add3A_351 = arith.constant 17 : i32
    %add3A_352 = arith.addi %mul3A_0, %add3A_351 : i32
    %dma_start3A_353 = arith.constant 0 : i32
    %dma_start3A_354 = arith.constant 0 : i32
    %dma_start3A_355 = tpu.memref_slice %arg1[%add3A_352, %dma_start3A_353, %dma_start3A_354] : memref<32x2048x768xf32, #tpu.memory_space<any>> -> memref<1x2048x768xf32, #tpu.memory_space<any>>
    tpu.enqueue_dma source(%dma_start3A_355 : memref<1x2048x768xf32, #tpu.memory_space<any>>) target(%arg9 : memref<1x2048x768xf32, #tpu.memory_space<vmem>>) target_semaphore(%arg16 : memref<!tpu.dma_semaphore, #tpu.memory_space<semaphore_mem>>)
    %dma_wait3A_356 = arith.constant 0 : i32
    %dma_wait3A_357 = arith.constant 0 : i32
    %dma_wait3A_358 = tpu.memref_slice %arg1[%add3A_330, %dma_wait3A_356, %dma_wait3A_357] : memref<32x2048x768xf32, #tpu.memory_space<any>> -> memref<1x2048x768xf32, #tpu.memory_space<any>>
    tpu.wait_dma2 semaphore(%arg15 : memref<!tpu.dma_semaphore, #tpu.memory_space<semaphore_mem>>) src(%dma_wait3A_358 : memref<1x2048x768xf32, #tpu.memory_space<any>>) dst(%arg8 : memref<1x2048x768xf32, #tpu.memory_space<vmem>>)
    %get3A_359 = arith.constant 0 : index
    %get3A_360 = arith.constant 0 : index
    %get3A_361 = arith.constant 0 : index
    %get3A_362 = vector.load %arg8[%get3A_359, %get3A_360, %get3A_361] : memref<1x2048x768xf32, #tpu.memory_space<vmem>>, vector<1x2048x768xf32>
    %get3A_363 = vector.shape_cast %get3A_362 : vector<1x2048x768xf32> to vector<2048x768xf32>
    %reduce_sum3A_364 = arith.constant dense<0.000000e+00> : vector<768xf32>
    %reduce_sum3A_365 = vector.multi_reduction <add>, %get3A_363, %reduce_sum3A_364 [0] : vector<2048x768xf32> to vector<768xf32>
    %broadcast_in_dim3A_366 = vector.shape_cast %reduce_sum3A_365 : vector<768xf32> to vector<1x768xf32>
    %mul3A_367 = arith.constant 4.8828125E-4 : f32
    %mul3A_368 = vector.broadcast %mul3A_367 : f32 to vector<1x768xf32>
    %mul3A_369 = arith.mulf %broadcast_in_dim3A_366, %mul3A_368 : vector<1x768xf32>
    %swap3A_370 = arith.constant 16 : index
    %swap3A_371 = arith.constant 0 : index
    %swap3A_372 = vector.load %arg10[%swap3A_370, %swap3A_371] : memref<32x768xf32, #tpu.memory_space<vmem>>, vector<1x768xf32>
    tpu.vector_store %arg10[%swap3A_370, %swap3A_371], %mul3A_369 {strides = array<i32>} : memref<32x768xf32, #tpu.memory_space<vmem>>, vector<1x768xf32>,
    %add3A_373 = arith.constant 18 : i32
    %add3A_374 = arith.addi %mul3A_0, %add3A_373 : i32
    %dma_start3A_375 = arith.constant 0 : i32
    %dma_start3A_376 = arith.constant 0 : i32
    %dma_start3A_377 = tpu.memref_slice %arg1[%add3A_374, %dma_start3A_375, %dma_start3A_376] : memref<32x2048x768xf32, #tpu.memory_space<any>> -> memref<1x2048x768xf32, #tpu.memory_space<any>>
    tpu.enqueue_dma source(%dma_start3A_377 : memref<1x2048x768xf32, #tpu.memory_space<any>>) target(%arg8 : memref<1x2048x768xf32, #tpu.memory_space<vmem>>) target_semaphore(%arg15 : memref<!tpu.dma_semaphore, #tpu.memory_space<semaphore_mem>>)
    %dma_wait3A_378 = arith.constant 0 : i32
    %dma_wait3A_379 = arith.constant 0 : i32
    %dma_wait3A_380 = tpu.memref_slice %arg1[%add3A_352, %dma_wait3A_378, %dma_wait3A_379] : memref<32x2048x768xf32, #tpu.memory_space<any>> -> memref<1x2048x768xf32, #tpu.memory_space<any>>
    tpu.wait_dma2 semaphore(%arg16 : memref<!tpu.dma_semaphore, #tpu.memory_space<semaphore_mem>>) src(%dma_wait3A_380 : memref<1x2048x768xf32, #tpu.memory_space<any>>) dst(%arg9 : memref<1x2048x768xf32, #tpu.memory_space<vmem>>)
    %get3A_381 = arith.constant 0 : index
    %get3A_382 = arith.constant 0 : index
    %get3A_383 = arith.constant 0 : index
    %get3A_384 = vector.load %arg9[%get3A_381, %get3A_382, %get3A_383] : memref<1x2048x768xf32, #tpu.memory_space<vmem>>, vector<1x2048x768xf32>
    %get3A_385 = vector.shape_cast %get3A_384 : vector<1x2048x768xf32> to vector<2048x768xf32>
    %reduce_sum3A_386 = arith.constant dense<0.000000e+00> : vector<768xf32>
    %reduce_sum3A_387 = vector.multi_reduction <add>, %get3A_385, %reduce_sum3A_386 [0] : vector<2048x768xf32> to vector<768xf32>
    %broadcast_in_dim3A_388 = vector.shape_cast %reduce_sum3A_387 : vector<768xf32> to vector<1x768xf32>
    %mul3A_389 = arith.constant 4.8828125E-4 : f32
    %mul3A_390 = vector.broadcast %mul3A_389 : f32 to vector<1x768xf32>
    %mul3A_391 = arith.mulf %broadcast_in_dim3A_388, %mul3A_390 : vector<1x768xf32>
    %swap3A_392 = arith.constant 17 : index
    %swap3A_393 = arith.constant 0 : index
    %swap3A_394 = vector.load %arg10[%swap3A_392, %swap3A_393] : memref<32x768xf32, #tpu.memory_space<vmem>>, vector<1x768xf32>
    tpu.vector_store %arg10[%swap3A_392, %swap3A_393], %mul3A_391 {strides = array<i32>} : memref<32x768xf32, #tpu.memory_space<vmem>>, vector<1x768xf32>,
    %add3A_395 = arith.constant 19 : i32
    %add3A_396 = arith.addi %mul3A_0, %add3A_395 : i32
    %dma_start3A_397 = arith.constant 0 : i32
    %dma_start3A_398 = arith.constant 0 : i32
    %dma_start3A_399 = tpu.memref_slice %arg1[%add3A_396, %dma_start3A_397, %dma_start3A_398] : memref<32x2048x768xf32, #tpu.memory_space<any>> -> memref<1x2048x768xf32, #tpu.memory_space<any>>
    tpu.enqueue_dma source(%dma_start3A_399 : memref<1x2048x768xf32, #tpu.memory_space<any>>) target(%arg9 : memref<1x2048x768xf32, #tpu.memory_space<vmem>>) target_semaphore(%arg16 : memref<!tpu.dma_semaphore, #tpu.memory_space<semaphore_mem>>)
    %dma_wait3A_400 = arith.constant 0 : i32
    %dma_wait3A_401 = arith.constant 0 : i32
    %dma_wait3A_402 = tpu.memref_slice %arg1[%add3A_374, %dma_wait3A_400, %dma_wait3A_401] : memref<32x2048x768xf32, #tpu.memory_space<any>> -> memref<1x2048x768xf32, #tpu.memory_space<any>>
    tpu.wait_dma2 semaphore(%arg15 : memref<!tpu.dma_semaphore, #tpu.memory_space<semaphore_mem>>) src(%dma_wait3A_402 : memref<1x2048x768xf32, #tpu.memory_space<any>>) dst(%arg8 : memref<1x2048x768xf32, #tpu.memory_space<vmem>>)
    %get3A_403 = arith.constant 0 : index
    %get3A_404 = arith.constant 0 : index
    %get3A_405 = arith.constant 0 : index
    %get3A_406 = vector.load %arg8[%get3A_403, %get3A_404, %get3A_405] : memref<1x2048x768xf32, #tpu.memory_space<vmem>>, vector<1x2048x768xf32>
    %get3A_407 = vector.shape_cast %get3A_406 : vector<1x2048x768xf32> to vector<2048x768xf32>
    %reduce_sum3A_408 = arith.constant dense<0.000000e+00> : vector<768xf32>
    %reduce_sum3A_409 = vector.multi_reduction <add>, %get3A_407, %reduce_sum3A_408 [0] : vector<2048x768xf32> to vector<768xf32>
    %broadcast_in_dim3A_410 = vector.shape_cast %reduce_sum3A_409 : vector<768xf32> to vector<1x768xf32>
    %mul3A_411 = arith.constant 4.8828125E-4 : f32
    %mul3A_412 = vector.broadcast %mul3A_411 : f32 to vector<1x768xf32>
    %mul3A_413 = arith.mulf %broadcast_in_dim3A_410, %mul3A_412 : vector<1x768xf32>
    %swap3A_414 = arith.constant 18 : index
    %swap3A_415 = arith.constant 0 : index
    %swap3A_416 = vector.load %arg10[%swap3A_414, %swap3A_415] : memref<32x768xf32, #tpu.memory_space<vmem>>, vector<1x768xf32>
    tpu.vector_store %arg10[%swap3A_414, %swap3A_415], %mul3A_413 {strides = array<i32>} : memref<32x768xf32, #tpu.memory_space<vmem>>, vector<1x768xf32>,
    %add3A_417 = arith.constant 20 : i32
    %add3A_418 = arith.addi %mul3A_0, %add3A_417 : i32
    %dma_start3A_419 = arith.constant 0 : i32
    %dma_start3A_420 = arith.constant 0 : i32
    %dma_start3A_421 = tpu.memref_slice %arg1[%add3A_418, %dma_start3A_419, %dma_start3A_420] : memref<32x2048x768xf32, #tpu.memory_space<any>> -> memref<1x2048x768xf32, #tpu.memory_space<any>>
    tpu.enqueue_dma source(%dma_start3A_421 : memref<1x2048x768xf32, #tpu.memory_space<any>>) target(%arg8 : memref<1x2048x768xf32, #tpu.memory_space<vmem>>) target_semaphore(%arg15 : memref<!tpu.dma_semaphore, #tpu.memory_space<semaphore_mem>>)
    %dma_wait3A_422 = arith.constant 0 : i32
    %dma_wait3A_423 = arith.constant 0 : i32
    %dma_wait3A_424 = tpu.memref_slice %arg1[%add3A_396, %dma_wait3A_422, %dma_wait3A_423] : memref<32x2048x768xf32, #tpu.memory_space<any>> -> memref<1x2048x768xf32, #tpu.memory_space<any>>
    tpu.wait_dma2 semaphore(%arg16 : memref<!tpu.dma_semaphore, #tpu.memory_space<semaphore_mem>>) src(%dma_wait3A_424 : memref<1x2048x768xf32, #tpu.memory_space<any>>) dst(%arg9 : memref<1x2048x768xf32, #tpu.memory_space<vmem>>)
    %get3A_425 = arith.constant 0 : index
    %get3A_426 = arith.constant 0 : index
    %get3A_427 = arith.constant 0 : index
    %get3A_428 = vector.load %arg9[%get3A_425, %get3A_426, %get3A_427] : memref<1x2048x768xf32, #tpu.memory_space<vmem>>, vector<1x2048x768xf32>
    %get3A_429 = vector.shape_cast %get3A_428 : vector<1x2048x768xf32> to vector<2048x768xf32>
    %reduce_sum3A_430 = arith.constant dense<0.000000e+00> : vector<768xf32>
    %reduce_sum3A_431 = vector.multi_reduction <add>, %get3A_429, %reduce_sum3A_430 [0] : vector<2048x768xf32> to vector<768xf32>
    %broadcast_in_dim3A_432 = vector.shape_cast %reduce_sum3A_431 : vector<768xf32> to vector<1x768xf32>
    %mul3A_433 = arith.constant 4.8828125E-4 : f32
    %mul3A_434 = vector.broadcast %mul3A_433 : f32 to vector<1x768xf32>
    %mul3A_435 = arith.mulf %broadcast_in_dim3A_432, %mul3A_434 : vector<1x768xf32>
    %swap3A_436 = arith.constant 19 : index
    %swap3A_437 = arith.constant 0 : index
    %swap3A_438 = vector.load %arg10[%swap3A_436, %swap3A_437] : memref<32x768xf32, #tpu.memory_space<vmem>>, vector<1x768xf32>
    tpu.vector_store %arg10[%swap3A_436, %swap3A_437], %mul3A_435 {strides = array<i32>} : memref<32x768xf32, #tpu.memory_space<vmem>>, vector<1x768xf32>,
    %add3A_439 = arith.constant 21 : i32
    %add3A_440 = arith.addi %mul3A_0, %add3A_439 : i32
    %dma_start3A_441 = arith.constant 0 : i32
    %dma_start3A_442 = arith.constant 0 : i32
    %dma_start3A_443 = tpu.memref_slice %arg1[%add3A_440, %dma_start3A_441, %dma_start3A_442] : memref<32x2048x768xf32, #tpu.memory_space<any>> -> memref<1x2048x768xf32, #tpu.memory_space<any>>
    tpu.enqueue_dma source(%dma_start3A_443 : memref<1x2048x768xf32, #tpu.memory_space<any>>) target(%arg9 : memref<1x2048x768xf32, #tpu.memory_space<vmem>>) target_semaphore(%arg16 : memref<!tpu.dma_semaphore, #tpu.memory_space<semaphore_mem>>)
    %dma_wait3A_444 = arith.constant 0 : i32
    %dma_wait3A_445 = arith.constant 0 : i32
    %dma_wait3A_446 = tpu.memref_slice %arg1[%add3A_418, %dma_wait3A_444, %dma_wait3A_445] : memref<32x2048x768xf32, #tpu.memory_space<any>> -> memref<1x2048x768xf32, #tpu.memory_space<any>>
    tpu.wait_dma2 semaphore(%arg15 : memref<!tpu.dma_semaphore, #tpu.memory_space<semaphore_mem>>) src(%dma_wait3A_446 : memref<1x2048x768xf32, #tpu.memory_space<any>>) dst(%arg8 : memref<1x2048x768xf32, #tpu.memory_space<vmem>>)
    %get3A_447 = arith.constant 0 : index
    %get3A_448 = arith.constant 0 : index
    %get3A_449 = arith.constant 0 : index
    %get3A_450 = vector.load %arg8[%get3A_447, %get3A_448, %get3A_449] : memref<1x2048x768xf32, #tpu.memory_space<vmem>>, vector<1x2048x768xf32>
    %get3A_451 = vector.shape_cast %get3A_450 : vector<1x2048x768xf32> to vector<2048x768xf32>
    %reduce_sum3A_452 = arith.constant dense<0.000000e+00> : vector<768xf32>
    %reduce_sum3A_453 = vector.multi_reduction <add>, %get3A_451, %reduce_sum3A_452 [0] : vector<2048x768xf32> to vector<768xf32>
    %broadcast_in_dim3A_454 = vector.shape_cast %reduce_sum3A_453 : vector<768xf32> to vector<1x768xf32>
    %mul3A_455 = arith.constant 4.8828125E-4 : f32
    %mul3A_456 = vector.broadcast %mul3A_455 : f32 to vector<1x768xf32>
    %mul3A_457 = arith.mulf %broadcast_in_dim3A_454, %mul3A_456 : vector<1x768xf32>
    %swap3A_458 = arith.constant 20 : index
    %swap3A_459 = arith.constant 0 : index
    %swap3A_460 = vector.load %arg10[%swap3A_458, %swap3A_459] : memref<32x768xf32, #tpu.memory_space<vmem>>, vector<1x768xf32>
    tpu.vector_store %arg10[%swap3A_458, %swap3A_459], %mul3A_457 {strides = array<i32>} : memref<32x768xf32, #tpu.memory_space<vmem>>, vector<1x768xf32>,
    %add3A_461 = arith.constant 22 : i32
    %add3A_462 = arith.addi %mul3A_0, %add3A_461 : i32
    %dma_start3A_463 = arith.constant 0 : i32
    %dma_start3A_464 = arith.constant 0 : i32
    %dma_start3A_465 = tpu.memref_slice %arg1[%add3A_462, %dma_start3A_463, %dma_start3A_464] : memref<32x2048x768xf32, #tpu.memory_space<any>> -> memref<1x2048x768xf32, #tpu.memory_space<any>>
    tpu.enqueue_dma source(%dma_start3A_465 : memref<1x2048x768xf32, #tpu.memory_space<any>>) target(%arg8 : memref<1x2048x768xf32, #tpu.memory_space<vmem>>) target_semaphore(%arg15 : memref<!tpu.dma_semaphore, #tpu.memory_space<semaphore_mem>>)
    %dma_wait3A_466 = arith.constant 0 : i32
    %dma_wait3A_467 = arith.constant 0 : i32
    %dma_wait3A_468 = tpu.memref_slice %arg1[%add3A_440, %dma_wait3A_466, %dma_wait3A_467] : memref<32x2048x768xf32, #tpu.memory_space<any>> -> memref<1x2048x768xf32, #tpu.memory_space<any>>
    tpu.wait_dma2 semaphore(%arg16 : memref<!tpu.dma_semaphore, #tpu.memory_space<semaphore_mem>>) src(%dma_wait3A_468 : memref<1x2048x768xf32, #tpu.memory_space<any>>) dst(%arg9 : memref<1x2048x768xf32, #tpu.memory_space<vmem>>)
    %get3A_469 = arith.constant 0 : index
    %get3A_470 = arith.constant 0 : index
    %get3A_471 = arith.constant 0 : index
    %get3A_472 = vector.load %arg9[%get3A_469, %get3A_470, %get3A_471] : memref<1x2048x768xf32, #tpu.memory_space<vmem>>, vector<1x2048x768xf32>
    %get3A_473 = vector.shape_cast %get3A_472 : vector<1x2048x768xf32> to vector<2048x768xf32>
    %reduce_sum3A_474 = arith.constant dense<0.000000e+00> : vector<768xf32>
    %reduce_sum3A_475 = vector.multi_reduction <add>, %get3A_473, %reduce_sum3A_474 [0] : vector<2048x768xf32> to vector<768xf32>
    %broadcast_in_dim3A_476 = vector.shape_cast %reduce_sum3A_475 : vector<768xf32> to vector<1x768xf32>
    %mul3A_477 = arith.constant 4.8828125E-4 : f32
    %mul3A_478 = vector.broadcast %mul3A_477 : f32 to vector<1x768xf32>
    %mul3A_479 = arith.mulf %broadcast_in_dim3A_476, %mul3A_478 : vector<1x768xf32>
    %swap3A_480 = arith.constant 21 : index
    %swap3A_481 = arith.constant 0 : index
    %swap3A_482 = vector.load %arg10[%swap3A_480, %swap3A_481] : memref<32x768xf32, #tpu.memory_space<vmem>>, vector<1x768xf32>
    tpu.vector_store %arg10[%swap3A_480, %swap3A_481], %mul3A_479 {strides = array<i32>} : memref<32x768xf32, #tpu.memory_space<vmem>>, vector<1x768xf32>,
    %add3A_483 = arith.constant 23 : i32
    %add3A_484 = arith.addi %mul3A_0, %add3A_483 : i32
    %dma_start3A_485 = arith.constant 0 : i32
    %dma_start3A_486 = arith.constant 0 : i32
    %dma_start3A_487 = tpu.memref_slice %arg1[%add3A_484, %dma_start3A_485, %dma_start3A_486] : memref<32x2048x768xf32, #tpu.memory_space<any>> -> memref<1x2048x768xf32, #tpu.memory_space<any>>
    tpu.enqueue_dma source(%dma_start3A_487 : memref<1x2048x768xf32, #tpu.memory_space<any>>) target(%arg9 : memref<1x2048x768xf32, #tpu.memory_space<vmem>>) target_semaphore(%arg16 : memref<!tpu.dma_semaphore, #tpu.memory_space<semaphore_mem>>)
    %dma_wait3A_488 = arith.constant 0 : i32
    %dma_wait3A_489 = arith.constant 0 : i32
    %dma_wait3A_490 = tpu.memref_slice %arg1[%add3A_462, %dma_wait3A_488, %dma_wait3A_489] : memref<32x2048x768xf32, #tpu.memory_space<any>> -> memref<1x2048x768xf32, #tpu.memory_space<any>>
    tpu.wait_dma2 semaphore(%arg15 : memref<!tpu.dma_semaphore, #tpu.memory_space<semaphore_mem>>) src(%dma_wait3A_490 : memref<1x2048x768xf32, #tpu.memory_space<any>>) dst(%arg8 : memref<1x2048x768xf32, #tpu.memory_space<vmem>>)
    %get3A_491 = arith.constant 0 : index
    %get3A_492 = arith.constant 0 : index
    %get3A_493 = arith.constant 0 : index
    %get3A_494 = vector.load %arg8[%get3A_491, %get3A_492, %get3A_493] : memref<1x2048x768xf32, #tpu.memory_space<vmem>>, vector<1x2048x768xf32>
    %get3A_495 = vector.shape_cast %get3A_494 : vector<1x2048x768xf32> to vector<2048x768xf32>
    %reduce_sum3A_496 = arith.constant dense<0.000000e+00> : vector<768xf32>
    %reduce_sum3A_497 = vector.multi_reduction <add>, %get3A_495, %reduce_sum3A_496 [0] : vector<2048x768xf32> to vector<768xf32>
    %broadcast_in_dim3A_498 = vector.shape_cast %reduce_sum3A_497 : vector<768xf32> to vector<1x768xf32>
    %mul3A_499 = arith.constant 4.8828125E-4 : f32
    %mul3A_500 = vector.broadcast %mul3A_499 : f32 to vector<1x768xf32>
    %mul3A_501 = arith.mulf %broadcast_in_dim3A_498, %mul3A_500 : vector<1x768xf32>
    %swap3A_502 = arith.constant 22 : index
    %swap3A_503 = arith.constant 0 : index
    %swap3A_504 = vector.load %arg10[%swap3A_502, %swap3A_503] : memref<32x768xf32, #tpu.memory_space<vmem>>, vector<1x768xf32>
    tpu.vector_store %arg10[%swap3A_502, %swap3A_503], %mul3A_501 {strides = array<i32>} : memref<32x768xf32, #tpu.memory_space<vmem>>, vector<1x768xf32>,
    %add3A_505 = arith.constant 24 : i32
    %add3A_506 = arith.addi %mul3A_0, %add3A_505 : i32
    %dma_start3A_507 = arith.constant 0 : i32
    %dma_start3A_508 = arith.constant 0 : i32
    %dma_start3A_509 = tpu.memref_slice %arg1[%add3A_506, %dma_start3A_507, %dma_start3A_508] : memref<32x2048x768xf32, #tpu.memory_space<any>> -> memref<1x2048x768xf32, #tpu.memory_space<any>>
    tpu.enqueue_dma source(%dma_start3A_509 : memref<1x2048x768xf32, #tpu.memory_space<any>>) target(%arg8 : memref<1x2048x768xf32, #tpu.memory_space<vmem>>) target_semaphore(%arg15 : memref<!tpu.dma_semaphore, #tpu.memory_space<semaphore_mem>>)
    %dma_wait3A_510 = arith.constant 0 : i32
    %dma_wait3A_511 = arith.constant 0 : i32
    %dma_wait3A_512 = tpu.memref_slice %arg1[%add3A_484, %dma_wait3A_510, %dma_wait3A_511] : memref<32x2048x768xf32, #tpu.memory_space<any>> -> memref<1x2048x768xf32, #tpu.memory_space<any>>
    tpu.wait_dma2 semaphore(%arg16 : memref<!tpu.dma_semaphore, #tpu.memory_space<semaphore_mem>>) src(%dma_wait3A_512 : memref<1x2048x768xf32, #tpu.memory_space<any>>) dst(%arg9 : memref<1x2048x768xf32, #tpu.memory_space<vmem>>)
    %get3A_513 = arith.constant 0 : index
    %get3A_514 = arith.constant 0 : index
    %get3A_515 = arith.constant 0 : index
    %get3A_516 = vector.load %arg9[%get3A_513, %get3A_514, %get3A_515] : memref<1x2048x768xf32, #tpu.memory_space<vmem>>, vector<1x2048x768xf32>
    %get3A_517 = vector.shape_cast %get3A_516 : vector<1x2048x768xf32> to vector<2048x768xf32>
    %reduce_sum3A_518 = arith.constant dense<0.000000e+00> : vector<768xf32>
    %reduce_sum3A_519 = vector.multi_reduction <add>, %get3A_517, %reduce_sum3A_518 [0] : vector<2048x768xf32> to vector<768xf32>
    %broadcast_in_dim3A_520 = vector.shape_cast %reduce_sum3A_519 : vector<768xf32> to vector<1x768xf32>
    %mul3A_521 = arith.constant 4.8828125E-4 : f32
    %mul3A_522 = vector.broadcast %mul3A_521 : f32 to vector<1x768xf32>
    %mul3A_523 = arith.mulf %broadcast_in_dim3A_520, %mul3A_522 : vector<1x768xf32>
    %swap3A_524 = arith.constant 23 : index
    %swap3A_525 = arith.constant 0 : index
    %swap3A_526 = vector.load %arg10[%swap3A_524, %swap3A_525] : memref<32x768xf32, #tpu.memory_space<vmem>>, vector<1x768xf32>
    tpu.vector_store %arg10[%swap3A_524, %swap3A_525], %mul3A_523 {strides = array<i32>} : memref<32x768xf32, #tpu.memory_space<vmem>>, vector<1x768xf32>,
    %add3A_527 = arith.constant 25 : i32
    %add3A_528 = arith.addi %mul3A_0, %add3A_527 : i32
    %dma_start3A_529 = arith.constant 0 : i32
    %dma_start3A_530 = arith.constant 0 : i32
    %dma_start3A_531 = tpu.memref_slice %arg1[%add3A_528, %dma_start3A_529, %dma_start3A_530] : memref<32x2048x768xf32, #tpu.memory_space<any>> -> memref<1x2048x768xf32, #tpu.memory_space<any>>
    tpu.enqueue_dma source(%dma_start3A_531 : memref<1x2048x768xf32, #tpu.memory_space<any>>) target(%arg9 : memref<1x2048x768xf32, #tpu.memory_space<vmem>>) target_semaphore(%arg16 : memref<!tpu.dma_semaphore, #tpu.memory_space<semaphore_mem>>)
    %dma_wait3A_532 = arith.constant 0 : i32
    %dma_wait3A_533 = arith.constant 0 : i32
    %dma_wait3A_534 = tpu.memref_slice %arg1[%add3A_506, %dma_wait3A_532, %dma_wait3A_533] : memref<32x2048x768xf32, #tpu.memory_space<any>> -> memref<1x2048x768xf32, #tpu.memory_space<any>>
    tpu.wait_dma2 semaphore(%arg15 : memref<!tpu.dma_semaphore, #tpu.memory_space<semaphore_mem>>) src(%dma_wait3A_534 : memref<1x2048x768xf32, #tpu.memory_space<any>>) dst(%arg8 : memref<1x2048x768xf32, #tpu.memory_space<vmem>>)
    %get3A_535 = arith.constant 0 : index
    %get3A_536 = arith.constant 0 : index
    %get3A_537 = arith.constant 0 : index
    %get3A_538 = vector.load %arg8[%get3A_535, %get3A_536, %get3A_537] : memref<1x2048x768xf32, #tpu.memory_space<vmem>>, vector<1x2048x768xf32>
    %get3A_539 = vector.shape_cast %get3A_538 : vector<1x2048x768xf32> to vector<2048x768xf32>
    %reduce_sum3A_540 = arith.constant dense<0.000000e+00> : vector<768xf32>
    %reduce_sum3A_541 = vector.multi_reduction <add>, %get3A_539, %reduce_sum3A_540 [0] : vector<2048x768xf32> to vector<768xf32>
    %broadcast_in_dim3A_542 = vector.shape_cast %reduce_sum3A_541 : vector<768xf32> to vector<1x768xf32>
    %mul3A_543 = arith.constant 4.8828125E-4 : f32
    %mul3A_544 = vector.broadcast %mul3A_543 : f32 to vector<1x768xf32>
    %mul3A_545 = arith.mulf %broadcast_in_dim3A_542, %mul3A_544 : vector<1x768xf32>
    %swap3A_546 = arith.constant 24 : index
    %swap3A_547 = arith.constant 0 : index
    %swap3A_548 = vector.load %arg10[%swap3A_546, %swap3A_547] : memref<32x768xf32, #tpu.memory_space<vmem>>, vector<1x768xf32>
    tpu.vector_store %arg10[%swap3A_546, %swap3A_547], %mul3A_545 {strides = array<i32>} : memref<32x768xf32, #tpu.memory_space<vmem>>, vector<1x768xf32>,
    %add3A_549 = arith.constant 26 : i32
    %add3A_550 = arith.addi %mul3A_0, %add3A_549 : i32
    %dma_start3A_551 = arith.constant 0 : i32
    %dma_start3A_552 = arith.constant 0 : i32
    %dma_start3A_553 = tpu.memref_slice %arg1[%add3A_550, %dma_start3A_551, %dma_start3A_552] : memref<32x2048x768xf32, #tpu.memory_space<any>> -> memref<1x2048x768xf32, #tpu.memory_space<any>>
    tpu.enqueue_dma source(%dma_start3A_553 : memref<1x2048x768xf32, #tpu.memory_space<any>>) target(%arg8 : memref<1x2048x768xf32, #tpu.memory_space<vmem>>) target_semaphore(%arg15 : memref<!tpu.dma_semaphore, #tpu.memory_space<semaphore_mem>>)
    %dma_wait3A_554 = arith.constant 0 : i32
    %dma_wait3A_555 = arith.constant 0 : i32
    %dma_wait3A_556 = tpu.memref_slice %arg1[%add3A_528, %dma_wait3A_554, %dma_wait3A_555] : memref<32x2048x768xf32, #tpu.memory_space<any>> -> memref<1x2048x768xf32, #tpu.memory_space<any>>
    tpu.wait_dma2 semaphore(%arg16 : memref<!tpu.dma_semaphore, #tpu.memory_space<semaphore_mem>>) src(%dma_wait3A_556 : memref<1x2048x768xf32, #tpu.memory_space<any>>) dst(%arg9 : memref<1x2048x768xf32, #tpu.memory_space<vmem>>)
    %get3A_557 = arith.constant 0 : index
    %get3A_558 = arith.constant 0 : index
    %get3A_559 = arith.constant 0 : index
    %get3A_560 = vector.load %arg9[%get3A_557, %get3A_558, %get3A_559] : memref<1x2048x768xf32, #tpu.memory_space<vmem>>, vector<1x2048x768xf32>
    %get3A_561 = vector.shape_cast %get3A_560 : vector<1x2048x768xf32> to vector<2048x768xf32>
    %reduce_sum3A_562 = arith.constant dense<0.000000e+00> : vector<768xf32>
    %reduce_sum3A_563 = vector.multi_reduction <add>, %get3A_561, %reduce_sum3A_562 [0] : vector<2048x768xf32> to vector<768xf32>
    %broadcast_in_dim3A_564 = vector.shape_cast %reduce_sum3A_563 : vector<768xf32> to vector<1x768xf32>
    %mul3A_565 = arith.constant 4.8828125E-4 : f32
    %mul3A_566 = vector.broadcast %mul3A_565 : f32 to vector<1x768xf32>
    %mul3A_567 = arith.mulf %broadcast_in_dim3A_564, %mul3A_566 : vector<1x768xf32>
    %swap3A_568 = arith.constant 25 : index
    %swap3A_569 = arith.constant 0 : index
    %swap3A_570 = vector.load %arg10[%swap3A_568, %swap3A_569] : memref<32x768xf32, #tpu.memory_space<vmem>>, vector<1x768xf32>
    tpu.vector_store %arg10[%swap3A_568, %swap3A_569], %mul3A_567 {strides = array<i32>} : memref<32x768xf32, #tpu.memory_space<vmem>>, vector<1x768xf32>,
    %add3A_571 = arith.constant 27 : i32
    %add3A_572 = arith.addi %mul3A_0, %add3A_571 : i32
    %dma_start3A_573 = arith.constant 0 : i32
    %dma_start3A_574 = arith.constant 0 : i32
    %dma_start3A_575 = tpu.memref_slice %arg1[%add3A_572, %dma_start3A_573, %dma_start3A_574] : memref<32x2048x768xf32, #tpu.memory_space<any>> -> memref<1x2048x768xf32, #tpu.memory_space<any>>
    tpu.enqueue_dma source(%dma_start3A_575 : memref<1x2048x768xf32, #tpu.memory_space<any>>) target(%arg9 : memref<1x2048x768xf32, #tpu.memory_space<vmem>>) target_semaphore(%arg16 : memref<!tpu.dma_semaphore, #tpu.memory_space<semaphore_mem>>)
    %dma_wait3A_576 = arith.constant 0 : i32
    %dma_wait3A_577 = arith.constant 0 : i32
    %dma_wait3A_578 = tpu.memref_slice %arg1[%add3A_550, %dma_wait3A_576, %dma_wait3A_577] : memref<32x2048x768xf32, #tpu.memory_space<any>> -> memref<1x2048x768xf32, #tpu.memory_space<any>>
    tpu.wait_dma2 semaphore(%arg15 : memref<!tpu.dma_semaphore, #tpu.memory_space<semaphore_mem>>) src(%dma_wait3A_578 : memref<1x2048x768xf32, #tpu.memory_space<any>>) dst(%arg8 : memref<1x2048x768xf32, #tpu.memory_space<vmem>>)
    %get3A_579 = arith.constant 0 : index
    %get3A_580 = arith.constant 0 : index
    %get3A_581 = arith.constant 0 : index
    %get3A_582 = vector.load %arg8[%get3A_579, %get3A_580, %get3A_581] : memref<1x2048x768xf32, #tpu.memory_space<vmem>>, vector<1x2048x768xf32>
    %get3A_583 = vector.shape_cast %get3A_582 : vector<1x2048x768xf32> to vector<2048x768xf32>
    %reduce_sum3A_584 = arith.constant dense<0.000000e+00> : vector<768xf32>
    %reduce_sum3A_585 = vector.multi_reduction <add>, %get3A_583, %reduce_sum3A_584 [0] : vector<2048x768xf32> to vector<768xf32>
    %broadcast_in_dim3A_586 = vector.shape_cast %reduce_sum3A_585 : vector<768xf32> to vector<1x768xf32>
    %mul3A_587 = arith.constant 4.8828125E-4 : f32
    %mul3A_588 = vector.broadcast %mul3A_587 : f32 to vector<1x768xf32>
    %mul3A_589 = arith.mulf %broadcast_in_dim3A_586, %mul3A_588 : vector<1x768xf32>
    %swap3A_590 = arith.constant 26 : index
    %swap3A_591 = arith.constant 0 : index
    %swap3A_592 = vector.load %arg10[%swap3A_590, %swap3A_591] : memref<32x768xf32, #tpu.memory_space<vmem>>, vector<1x768xf32>
    tpu.vector_store %arg10[%swap3A_590, %swap3A_591], %mul3A_589 {strides = array<i32>} : memref<32x768xf32, #tpu.memory_space<vmem>>, vector<1x768xf32>,
    %add3A_593 = arith.constant 28 : i32
    %add3A_594 = arith.addi %mul3A_0, %add3A_593 : i32
    %dma_start3A_595 = arith.constant 0 : i32
    %dma_start3A_596 = arith.constant 0 : i32
    %dma_start3A_597 = tpu.memref_slice %arg1[%add3A_594, %dma_start3A_595, %dma_start3A_596] : memref<32x2048x768xf32, #tpu.memory_space<any>> -> memref<1x2048x768xf32, #tpu.memory_space<any>>
    tpu.enqueue_dma source(%dma_start3A_597 : memref<1x2048x768xf32, #tpu.memory_space<any>>) target(%arg8 : memref<1x2048x768xf32, #tpu.memory_space<vmem>>) target_semaphore(%arg15 : memref<!tpu.dma_semaphore, #tpu.memory_space<semaphore_mem>>)
    %dma_wait3A_598 = arith.constant 0 : i32
    %dma_wait3A_599 = arith.constant 0 : i32
    %dma_wait3A_600 = tpu.memref_slice %arg1[%add3A_572, %dma_wait3A_598, %dma_wait3A_599] : memref<32x2048x768xf32, #tpu.memory_space<any>> -> memref<1x2048x768xf32, #tpu.memory_space<any>>
    tpu.wait_dma2 semaphore(%arg16 : memref<!tpu.dma_semaphore, #tpu.memory_space<semaphore_mem>>) src(%dma_wait3A_600 : memref<1x2048x768xf32, #tpu.memory_space<any>>) dst(%arg9 : memref<1x2048x768xf32, #tpu.memory_space<vmem>>)
    %get3A_601 = arith.constant 0 : index
    %get3A_602 = arith.constant 0 : index
    %get3A_603 = arith.constant 0 : index
    %get3A_604 = vector.load %arg9[%get3A_601, %get3A_602, %get3A_603] : memref<1x2048x768xf32, #tpu.memory_space<vmem>>, vector<1x2048x768xf32>
    %get3A_605 = vector.shape_cast %get3A_604 : vector<1x2048x768xf32> to vector<2048x768xf32>
    %reduce_sum3A_606 = arith.constant dense<0.000000e+00> : vector<768xf32>
    %reduce_sum3A_607 = vector.multi_reduction <add>, %get3A_605, %reduce_sum3A_606 [0] : vector<2048x768xf32> to vector<768xf32>
    %broadcast_in_dim3A_608 = vector.shape_cast %reduce_sum3A_607 : vector<768xf32> to vector<1x768xf32>
    %mul3A_609 = arith.constant 4.8828125E-4 : f32
    %mul3A_610 = vector.broadcast %mul3A_609 : f32 to vector<1x768xf32>
    %mul3A_611 = arith.mulf %broadcast_in_dim3A_608, %mul3A_610 : vector<1x768xf32>
    %swap3A_612 = arith.constant 27 : index
    %swap3A_613 = arith.constant 0 : index
    %swap3A_614 = vector.load %arg10[%swap3A_612, %swap3A_613] : memref<32x768xf32, #tpu.memory_space<vmem>>, vector<1x768xf32>
    tpu.vector_store %arg10[%swap3A_612, %swap3A_613], %mul3A_611 {strides = array<i32>} : memref<32x768xf32, #tpu.memory_space<vmem>>, vector<1x768xf32>,
    %add3A_615 = arith.constant 29 : i32
    %add3A_616 = arith.addi %mul3A_0, %add3A_615 : i32
    %dma_start3A_617 = arith.constant 0 : i32
    %dma_start3A_618 = arith.constant 0 : i32
    %dma_start3A_619 = tpu.memref_slice %arg1[%add3A_616, %dma_start3A_617, %dma_start3A_618] : memref<32x2048x768xf32, #tpu.memory_space<any>> -> memref<1x2048x768xf32, #tpu.memory_space<any>>
    tpu.enqueue_dma source(%dma_start3A_619 : memref<1x2048x768xf32, #tpu.memory_space<any>>) target(%arg9 : memref<1x2048x768xf32, #tpu.memory_space<vmem>>) target_semaphore(%arg16 : memref<!tpu.dma_semaphore, #tpu.memory_space<semaphore_mem>>)
    %dma_wait3A_620 = arith.constant 0 : i32
    %dma_wait3A_621 = arith.constant 0 : i32
    %dma_wait3A_622 = tpu.memref_slice %arg1[%add3A_594, %dma_wait3A_620, %dma_wait3A_621] : memref<32x2048x768xf32, #tpu.memory_space<any>> -> memref<1x2048x768xf32, #tpu.memory_space<any>>
    tpu.wait_dma2 semaphore(%arg15 : memref<!tpu.dma_semaphore, #tpu.memory_space<semaphore_mem>>) src(%dma_wait3A_622 : memref<1x2048x768xf32, #tpu.memory_space<any>>) dst(%arg8 : memref<1x2048x768xf32, #tpu.memory_space<vmem>>)
    %get3A_623 = arith.constant 0 : index
    %get3A_624 = arith.constant 0 : index
    %get3A_625 = arith.constant 0 : index
    %get3A_626 = vector.load %arg8[%get3A_623, %get3A_624, %get3A_625] : memref<1x2048x768xf32, #tpu.memory_space<vmem>>, vector<1x2048x768xf32>
    %get3A_627 = vector.shape_cast %get3A_626 : vector<1x2048x768xf32> to vector<2048x768xf32>
    %reduce_sum3A_628 = arith.constant dense<0.000000e+00> : vector<768xf32>
    %reduce_sum3A_629 = vector.multi_reduction <add>, %get3A_627, %reduce_sum3A_628 [0] : vector<2048x768xf32> to vector<768xf32>
    %broadcast_in_dim3A_630 = vector.shape_cast %reduce_sum3A_629 : vector<768xf32> to vector<1x768xf32>
    %mul3A_631 = arith.constant 4.8828125E-4 : f32
    %mul3A_632 = vector.broadcast %mul3A_631 : f32 to vector<1x768xf32>
    %mul3A_633 = arith.mulf %broadcast_in_dim3A_630, %mul3A_632 : vector<1x768xf32>
    %swap3A_634 = arith.constant 28 : index
    %swap3A_635 = arith.constant 0 : index
    %swap3A_636 = vector.load %arg10[%swap3A_634, %swap3A_635] : memref<32x768xf32, #tpu.memory_space<vmem>>, vector<1x768xf32>
    tpu.vector_store %arg10[%swap3A_634, %swap3A_635], %mul3A_633 {strides = array<i32>} : memref<32x768xf32, #tpu.memory_space<vmem>>, vector<1x768xf32>,
    %add3A_637 = arith.constant 30 : i32
    %add3A_638 = arith.addi %mul3A_0, %add3A_637 : i32
    %dma_start3A_639 = arith.constant 0 : i32
    %dma_start3A_640 = arith.constant 0 : i32
    %dma_start3A_641 = tpu.memref_slice %arg1[%add3A_638, %dma_start3A_639, %dma_start3A_640] : memref<32x2048x768xf32, #tpu.memory_space<any>> -> memref<1x2048x768xf32, #tpu.memory_space<any>>
    tpu.enqueue_dma source(%dma_start3A_641 : memref<1x2048x768xf32, #tpu.memory_space<any>>) target(%arg8 : memref<1x2048x768xf32, #tpu.memory_space<vmem>>) target_semaphore(%arg15 : memref<!tpu.dma_semaphore, #tpu.memory_space<semaphore_mem>>)
    %dma_wait3A_642 = arith.constant 0 : i32
    %dma_wait3A_643 = arith.constant 0 : i32
    %dma_wait3A_644 = tpu.memref_slice %arg1[%add3A_616, %dma_wait3A_642, %dma_wait3A_643] : memref<32x2048x768xf32, #tpu.memory_space<any>> -> memref<1x2048x768xf32, #tpu.memory_space<any>>
    tpu.wait_dma2 semaphore(%arg16 : memref<!tpu.dma_semaphore, #tpu.memory_space<semaphore_mem>>) src(%dma_wait3A_644 : memref<1x2048x768xf32, #tpu.memory_space<any>>) dst(%arg9 : memref<1x2048x768xf32, #tpu.memory_space<vmem>>)
    %get3A_645 = arith.constant 0 : index
    %get3A_646 = arith.constant 0 : index
    %get3A_647 = arith.constant 0 : index
    %get3A_648 = vector.load %arg9[%get3A_645, %get3A_646, %get3A_647] : memref<1x2048x768xf32, #tpu.memory_space<vmem>>, vector<1x2048x768xf32>
    %get3A_649 = vector.shape_cast %get3A_648 : vector<1x2048x768xf32> to vector<2048x768xf32>
    %reduce_sum3A_650 = arith.constant dense<0.000000e+00> : vector<768xf32>
    %reduce_sum3A_651 = vector.multi_reduction <add>, %get3A_649, %reduce_sum3A_650 [0] : vector<2048x768xf32> to vector<768xf32>
    %broadcast_in_dim3A_652 = vector.shape_cast %reduce_sum3A_651 : vector<768xf32> to vector<1x768xf32>
    %mul3A_653 = arith.constant 4.8828125E-4 : f32
    %mul3A_654 = vector.broadcast %mul3A_653 : f32 to vector<1x768xf32>
    %mul3A_655 = arith.mulf %broadcast_in_dim3A_652, %mul3A_654 : vector<1x768xf32>
    %swap3A_656 = arith.constant 29 : index
    %swap3A_657 = arith.constant 0 : index
    %swap3A_658 = vector.load %arg10[%swap3A_656, %swap3A_657] : memref<32x768xf32, #tpu.memory_space<vmem>>, vector<1x768xf32>
    tpu.vector_store %arg10[%swap3A_656, %swap3A_657], %mul3A_655 {strides = array<i32>} : memref<32x768xf32, #tpu.memory_space<vmem>>, vector<1x768xf32>,
    %add3A_659 = arith.constant 31 : i32
    %add3A_660 = arith.addi %mul3A_0, %add3A_659 : i32
    %dma_start3A_661 = arith.constant 0 : i32
    %dma_start3A_662 = arith.constant 0 : i32
    %dma_start3A_663 = tpu.memref_slice %arg1[%add3A_660, %dma_start3A_661, %dma_start3A_662] : memref<32x2048x768xf32, #tpu.memory_space<any>> -> memref<1x2048x768xf32, #tpu.memory_space<any>>
    tpu.enqueue_dma source(%dma_start3A_663 : memref<1x2048x768xf32, #tpu.memory_space<any>>) target(%arg9 : memref<1x2048x768xf32, #tpu.memory_space<vmem>>) target_semaphore(%arg16 : memref<!tpu.dma_semaphore, #tpu.memory_space<semaphore_mem>>)
    %dma_wait3A_664 = arith.constant 0 : i32
    %dma_wait3A_665 = arith.constant 0 : i32
    %dma_wait3A_666 = tpu.memref_slice %arg1[%add3A_638, %dma_wait3A_664, %dma_wait3A_665] : memref<32x2048x768xf32, #tpu.memory_space<any>> -> memref<1x2048x768xf32, #tpu.memory_space<any>>
    tpu.wait_dma2 semaphore(%arg15 : memref<!tpu.dma_semaphore, #tpu.memory_space<semaphore_mem>>) src(%dma_wait3A_666 : memref<1x2048x768xf32, #tpu.memory_space<any>>) dst(%arg8 : memref<1x2048x768xf32, #tpu.memory_space<vmem>>)
    %get3A_667 = arith.constant 0 : index
    %get3A_668 = arith.constant 0 : index
    %get3A_669 = arith.constant 0 : index
    %get3A_670 = vector.load %arg8[%get3A_667, %get3A_668, %get3A_669] : memref<1x2048x768xf32, #tpu.memory_space<vmem>>, vector<1x2048x768xf32>
    %get3A_671 = vector.shape_cast %get3A_670 : vector<1x2048x768xf32> to vector<2048x768xf32>
    %reduce_sum3A_672 = arith.constant dense<0.000000e+00> : vector<768xf32>
    %reduce_sum3A_673 = vector.multi_reduction <add>, %get3A_671, %reduce_sum3A_672 [0] : vector<2048x768xf32> to vector<768xf32>
    %broadcast_in_dim3A_674 = vector.shape_cast %reduce_sum3A_673 : vector<768xf32> to vector<1x768xf32>
    %mul3A_675 = arith.constant 4.8828125E-4 : f32
    %mul3A_676 = vector.broadcast %mul3A_675 : f32 to vector<1x768xf32>
    %mul3A_677 = arith.mulf %broadcast_in_dim3A_674, %mul3A_676 : vector<1x768xf32>
    %swap3A_678 = arith.constant 30 : index
    %swap3A_679 = arith.constant 0 : index
    %swap3A_680 = vector.load %arg10[%swap3A_678, %swap3A_679] : memref<32x768xf32, #tpu.memory_space<vmem>>, vector<1x768xf32>
    tpu.vector_store %arg10[%swap3A_678, %swap3A_679], %mul3A_677 {strides = array<i32>} : memref<32x768xf32, #tpu.memory_space<vmem>>, vector<1x768xf32>,
    %dma_wait3A_681 = arith.constant 0 : i32
    %dma_wait3A_682 = arith.constant 0 : i32
    %dma_wait3A_683 = tpu.memref_slice %arg1[%add3A_660, %dma_wait3A_681, %dma_wait3A_682] : memref<32x2048x768xf32, #tpu.memory_space<any>> -> memref<1x2048x768xf32, #tpu.memory_space<any>>
    tpu.wait_dma2 semaphore(%arg16 : memref<!tpu.dma_semaphore, #tpu.memory_space<semaphore_mem>>) src(%dma_wait3A_683 : memref<1x2048x768xf32, #tpu.memory_space<any>>) dst(%arg9 : memref<1x2048x768xf32, #tpu.memory_space<vmem>>)
    %get3A_684 = arith.constant 0 : index
    %get3A_685 = arith.constant 0 : index
    %get3A_686 = arith.constant 0 : index
    %get3A_687 = vector.load %arg9[%get3A_684, %get3A_685, %get3A_686] : memref<1x2048x768xf32, #tpu.memory_space<vmem>>, vector<1x2048x768xf32>
    %get3A_688 = vector.shape_cast %get3A_687 : vector<1x2048x768xf32> to vector<2048x768xf32>
    %reduce_sum3A_689 = arith.constant dense<0.000000e+00> : vector<768xf32>
    %reduce_sum3A_690 = vector.multi_reduction <add>, %get3A_688, %reduce_sum3A_689 [0] : vector<2048x768xf32> to vector<768xf32>
    %broadcast_in_dim3A_691 = vector.shape_cast %reduce_sum3A_690 : vector<768xf32> to vector<1x768xf32>
    %mul3A_692 = arith.constant 4.8828125E-4 : f32
    %mul3A_693 = vector.broadcast %mul3A_692 : f32 to vector<1x768xf32>
    %mul3A_694 = arith.mulf %broadcast_in_dim3A_691, %mul3A_693 : vector<1x768xf32>
    %swap3A_695 = arith.constant 31 : index
    %swap3A_696 = arith.constant 0 : index
    %swap3A_697 = vector.load %arg10[%swap3A_695, %swap3A_696] : memref<32x768xf32, #tpu.memory_space<vmem>>, vector<1x768xf32>
    tpu.vector_store %arg10[%swap3A_695, %swap3A_696], %mul3A_694 {strides = array<i32>} : memref<32x768xf32, #tpu.memory_space<vmem>>, vector<1x768xf32>,
    tpu.wait_dma2 semaphore(%arg14 : memref<!tpu.dma_semaphore, #tpu.memory_space<semaphore_mem>>) src(%arg2 : memref<1024x768xf32, #tpu.memory_space<any>>) dst(%arg7 : memref<1024x768xf32, #tpu.memory_space<vmem>>)
    %get3A_698 = arith.constant 0 : index
    %get3A_699 = arith.constant 0 : index
    %get3A_700 = vector.load %arg7[%get3A_698, %get3A_699] : memref<1024x768xf32, #tpu.memory_space<vmem>>, vector<1024x768xf32>
    %mul3A_701 = arith.mulf %get3A_700, %get3A_700 : vector<1024x768xf32>
    %reduce_sum3A_702 = arith.constant dense<0.000000e+00> : vector<1024xf32>
    %reduce_sum3A_703 = vector.multi_reduction <add>, %mul3A_701, %reduce_sum3A_702 [1] : vector<1024x768xf32> to vector<1024xf32>
    %broadcast_in_dim3A_704 = vector.shape_cast %reduce_sum3A_703 : vector<1024xf32> to vector<1024x1xf32>
    %max3A = arith.constant 9.99999996E-13 : f32
    %max3A_705 = vector.broadcast %max3A : f32 to vector<1024x1xf32>
    %max3A_706 = arith.maximumf %broadcast_in_dim3A_704, %max3A_705 : vector<1024x1xf32>
    %rsqrt3A = math.rsqrt %max3A_706 : vector<1024x1xf32>
    %mul3A_707 = vector.broadcast %rsqrt3A : vector<1024x1xf32> to vector<1024x768xf32>
    %mul3A_708 = arith.mulf %get3A_700, %mul3A_707 : vector<1024x768xf32>
    %swap3A_709 = arith.constant 0 : index
    %swap3A_710 = arith.constant 0 : index
    %swap3A_711 = vector.load %arg7[%swap3A_709, %swap3A_710] : memref<1024x768xf32, #tpu.memory_space<vmem>>, vector<1024x768xf32>
    tpu.vector_store %arg7[%swap3A_709, %swap3A_710], %mul3A_708 {strides = array<i32>} : memref<1024x768xf32, #tpu.memory_space<vmem>>, vector<1024x768xf32>,
    %mul3A_712 = arith.constant 1024 : i32
    %mul3A_713 = arith.muli %arg0, %mul3A_712 : i32
    %mul3A_714 = arith.constant 1024 : i32
    %mul3A_715 = arith.muli %arg0, %mul3A_714 : i32
    %dma_start3A_716 = arith.constant 0 : i32
    %dma_start3A_717 = tpu.memref_slice %arg5[%mul3A_715, %dma_start3A_716] : memref<1024x768xf32, #tpu.memory_space<any>> -> memref<1024x768xf32, #tpu.memory_space<any>>
    %dma_start3A_718 = arith.constant 0 : i32
    %dma_start3A_719 = tpu.memref_slice %arg7[%mul3A_713, %dma_start3A_718] : memref<1024x768xf32, #tpu.memory_space<vmem>> -> memref<1024x768xf32, #tpu.memory_space<vmem>>
    tpu.enqueue_dma source(%dma_start3A_719 : memref<1024x768xf32, #tpu.memory_space<vmem>>) target(%dma_start3A_717 : memref<1024x768xf32, #tpu.memory_space<any>>) target_semaphore(%arg17 : memref<!tpu.dma_semaphore, #tpu.memory_space<semaphore_mem>>)
    %get3A_720 = arith.constant 0 : index
    %get3A_721 = arith.constant 0 : index
    %get3A_722 = vector.load %arg10[%get3A_720, %get3A_721] : memref<32x768xf32, #tpu.memory_space<vmem>>, vector<32x768xf32>
    %mul3A_723 = arith.mulf %get3A_722, %get3A_722 : vector<32x768xf32>
    %reduce_sum3A_724 = arith.constant dense<0.000000e+00> : vector<32xf32>
    %reduce_sum3A_725 = vector.multi_reduction <add>, %mul3A_723, %reduce_sum3A_724 [1] : vector<32x768xf32> to vector<32xf32>
    %broadcast_in_dim3A_726 = vector.shape_cast %reduce_sum3A_725 : vector<32xf32> to vector<32x1xf32>
    %max3A_727 = arith.constant 9.99999996E-13 : f32
    %max3A_728 = vector.broadcast %max3A_727 : f32 to vector<32x1xf32>
    %max3A_729 = arith.maximumf %broadcast_in_dim3A_726, %max3A_728 : vector<32x1xf32>
    %rsqrt3A_730 = math.rsqrt %max3A_729 : vector<32x1xf32>
    %mul3A_731 = vector.broadcast %rsqrt3A_730 : vector<32x1xf32> to vector<32x768xf32>
    %mul3A_732 = arith.mulf %get3A_722, %mul3A_731 : vector<32x768xf32>
    %dot_general3A = arith.constant dense<0.000000e+00> : vector<32x1024xf32>
    %dot_general3A_733 = tpu.matmul %mul3A_732, %mul3A_708, %dot_general3A {dimension_numbers = #tpu.dot_dimension_numbers<[1], [1], [0], [0], [0, 0, 1, 0], [], []>, transpose_lhs_hint = false} : vector<32x768xf32>, vector<1024x768xf32>, vector<32x1024xf32> -> vector<32x1024xf32>
    %swap3A_734 = arith.constant 0 : index
    %swap3A_735 = arith.constant 0 : index
    %swap3A_736 = vector.load %arg11[%swap3A_734, %swap3A_735] : memref<32x1024xf32, #tpu.memory_space<vmem>>, vector<32x1024xf32>
    tpu.vector_store %arg11[%swap3A_734, %swap3A_735], %dot_general3A_733 {strides = array<i32>} : memref<32x1024xf32, #tpu.memory_space<vmem>>, vector<32x1024xf32>,
    %iota3A = tpu.iota {dimensions = array<i32: 1>} : vector<32x1024xi32>
    %broadcast_in_dim3A_737 = arith.constant 0.000000e+00 : f32
    %broadcast_in_dim3A_738 = vector.broadcast %broadcast_in_dim3A_737 : f32 to vector<32x1xf32>
    %reduce_max3A = arith.constant dense<0xFF800000> : vector<32xf32>
    %reduce_max3A_739 = vector.multi_reduction <maximumf>, %dot_general3A_733, %reduce_max3A [1] : vector<32x1024xf32> to vector<32xf32>
    %broadcast_in_dim3A_740 = vector.shape_cast %reduce_max3A_739 : vector<32xf32> to vector<32x1xf32>
    %eq3A = vector.broadcast %broadcast_in_dim3A_740 : vector<32x1xf32> to vector<32x1024xf32>
    %eq3A_741 = arith.cmpf oeq, %dot_general3A_733, %eq3A : vector<32x1024xf32>
    %jit3A = arith.constant 1073741824 : i32
    %broadcast_in_dim3A_742 = vector.broadcast %jit3A : i32 to vector<32x1024xi32>
    %select_n3A = arith.select %eq3A_741, %iota3A, %broadcast_in_dim3A_742 : vector<32x1024xi1>, vector<32x1024xi32>
    %reduce_min3A = arith.constant dense<2147483647> : vector<32xi32>
    %reduce_min3A_743 = vector.multi_reduction <minsi>, %select_n3A, %reduce_min3A [1] : vector<32x1024xi32> to vector<32xi32>
    %broadcast_in_dim3A_744 = vector.shape_cast %reduce_min3A_743 : vector<32xi32> to vector<32x1xi32>
    %swap3A_745 = arith.constant 0 : index
    %swap3A_746 = arith.constant 0 : index
    %swap3A_747 = vector.load %arg12[%swap3A_745, %swap3A_746] : memref<32x8xi32, #tpu.memory_space<vmem>>, vector<32x1xi32>
    tpu.vector_store %arg12[%swap3A_745, %swap3A_746], %broadcast_in_dim3A_744 {strides = array<i32>} : memref<32x8xi32, #tpu.memory_space<vmem>>, vector<32x1xi32>,
    %add3A_748 = arith.addf %broadcast_in_dim3A_738, %broadcast_in_dim3A_740 : vector<32x1xf32>
    %eq3A_749 = vector.broadcast %broadcast_in_dim3A_744 : vector<32x1xi32> to vector<32x1024xi32>
    %eq3A_750 = arith.cmpi eq, %iota3A, %eq3A_749 : vector<32x1024xi32>
    %jit3A_751 = arith.constant 0xFF800000 : f32
    %broadcast_in_dim3A_752 = vector.broadcast %jit3A_751 : f32 to vector<32x1024xf32>
    %select_n3A_753 = arith.select %eq3A_750, %broadcast_in_dim3A_752, %dot_general3A_733 : vector<32x1024xi1>, vector<32x1024xf32>
    %reduce_max3A_754 = arith.constant dense<0xFF800000> : vector<32xf32>
    %reduce_max3A_755 = vector.multi_reduction <maximumf>, %select_n3A_753, %reduce_max3A_754 [1] : vector<32x1024xf32> to vector<32xf32>
    %broadcast_in_dim3A_756 = vector.shape_cast %reduce_max3A_755 : vector<32xf32> to vector<32x1xf32>
    %eq3A_757 = vector.broadcast %broadcast_in_dim3A_756 : vector<32x1xf32> to vector<32x1024xf32>
    %eq3A_758 = arith.cmpf oeq, %select_n3A_753, %eq3A_757 : vector<32x1024xf32>
    %jit3A_759 = arith.constant 1073741824 : i32
    %broadcast_in_dim3A_760 = vector.broadcast %jit3A_759 : i32 to vector<32x1024xi32>
    %select_n3A_761 = arith.select %eq3A_758, %iota3A, %broadcast_in_dim3A_760 : vector<32x1024xi1>, vector<32x1024xi32>
    %reduce_min3A_762 = arith.constant dense<2147483647> : vector<32xi32>
    %reduce_min3A_763 = vector.multi_reduction <minsi>, %select_n3A_761, %reduce_min3A_762 [1] : vector<32x1024xi32> to vector<32xi32>
    %broadcast_in_dim3A_764 = vector.shape_cast %reduce_min3A_763 : vector<32xi32> to vector<32x1xi32>
    %swap3A_765 = arith.constant 0 : index
    %swap3A_766 = arith.constant 1 : index
    %swap3A_767 = vector.load %arg12[%swap3A_765, %swap3A_766] : memref<32x8xi32, #tpu.memory_space<vmem>>, vector<32x1xi32>
    tpu.vector_store %arg12[%swap3A_765, %swap3A_766], %broadcast_in_dim3A_764 {strides = array<i32>} : memref<32x8xi32, #tpu.memory_space<vmem>>, vector<32x1xi32>,
    %add3A_768 = arith.addf %add3A_748, %broadcast_in_dim3A_756 : vector<32x1xf32>
    %eq3A_769 = vector.broadcast %broadcast_in_dim3A_764 : vector<32x1xi32> to vector<32x1024xi32>
    %eq3A_770 = arith.cmpi eq, %iota3A, %eq3A_769 : vector<32x1024xi32>
    %jit3A_771 = arith.constant 0xFF800000 : f32
    %broadcast_in_dim3A_772 = vector.broadcast %jit3A_771 : f32 to vector<32x1024xf32>
    %select_n3A_773 = arith.select %eq3A_770, %broadcast_in_dim3A_772, %select_n3A_753 : vector<32x1024xi1>, vector<32x1024xf32>
    %reduce_max3A_774 = arith.constant dense<0xFF800000> : vector<32xf32>
    %reduce_max3A_775 = vector.multi_reduction <maximumf>, %select_n3A_773, %reduce_max3A_774 [1] : vector<32x1024xf32> to vector<32xf32>
    %broadcast_in_dim3A_776 = vector.shape_cast %reduce_max3A_775 : vector<32xf32> to vector<32x1xf32>
    %eq3A_777 = vector.broadcast %broadcast_in_dim3A_776 : vector<32x1xf32> to vector<32x1024xf32>
    %eq3A_778 = arith.cmpf oeq, %select_n3A_773, %eq3A_777 : vector<32x1024xf32>
    %jit3A_779 = arith.constant 1073741824 : i32
    %broadcast_in_dim3A_780 = vector.broadcast %jit3A_779 : i32 to vector<32x1024xi32>
    %select_n3A_781 = arith.select %eq3A_778, %iota3A, %broadcast_in_dim3A_780 : vector<32x1024xi1>, vector<32x1024xi32>
    %reduce_min3A_782 = arith.constant dense<2147483647> : vector<32xi32>
    %reduce_min3A_783 = vector.multi_reduction <minsi>, %select_n3A_781, %reduce_min3A_782 [1] : vector<32x1024xi32> to vector<32xi32>
    %broadcast_in_dim3A_784 = vector.shape_cast %reduce_min3A_783 : vector<32xi32> to vector<32x1xi32>
    %swap3A_785 = arith.constant 0 : index
    %swap3A_786 = arith.constant 2 : index
    %swap3A_787 = vector.load %arg12[%swap3A_785, %swap3A_786] : memref<32x8xi32, #tpu.memory_space<vmem>>, vector<32x1xi32>
    tpu.vector_store %arg12[%swap3A_785, %swap3A_786], %broadcast_in_dim3A_784 {strides = array<i32>} : memref<32x8xi32, #tpu.memory_space<vmem>>, vector<32x1xi32>,
    %add3A_788 = arith.addf %add3A_768, %broadcast_in_dim3A_776 : vector<32x1xf32>
    %eq3A_789 = vector.broadcast %broadcast_in_dim3A_784 : vector<32x1xi32> to vector<32x1024xi32>
    %eq3A_790 = arith.cmpi eq, %iota3A, %eq3A_789 : vector<32x1024xi32>
    %jit3A_791 = arith.constant 0xFF800000 : f32
    %broadcast_in_dim3A_792 = vector.broadcast %jit3A_791 : f32 to vector<32x1024xf32>
    %select_n3A_793 = arith.select %eq3A_790, %broadcast_in_dim3A_792, %select_n3A_773 : vector<32x1024xi1>, vector<32x1024xf32>
    %reduce_max3A_794 = arith.constant dense<0xFF800000> : vector<32xf32>
    %reduce_max3A_795 = vector.multi_reduction <maximumf>, %select_n3A_793, %reduce_max3A_794 [1] : vector<32x1024xf32> to vector<32xf32>
    %broadcast_in_dim3A_796 = vector.shape_cast %reduce_max3A_795 : vector<32xf32> to vector<32x1xf32>
    %eq3A_797 = vector.broadcast %broadcast_in_dim3A_796 : vector<32x1xf32> to vector<32x1024xf32>
    %eq3A_798 = arith.cmpf oeq, %select_n3A_793, %eq3A_797 : vector<32x1024xf32>
    %jit3A_799 = arith.constant 1073741824 : i32
    %broadcast_in_dim3A_800 = vector.broadcast %jit3A_799 : i32 to vector<32x1024xi32>
    %select_n3A_801 = arith.select %eq3A_798, %iota3A, %broadcast_in_dim3A_800 : vector<32x1024xi1>, vector<32x1024xi32>
    %reduce_min3A_802 = arith.constant dense<2147483647> : vector<32xi32>
    %reduce_min3A_803 = vector.multi_reduction <minsi>, %select_n3A_801, %reduce_min3A_802 [1] : vector<32x1024xi32> to vector<32xi32>
    %broadcast_in_dim3A_804 = vector.shape_cast %reduce_min3A_803 : vector<32xi32> to vector<32x1xi32>
    %swap3A_805 = arith.constant 0 : index
    %swap3A_806 = arith.constant 3 : index
    %swap3A_807 = vector.load %arg12[%swap3A_805, %swap3A_806] : memref<32x8xi32, #tpu.memory_space<vmem>>, vector<32x1xi32>
    tpu.vector_store %arg12[%swap3A_805, %swap3A_806], %broadcast_in_dim3A_804 {strides = array<i32>} : memref<32x8xi32, #tpu.memory_space<vmem>>, vector<32x1xi32>,
    %add3A_808 = arith.addf %add3A_788, %broadcast_in_dim3A_796 : vector<32x1xf32>
    %eq3A_809 = vector.broadcast %broadcast_in_dim3A_804 : vector<32x1xi32> to vector<32x1024xi32>
    %eq3A_810 = arith.cmpi eq, %iota3A, %eq3A_809 : vector<32x1024xi32>
    %jit3A_811 = arith.constant 0xFF800000 : f32
    %broadcast_in_dim3A_812 = vector.broadcast %jit3A_811 : f32 to vector<32x1024xf32>
    %select_n3A_813 = arith.select %eq3A_810, %broadcast_in_dim3A_812, %select_n3A_793 : vector<32x1024xi1>, vector<32x1024xf32>
    %reduce_max3A_814 = arith.constant dense<0xFF800000> : vector<32xf32>
    %reduce_max3A_815 = vector.multi_reduction <maximumf>, %select_n3A_813, %reduce_max3A_814 [1] : vector<32x1024xf32> to vector<32xf32>
    %broadcast_in_dim3A_816 = vector.shape_cast %reduce_max3A_815 : vector<32xf32> to vector<32x1xf32>
    %eq3A_817 = vector.broadcast %broadcast_in_dim3A_816 : vector<32x1xf32> to vector<32x1024xf32>
    %eq3A_818 = arith.cmpf oeq, %select_n3A_813, %eq3A_817 : vector<32x1024xf32>
    %jit3A_819 = arith.constant 1073741824 : i32
    %broadcast_in_dim3A_820 = vector.broadcast %jit3A_819 : i32 to vector<32x1024xi32>
    %select_n3A_821 = arith.select %eq3A_818, %iota3A, %broadcast_in_dim3A_820 : vector<32x1024xi1>, vector<32x1024xi32>
    %reduce_min3A_822 = arith.constant dense<2147483647> : vector<32xi32>
    %reduce_min3A_823 = vector.multi_reduction <minsi>, %select_n3A_821, %reduce_min3A_822 [1] : vector<32x1024xi32> to vector<32xi32>
    %broadcast_in_dim3A_824 = vector.shape_cast %reduce_min3A_823 : vector<32xi32> to vector<32x1xi32>
    %swap3A_825 = arith.constant 0 : index
    %swap3A_826 = arith.constant 4 : index
    %swap3A_827 = vector.load %arg12[%swap3A_825, %swap3A_826] : memref<32x8xi32, #tpu.memory_space<vmem>>, vector<32x1xi32>
    tpu.vector_store %arg12[%swap3A_825, %swap3A_826], %broadcast_in_dim3A_824 {strides = array<i32>} : memref<32x8xi32, #tpu.memory_space<vmem>>, vector<32x1xi32>,
    %add3A_828 = arith.addf %add3A_808, %broadcast_in_dim3A_816 : vector<32x1xf32>
    %eq3A_829 = vector.broadcast %broadcast_in_dim3A_824 : vector<32x1xi32> to vector<32x1024xi32>
    %eq3A_830 = arith.cmpi eq, %iota3A, %eq3A_829 : vector<32x1024xi32>
    %jit3A_831 = arith.constant 0xFF800000 : f32
    %broadcast_in_dim3A_832 = vector.broadcast %jit3A_831 : f32 to vector<32x1024xf32>
    %select_n3A_833 = arith.select %eq3A_830, %broadcast_in_dim3A_832, %select_n3A_813 : vector<32x1024xi1>, vector<32x1024xf32>
    %reduce_max3A_834 = arith.constant dense<0xFF800000> : vector<32xf32>
    %reduce_max3A_835 = vector.multi_reduction <maximumf>, %select_n3A_833, %reduce_max3A_834 [1] : vector<32x1024xf32> to vector<32xf32>
    %broadcast_in_dim3A_836 = vector.shape_cast %reduce_max3A_835 : vector<32xf32> to vector<32x1xf32>
    %eq3A_837 = vector.broadcast %broadcast_in_dim3A_836 : vector<32x1xf32> to vector<32x1024xf32>
    %eq3A_838 = arith.cmpf oeq, %select_n3A_833, %eq3A_837 : vector<32x1024xf32>
    %jit3A_839 = arith.constant 1073741824 : i32
    %broadcast_in_dim3A_840 = vector.broadcast %jit3A_839 : i32 to vector<32x1024xi32>
    %select_n3A_841 = arith.select %eq3A_838, %iota3A, %broadcast_in_dim3A_840 : vector<32x1024xi1>, vector<32x1024xi32>
    %reduce_min3A_842 = arith.constant dense<2147483647> : vector<32xi32>
    %reduce_min3A_843 = vector.multi_reduction <minsi>, %select_n3A_841, %reduce_min3A_842 [1] : vector<32x1024xi32> to vector<32xi32>
    %broadcast_in_dim3A_844 = vector.shape_cast %reduce_min3A_843 : vector<32xi32> to vector<32x1xi32>
    %swap3A_845 = arith.constant 0 : index
    %swap3A_846 = arith.constant 5 : index
    %swap3A_847 = vector.load %arg12[%swap3A_845, %swap3A_846] : memref<32x8xi32, #tpu.memory_space<vmem>>, vector<32x1xi32>
    tpu.vector_store %arg12[%swap3A_845, %swap3A_846], %broadcast_in_dim3A_844 {strides = array<i32>} : memref<32x8xi32, #tpu.memory_space<vmem>>, vector<32x1xi32>,
    %add3A_848 = arith.addf %add3A_828, %broadcast_in_dim3A_836 : vector<32x1xf32>
    %eq3A_849 = vector.broadcast %broadcast_in_dim3A_844 : vector<32x1xi32> to vector<32x1024xi32>
    %eq3A_850 = arith.cmpi eq, %iota3A, %eq3A_849 : vector<32x1024xi32>
    %jit3A_851 = arith.constant 0xFF800000 : f32
    %broadcast_in_dim3A_852 = vector.broadcast %jit3A_851 : f32 to vector<32x1024xf32>
    %select_n3A_853 = arith.select %eq3A_850, %broadcast_in_dim3A_852, %select_n3A_833 : vector<32x1024xi1>, vector<32x1024xf32>
    %reduce_max3A_854 = arith.constant dense<0xFF800000> : vector<32xf32>
    %reduce_max3A_855 = vector.multi_reduction <maximumf>, %select_n3A_853, %reduce_max3A_854 [1] : vector<32x1024xf32> to vector<32xf32>
    %broadcast_in_dim3A_856 = vector.shape_cast %reduce_max3A_855 : vector<32xf32> to vector<32x1xf32>
    %eq3A_857 = vector.broadcast %broadcast_in_dim3A_856 : vector<32x1xf32> to vector<32x1024xf32>
    %eq3A_858 = arith.cmpf oeq, %select_n3A_853, %eq3A_857 : vector<32x1024xf32>
    %jit3A_859 = arith.constant 1073741824 : i32
    %broadcast_in_dim3A_860 = vector.broadcast %jit3A_859 : i32 to vector<32x1024xi32>
    %select_n3A_861 = arith.select %eq3A_858, %iota3A, %broadcast_in_dim3A_860 : vector<32x1024xi1>, vector<32x1024xi32>
    %reduce_min3A_862 = arith.constant dense<2147483647> : vector<32xi32>
    %reduce_min3A_863 = vector.multi_reduction <minsi>, %select_n3A_861, %reduce_min3A_862 [1] : vector<32x1024xi32> to vector<32xi32>
    %broadcast_in_dim3A_864 = vector.shape_cast %reduce_min3A_863 : vector<32xi32> to vector<32x1xi32>
    %swap3A_865 = arith.constant 0 : index
    %swap3A_866 = arith.constant 6 : index
    %swap3A_867 = vector.load %arg12[%swap3A_865, %swap3A_866] : memref<32x8xi32, #tpu.memory_space<vmem>>, vector<32x1xi32>
    tpu.vector_store %arg12[%swap3A_865, %swap3A_866], %broadcast_in_dim3A_864 {strides = array<i32>} : memref<32x8xi32, #tpu.memory_space<vmem>>, vector<32x1xi32>,
    %add3A_868 = arith.addf %add3A_848, %broadcast_in_dim3A_856 : vector<32x1xf32>
    %eq3A_869 = vector.broadcast %broadcast_in_dim3A_864 : vector<32x1xi32> to vector<32x1024xi32>
    %eq3A_870 = arith.cmpi eq, %iota3A, %eq3A_869 : vector<32x1024xi32>
    %jit3A_871 = arith.constant 0xFF800000 : f32
    %broadcast_in_dim3A_872 = vector.broadcast %jit3A_871 : f32 to vector<32x1024xf32>
    %select_n3A_873 = arith.select %eq3A_870, %broadcast_in_dim3A_872, %select_n3A_853 : vector<32x1024xi1>, vector<32x1024xf32>
    %reduce_max3A_874 = arith.constant dense<0xFF800000> : vector<32xf32>
    %reduce_max3A_875 = vector.multi_reduction <maximumf>, %select_n3A_873, %reduce_max3A_874 [1] : vector<32x1024xf32> to vector<32xf32>
    %broadcast_in_dim3A_876 = vector.shape_cast %reduce_max3A_875 : vector<32xf32> to vector<32x1xf32>
    %eq3A_877 = vector.broadcast %broadcast_in_dim3A_876 : vector<32x1xf32> to vector<32x1024xf32>
    %eq3A_878 = arith.cmpf oeq, %select_n3A_873, %eq3A_877 : vector<32x1024xf32>
    %jit3A_879 = arith.constant 1073741824 : i32
    %broadcast_in_dim3A_880 = vector.broadcast %jit3A_879 : i32 to vector<32x1024xi32>
    %select_n3A_881 = arith.select %eq3A_878, %iota3A, %broadcast_in_dim3A_880 : vector<32x1024xi1>, vector<32x1024xi32>
    %reduce_min3A_882 = arith.constant dense<2147483647> : vector<32xi32>
    %reduce_min3A_883 = vector.multi_reduction <minsi>, %select_n3A_881, %reduce_min3A_882 [1] : vector<32x1024xi32> to vector<32xi32>
    %broadcast_in_dim3A_884 = vector.shape_cast %reduce_min3A_883 : vector<32xi32> to vector<32x1xi32>
    %swap3A_885 = arith.constant 0 : index
    %swap3A_886 = arith.constant 7 : index
    %swap3A_887 = vector.load %arg12[%swap3A_885, %swap3A_886] : memref<32x8xi32, #tpu.memory_space<vmem>>, vector<32x1xi32>
    tpu.vector_store %arg12[%swap3A_885, %swap3A_886], %broadcast_in_dim3A_884 {strides = array<i32>} : memref<32x8xi32, #tpu.memory_space<vmem>>, vector<32x1xi32>,
    %add3A_888 = arith.addf %add3A_868, %broadcast_in_dim3A_876 : vector<32x1xf32>
    %eq3A_889 = vector.broadcast %broadcast_in_dim3A_884 : vector<32x1xi32> to vector<32x1024xi32>
    %eq3A_890 = arith.cmpi eq, %iota3A, %eq3A_889 : vector<32x1024xi32>
    %jit3A_891 = arith.constant 0xFF800000 : f32
    %broadcast_in_dim3A_892 = vector.broadcast %jit3A_891 : f32 to vector<32x1024xf32>
    %select_n3A_893 = arith.select %eq3A_890, %broadcast_in_dim3A_892, %select_n3A_873 : vector<32x1024xi1>, vector<32x1024xf32>
    %reduce_sum3A_894 = arith.constant dense<0.000000e+00> : vector<1xf32>
    %reduce_sum3A_895 = vector.multi_reduction <add>, %add3A_888, %reduce_sum3A_894 [0] : vector<32x1xf32> to vector<1xf32>
    %broadcast_in_dim3A_896 = vector.shape_cast %reduce_sum3A_895 : vector<1xf32> to vector<1x1xf32>
    %mul3A_897 = arith.constant 3.125000e-02 : f32
    %mul3A_898 = vector.broadcast %mul3A_897 : f32 to vector<1x1xf32>
    %mul3A_899 = arith.mulf %broadcast_in_dim3A_896, %mul3A_898 : vector<1x1xf32>
    %swap3A_900 = arith.constant 0 : index
    %swap3A_901 = arith.constant 0 : index
    %swap3A_902 = vector.load %arg13[%swap3A_900, %swap3A_901] : memref<1x1xf32, #tpu.memory_space<vmem>>, vector<1x1xf32>
    tpu.vector_store %arg13[%swap3A_900, %swap3A_901], %mul3A_899 {strides = array<i32>} : memref<1x1xf32, #tpu.memory_space<vmem>>, vector<1x1xf32>,
    "tpu.region"() ({
      %run_scoped3A = tpu.sem_alloc : memref<!tpu.dma_semaphore, #tpu.memory_space<semaphore_mem>>
      %dma_start3A_907 = arith.constant 0 : i32
      %dma_start3A_908 = tpu.memref_slice %arg3[%mul3A_0, %dma_start3A_907] : memref<32x1024xf32, #tpu.memory_space<any>> -> memref<32x1024xf32, #tpu.memory_space<any>>
      tpu.enqueue_dma source(%arg11 : memref<32x1024xf32, #tpu.memory_space<vmem>>) target(%dma_start3A_908 : memref<32x1024xf32, #tpu.memory_space<any>>) target_semaphore(%run_scoped3A : memref<!tpu.dma_semaphore, #tpu.memory_space<semaphore_mem>>)
      %dma_wait3A_909 = arith.constant 0 : i32
      %dma_wait3A_910 = tpu.memref_slice %arg3[%mul3A_0, %dma_wait3A_909] : memref<32x1024xf32, #tpu.memory_space<any>> -> memref<32x1024xf32, #tpu.memory_space<any>>
      tpu.wait_dma2 semaphore(%run_scoped3A : memref<!tpu.dma_semaphore, #tpu.memory_space<semaphore_mem>>) src(%arg11 : memref<32x1024xf32, #tpu.memory_space<vmem>>) dst(%dma_wait3A_910 : memref<32x1024xf32, #tpu.memory_space<any>>)
      tpu.yield
    }) : () -> ()
    "tpu.region"() ({
      %run_scoped3A = tpu.sem_alloc : memref<!tpu.dma_semaphore, #tpu.memory_space<semaphore_mem>>
      %dma_start3A_907 = arith.constant 0 : i32
      %dma_start3A_908 = tpu.memref_slice %arg4[%mul3A_0, %dma_start3A_907] : memref<32x8xi32, #tpu.memory_space<any>> -> memref<32x8xi32, #tpu.memory_space<any>>
      tpu.enqueue_dma source(%arg12 : memref<32x8xi32, #tpu.memory_space<vmem>>) target(%dma_start3A_908 : memref<32x8xi32, #tpu.memory_space<any>>) target_semaphore(%run_scoped3A : memref<!tpu.dma_semaphore, #tpu.memory_space<semaphore_mem>>)
      %dma_wait3A_909 = arith.constant 0 : i32
      %dma_wait3A_910 = tpu.memref_slice %arg4[%mul3A_0, %dma_wait3A_909] : memref<32x8xi32, #tpu.memory_space<any>> -> memref<32x8xi32, #tpu.memory_space<any>>
      tpu.wait_dma2 semaphore(%run_scoped3A : memref<!tpu.dma_semaphore, #tpu.memory_space<semaphore_mem>>) src(%arg12 : memref<32x8xi32, #tpu.memory_space<vmem>>) dst(%dma_wait3A_910 : memref<32x8xi32, #tpu.memory_space<any>>)
      tpu.yield
    }) : () -> ()
    "tpu.region"() ({
      %run_scoped3A = tpu.sem_alloc : memref<!tpu.dma_semaphore, #tpu.memory_space<semaphore_mem>>
      %dma_start3A_907 = arith.constant 0 : i32
      %dma_start3A_908 = tpu.memref_slice %arg6[%arg0, %dma_start3A_907] : memref<1x1xf32, #tpu.memory_space<any>> -> memref<1x1xf32, #tpu.memory_space<any>>
      tpu.enqueue_dma source(%arg13 : memref<1x1xf32, #tpu.memory_space<vmem>>) target(%dma_start3A_908 : memref<1x1xf32, #tpu.memory_space<any>>) target_semaphore(%run_scoped3A : memref<!tpu.dma_semaphore, #tpu.memory_space<semaphore_mem>>)
      %dma_wait3A_909 = arith.constant 0 : i32
      %dma_wait3A_910 = tpu.memref_slice %arg6[%arg0, %dma_wait3A_909] : memref<1x1xf32, #tpu.memory_space<any>> -> memref<1x1xf32, #tpu.memory_space<any>>
      tpu.wait_dma2 semaphore(%run_scoped3A : memref<!tpu.dma_semaphore, #tpu.memory_space<semaphore_mem>>) src(%arg13 : memref<1x1xf32, #tpu.memory_space<vmem>>) dst(%dma_wait3A_910 : memref<1x1xf32, #tpu.memory_space<any>>)
      tpu.yield
    }) : () -> ()
    %dma_wait3A_903 = arith.constant 0 : i32
    %dma_wait3A_904 = tpu.memref_slice %arg5[%mul3A_715, %dma_wait3A_903] : memref<1024x768xf32, #tpu.memory_space<any>> -> memref<1024x768xf32, #tpu.memory_space<any>>
    %dma_wait3A_905 = arith.constant 0 : i32
    %dma_wait3A_906 = tpu.memref_slice %arg7[%mul3A_713, %dma_wait3A_905] : memref<1024x768xf32, #tpu.memory_space<vmem>> -> memref<1024x768xf32, #tpu.memory_space<vmem>>
    tpu.wait_dma2 semaphore(%arg17 : memref<!tpu.dma_semaphore, #tpu.memory_space<semaphore_mem>>) src(%dma_wait3A_906 : memref<1024x768xf32, #tpu.memory_space<vmem>>) dst(%dma_wait3A_904 : memref<1024x768xf32, #tpu.memory_space<any>>)
    return
  }
}

</mosaic_0001>

<sc_bundles>
// kernel: kernel.4.cloned.1.call-start
scs
__scs_entry_jumppad:
0x0: {  	(pc) =	sbr.rel $0x88, $3  }
0x1: {  	(tag) =	ssettag $0x0;
	lr =	simm.s32 $0x1  }
0x2: {  	[smem:$0x3F9E] =	sst lr;
	_ =	strace $0xD0000000  }
0x3: {  	_ = 	snop  }
0x4: {  	_ = 	snop  }
0x5: {  	_ = 	snop  }
0x6: {  	_ = 	snop  }
0x7: {  	_ = 	snop  }
__scs_overlays_trampoline_lowered:
0x8: {  	[smem:$0x3FAD] =	sst s0  }
0x9: {  	[smem:$0x3FAE] =	sst s1  }
0xa: {  	[smem:$0x3FAF] =	sst s2  }
0xb: {  	[smem:$0x3FB0] =	sst s3  }
0xc: {  	[smem:$0x3FB1] =	sst s4  }
0xd: {  	[smem:$0x3FB2] =	sst s5  }
0xe: {  	[smem:$0x3FB3] =	sst s6  }
0xf: {  	[smem:$0x3FB4] =	sst s7  }
0x10: {  	[smem:$0x3FB5] =	sst s8  }
0x11: {  	[smem:$0x3FB6] =	sst s9;
	s0 =	simm.s32 @!p0 $0x0  }
0x12: {  	s1 =	sld [smem:$0x3F9C];
	s0 =	simm.s32 @p0 $0x1  }
0x13: {  	[smem:$0x3FB7] =	sst s0;
	s0 =	simm.s32 @!p1 $0x0  }
0x14: {  	s2 =	sld [smem:$0x3F9B];
	s0 =	simm.s32 @p1 $0x1  }
0x15: {  	[smem:$0x3FB8] =	sst s0;
	s0 =	simm.s32 @!p2 $0x0  }
0x16: {  	s3 =	sld [smem:$0x3FDB];
	s0 =	simm.s32 @p2 $0x1  }
0x17: {  	s4 =	simm.s32 $0x1BF5;
	[smem:$0x3FBA] =	sst s0  }
0x18: {  	s0 =	sld [smem:$0x3F9D];
	_ =	swait.ge [sflag:s4], $0x0  }
0x19: {  	s7 =	sld [smem:$0x3F9E]  }
0x1a: {  	s8 =	sadd.s32 $0xFFFFE003, lr  }
0x1b: {  	s9 =	sadd.s32 $0xFFFFFEF7, lr;
	s5 =	simm.s32 $0xFFFFFFFF;
	p2 =	slt.u32 s8, $0xFFFFF086  }
0x1c: {  	p1 =	slt.u32 s9, $0xF7A;
	s5 =	simm.s32 @!p2 $0x0  }
0x1d: {  	s5 =	simm.s32 @p1 $0x1;
	p0 =	seq.s32 s7, s2  }
0x1e: {  	s7 =	smul.u32 @!p0 $0xF7A, s2;
	p2 =	seq.s32 @!p0 s5, $0x0  }
0x1f: {  	s9 =	smul.u32 $0xF7A, s1;
	s8 =	simm.s32 @!p0 $0x1BF5;
	p2 =	por !p2, p0  }
0x20: {  	[sflag:s8] =	ssyncset.s32 @!p0 $0xFFFFF086;
	s6 =	sadd.s32 @!p0 s3, s7;
	s7 =	simm.s32 @!p0 $0x108  }
0x21: {  	s3 =	sadd.s32 s3, s9;
	s6 =	sadd.s32 @!p0 $0x88, s6;
	s7 =	simm.s32 @p2 $0x1082  }
0x22: {  	[simem:s7], [sflag:s8] =	dma.local @!p0 [hbm:s6], $0xF7A  }
0x23: {  	s9 =	sor.u32 $0xD0000000, s2;
	s6 =	simm.s32 $0x108;
	_ =	swait.ge @!p0 [sflag:s8], $0x0  }
0x24: {  	s3 =	sadd.s32 $0x88, s3;
	s6 =	simm.s32 @!p1 $0x1082;
	[sflag:s4] =	ssyncset.s32 $0xFFFFF086  }
0x25: {  	[simem:s6], [sflag:s4] =	dma.local [hbm:s3], $0xF7A  }
0x26: {  	[smem:$0x3F9E] =	sst s1;
	(tag) =	ssettag s2;
	_ =	strace s9  }
0x27: {  	s1 =	sld [smem:$0x3FAE]  }
0x28: {  	s2 =	sld [smem:$0x3FAF]  }
0x29: {  	s4 =	sld [smem:$0x3FB1]  }
0x2a: {  	p0 =	seq.s32 s5, $0x0;
	s5 =	sld [smem:$0x3FB2]  }
0x2b: {  	s6 =	sld [smem:$0x3FB3]  }
0x2c: {  	s7 =	sld [smem:$0x3FB4]  }
0x2d: {  	s3 =	simm.s32 $0x108;
	s8 =	sld [smem:$0x3FB5]  }
0x2e: {  	s3 =	simm.s32 @!p0 $0x1082;
	s9 =	sld [smem:$0x3FB6]  }
0x2f: {  	lr =	sadd.s32 s0, s3;
	s0 =	sld [smem:$0x3FAD]  }
0x30: {  	s3 =	sld [smem:$0x3FB0]  }
0x31: {  	[smem:$0x3FB9] =	sst s10  }
0x32: {  	s10 =	sld [smem:$0x3FB7];
	_ =	sdelay $0x3  }
0x33: {  	p0 =	seq.s32 s10, $0x1;
	s10 =	sld [smem:$0x3FB9];
	_ =	sdelay $0x3  }
0x34: {  	[smem:$0x3FB9] =	sst s10  }
0x35: {  	s10 =	sld [smem:$0x3FB8];
	_ =	sdelay $0x3  }
0x36: {  	p1 =	seq.s32 s10, $0x1;
	s10 =	sld [smem:$0x3FB9];
	_ =	sdelay $0x3  }
0x37: {  	[smem:$0x3FB9] =	sst s10  }
0x38: {  	s10 =	sld [smem:$0x3FBA]  }
0x39: {  	_ = 	snop;
	(pc) =	sbr.ind lr, $3  }
0x3a: {  	_ = 	snop  }
0x3b: {  	_ = 	snop  }
0x3c: {  	p2 =	seq.s32 s10, $0x1;
	s10 =	sld [smem:$0x3FB9]  }
0x3d: {  	_ =	shalt  }
0x3e: {  	_ =	shalt  }
0x3f: {  	_ =	shalt  }
0x40: {  	_ =	shalt  }
0x41: {  	_ =	shalt  }
0x42: {  	_ =	shalt  }
0x43: {  	_ =	shalt  }
0x44: {  	_ =	shalt  }
0x45: {  	_ =	shalt  }
0x46: {  	_ =	shalt  }
0x47: {  	_ =	shalt  }
0x48: {  	_ =	shalt  }
0x49: {  	_ =	shalt  }
0x4a: {  	_ =	shalt  }
0x4b: {  	_ =	shalt  }
0x4c: {  	_ =	shalt  }
0x4d: {  	_ =	shalt  }
0x4e: {  	_ =	shalt  }
0x4f: {  	_ =	shalt  }
0x50: {  	_ =	shalt  }
0x51: {  	_ =	shalt  }
0x52: {  	_ =	shalt  }
0x53: {  	_ =	shalt  }
0x54: {  	_ =	shalt  }
0x55: {  	_ =	shalt  }
0x56: {  	_ =	shalt  }
0x57: {  	_ =	shalt  }
0x58: {  	_ =	shalt  }
0x59: {  	_ =	shalt  }
0x5a: {  	_ =	shalt  }
0x5b: {  	_ =	shalt  }
0x5c: {  	_ =	shalt  }
0x5d: {  	_ =	shalt  }
0x5e: {  	_ =	shalt  }
0x5f: {  	_ =	shalt  }
0x60: {  	_ =	shalt  }
0x61: {  	_ =	shalt  }
0x62: {  	_ =	shalt  }
0x63: {  	_ =	shalt  }
0x64: {  	_ =	shalt  }
0x65: {  	_ =	shalt  }
0x66: {  	_ =	shalt  }
0x67: {  	_ =	shalt  }
0x68: {  	_ =	shalt  }
0x69: {  	_ =	shalt  }
0x6a: {  	_ =	shalt  }
0x6b: {  	_ =	shalt  }
0x6c: {  	_ =	shalt  }
0x6d: {  	_ =	shalt  }
0x6e: {  	_ =	shalt  }
0x6f: {  	_ =	shalt  }
0x70: {  	_ =	shalt  }
0x71: {  	_ =	shalt  }
0x72: {  	_ =	shalt  }
0x73: {  	_ =	shalt  }
0x74: {  	_ =	shalt  }
0x75: {  	_ =	shalt  }
0x76: {  	_ =	shalt  }
0x77: {  	_ =	shalt  }
0x78: {  	_ =	shalt  }
0x79: {  	_ =	shalt  }
0x7a: {  	_ =	shalt  }
0x7b: {  	_ =	shalt  }
0x7c: {  	_ =	shalt  }
0x7d: {  	_ =	shalt  }
0x7e: {  	_ =	shalt  }
0x7f: {  	_ =	shalt  }
0x80: {  	_ =	shalt  }
0x81: {  	_ =	shalt  }
0x82: {  	_ =	shalt  }
0x83: {  	_ =	shalt  }
0x84: {  	_ =	shalt  }
0x85: {  	_ =	shalt  }
0x86: {  	_ =	shalt  }
0x87: {  	_ =	shalt  }
.Lfunc_end0:
.L_simem_size_0:
called_computation_lowered:
.L_overlay_start_0:
0x88: {  	s2 =	sld [smem:$0x3FD9]  }
0x89: {  	s3 =	sld [smem:$0x3FFE];
	_ =	sdelay $0x1  }
0x8a: {  	s1 =	srdreg.scid  }
0x8b: {  	s0 =	sand.u32 $0x1, s1  }
0x8c: {  	s14 =	sshll.u32 s0, $0xA;
	s2 =	sadd.s32 s3, s2  }
0x8d: {  	s2 =	sadd.s32 s2, s14  }
0x8e: {  	[smem:$0x3FC5] =	sst s2  }
0x8f: {  	_ = 	snop  }
0x90: {  	s2 =	sld [smem:$0x3FD0];
	_ =	sdelay $0x2  }
0x91: {  	s4 =	simm.s32 $0xA;
	s5 =	simm.s32 $0x10;
	s15 =	sld [smem:$0x3FC8]  }
0x92: {  	[smem:s5], [sflag:s4] =	dma.local [hbm:s2], $0x1  }
0x93: {  	_ =	swait.eq [sflag:s4], $0x1  }
0x94: {  	[sflag:s4] =	ssyncset.done $0x0  }
0x95: {  	s16 =	sld [smem:$0x12];
	[sflag:s4] =	ssyncadd.s32 $0xFFFFFFFF  }
0x96: {  	s17 =	sld [smem:$0x13];
	(tm) =	ssettm $0x1  }
0x97: {  	s18 =	sld [smem:$0x3FFB];
	_ =	sdelay $0x3  }
0x98: {  	_ =	strace s18  }
0x99: {  	s5 =	sld [smem:$0x3FFC];
	_ =	sdelay $0x3  }
0x9a: {  	_ =	strace s5  }
0x9b: {  	s5 =	sld [smem:$0x3FFD];
	_ =	sdelay $0x3  }
0x9c: {  	_ =	strace s5  }
0x9d: {  	_ =	strace $0x8FFFFFFF  }
0x9e: {  	s19 =	sld [smem:$0x3FDB];
	_ =	sdelay $0x1  }
0x9f: {  	s6 =	simm.s32 $_scs_section_size  }
0xa0: {  	s7 =	simm.s32 $_size__tile_overlayer_lowered;
	s8 =	simm.s32 $_tile_overlayer_lowered  }
0xa1: {  	s22 =	simm.s32 $0x1BFF;
	s21 =	sshll.u32 s8, $0x1;
	s5 =	sadd.s32 s6, s19  }
0xa2: {  	s9 =	simm.s32 $0x0;
	s20 =	sshll.u32 s7, $0x1;
	s7 =	sadd.s32 s21, s5  }
0xa3: {  	[timem:s9], [sflag:s22] =	dma.local [hbm:s7], s20  }
0xa4: {  	_ =	swait.ge [sflag:s22], s20  }
0xa5: {  	s6 =	ssub.s32 $0x0, s20;
	[sflag:s22] =	ssyncset.done $0x0  }
0xa6: {  	[sflag:s22] =	ssyncadd.s32 s6;
	_ =	sdelay $0x1  }
0xa7: {  	s23 =	simm.s32 $0x1B8B  }
0xa8: {  	_ =	swait.ge [sflag:s23], $0x1  }
0xa9: {  	[sflag:s23] =	ssyncset.done $0x0  }
0xaa: {  	s25 =	simm.s32 $0x1B8E;
	s24 =	sld [smem:$0x3FFE];
	[sflag:s23] =	ssyncadd.s32 $0xFFFFFFFF  }
0xab: {  	s26 =	simm.s32 $execute0_lowered;
	[smem:$0x3FD2] =	sst s25  }
0xac: {  	s7 =	sshll.u32 s26, $0x1;
	_ =	strace $0x80000046;
	[dreg:$0x1] =	wrdreg $0xFFFFFFFF  }
0xad: {  	s28 =	simm.s32 $_size_execute0_lowered;
	s5 =	sadd.s32 s5, s7;
	[dreg:$0x0] =	wrdreg $0x0  }
0xae: {  	s7 =	sshll.u32 s28, $0x1;
	[dreg:$0x2] =	wrdreg s5  }
0xaf: {  	[dreg:$0x3] =	wrdreg s7  }
0xb0: {  	[dreg:$0x4] =	wrdreg $0xC0  }
0xb1: {  	_ =	task [dreg:s9], $0x5FFFF  }
0xb2: {  	[dreg:$0x1] =	wrdreg $0xFFFFFFFF  }
0xb3: {  	[dreg:$0x0] =	wrdreg $0x60  }
0xb4: {  	[dreg:$0x2] =	wrdreg s15  }
0xb5: {  	[dreg:$0x3] =	wrdreg s24  }
0xb6: {  	[dreg:$0x4] =	wrdreg s16  }
0xb7: {  	[dreg:$0x5] =	wrdreg s17  }
0xb8: {  	[dreg:$0x6] =	wrdreg $0x9  }
0xb9: {  	_ =	task.clear_ibuf [dreg:s9], $0x7FFFF;
	_ =	strace $0x90000046  }
0xba: {  	s29 =	simm.s32 $0x9;
	_ =	strace $0x80000048  }
0xbb: {  	_ =	swait.ge [sflag:s29], $0x1  }
0xbc: {  	[sflag:s29] =	ssyncadd.s32 $0xFFFFFFFF  }
0xbd: {  	_ =	strace $0x90000048  }
0xbe: {  	_ =	sfence  }
0xbf: {  	s30 =	sld [smem:$0x0];
	_ =	sdelay $0x2  }
0xc0: {  	s31 =	sshll.u32 s1, $0xD;
	s1 =	sshrl.u32 s1, $0x2  }
0xc1: {  	s3 =	sand.u32 $0x4000, s31;
	s1 =	sadd.s32 s1, s30  }
0xc2: {  	s0 =	sor.u32 s3, s0;
	s1 =	sshll.u32 s1, $0x11  }
0xc3: {  	s0 =	sor.u32 s1, s0  }
0xc4: {  	s0 =	sadd.s32 $0x8F2B, s0  }
0xc5: {  	[sflag:s0] =	ssyncadd.remote.s32 $0x1  }
0xc6: {  	_ =	sfence.sel $0xFFFF  }
0xc7: {  	[dreg:$0x0] =	wrdreg $0xFFFFFFFF;
	(pc) =	sbr.abs _section_cstart, $3  }
0xc8: {  	[dreg:$0x1] =	wrdreg $0xFFFFFFFF  }
0xc9: {  	_ =	task.clear_ibuf [dreg:s9], $0x2FFFF;
	_ =	strace $0x9FFFFFFF  }
0xca: {  	(tm) =	ssettm $0x7FFFFFFF  }
0xcb: {  	_ =	shalt  }
tec
execute0_lowered:
.L_overlay_start_1:
0x0: {  	(tag) =	ssettag $0x1  }
0x1: {  	s1 =	rddreg [dreg:$0x0]  }
0x2: {  	s0 =	rddreg [dreg:$0x1]  }
0x3: {  	s2 =	srdreg.scid;
	s3 =	stileid.u32  }
0x4: {  	s4 =	rddreg [dreg:$0x2];
	s2 =	sand.u32 $0x1, s2;
	s3 =	sshll.u32 s3, $0x1  }
0x5: {  	s6 =	rddreg [dreg:$0x3];
	s5 =	sor.u32 s2, s3;
	s3 =	simm.s32 $0x0  }
0x6: {  	s8 =	sadd.s32 $0x1000, s0;
	s9 =	sadd.s32 $0x19200, s0;
	[smem:$0x7FF] =	sst s3  }
0x7: {  	s26 =	sadd.s32 $0x1100, s0;
	_ =	strace $0x80000047;
	[dreg:$0x5] =	wrdreg s8  }
0x8: {  	s7 =	smul.u32 $0x1E0, s5;
	s24 =	sshll.u32 s5, $0x3;
	[dreg:$0x6] =	wrdreg s9  }
0x9: {  	s22 =	smul.u32 $0x300, s5;
	s25 =	sor.u32 $0x200, s24;
	[dreg:$0x9] =	wrdreg s26  }
0xa: {  	s26 =	simm.s32 $0x18B00;
	[dreg:$0x8] =	wrdreg s25  }
0xb: {  	s7 =	sshrl.u32 s7, $0x3;
	s24 =	sadd.s32 s6, s22;
	[dreg:$0x1b] =	wrdreg s26  }
0xc: {  	s25 =	simm.s32 $0x200;
	s23 =	sadd.s32 s7, s0;
	[dreg:$0x19] =	wrdreg s24  }
0xd: {  	s7 =	smul.u32 $0x300, s7;
	s0 =	sadd.s32 $0x1200, s0;
	[dreg:$0x1a] =	wrdreg s25  }
0xe: {  	s8 =	sadd.s32 $0x19400, s23;
	[dreg:$0xa] =	wrdreg s0  }
0xf: {  	[dreg:$0x7] =	wrdreg s8;
	s31 =	sadd.s32 s4, s7  }
0x10: {  	s7 =	sadd.s32 $0xC00, s31;
	[dreg:$0x1d] =	wrdreg s31  }
0x11: {  	s28 =	simm.s32 $0x3;
	s9 =	sadd.s32 $0x1800, s31;
	[dreg:$0xb] =	wrdreg s7  }
0x12: {  	s29 =	simm.s32 $0x6;
	s10 =	sadd.s32 $0x2400, s31;
	[dreg:$0xc] =	wrdreg s9  }
0x13: {  	s30 =	simm.s32 $0x4;
	s11 =	sadd.s32 $0x3000, s31;
	[dreg:$0xd] =	wrdreg s10  }
0x14: {  	s2 =	ssub.s32 $0x2, s2;
	s12 =	sadd.s32 $0x3C00, s31;
	[dreg:$0xe] =	wrdreg s11  }
0x15: {  	s19 =	sshrl.u32 s2, $0x1;
	s13 =	sadd.s32 $0x4800, s31;
	[dreg:$0xf] =	wrdreg s12  }
0x16: {  	s5 =	sadd.s32 $0x100, s1;
	s14 =	sadd.s32 $0x5400, s31;
	[dreg:$0x10] =	wrdreg s13  }
0x17: {  	s2 =	ssub.s32 s2, s19;
	s15 =	sadd.s32 $0x6000, s31;
	[dreg:$0x11] =	wrdreg s14  }
0x18: {  	s6 =	sadd.s32 $0x200, s1;
	s16 =	sadd.s32 $0x6C00, s31;
	[dreg:$0x12] =	wrdreg s15  }
0x19: {  	s26 =	simm.s32 $0x5;
	s17 =	sadd.s32 $0x7800, s31;
	[dreg:$0x13] =	wrdreg s16  }
0x1a: {  	s22 =	simm.s32 $0x300;
	s18 =	sadd.s32 $0x8400, s31;
	[dreg:$0x14] =	wrdreg s17  }
0x1b: {  	s25 =	simm.s32 $0x2;
	s20 =	sadd.s32 $0x9000, s31;
	[dreg:$0x15] =	wrdreg s18  }
0x1c: {  	s4 =	simm.s32 $0x6300;
	s21 =	sadd.s32 $0x9C00, s31;
	[dreg:$0x16] =	wrdreg s20  }
0x1d: {  	v2 =	vlaneseq.u32;
	s8 =	simm.s32 $0xC300;
	s23 =	sadd.s32 $0xA800, s31;
	[dreg:$0x17] =	wrdreg s21  }
0x1e: {  	vm0 =	vmmov $0xffff;
	v1 =	vshrl.u32 v2, $0x3;
	s31 =	simm.s32 $0x19300;
	[dreg:$0x18] =	wrdreg s23;
	s7 =	smax.u32 s2, $0x1  }
0x1f: {  	v0 =	vand.u32 $0x7, v2;
	v2 =	vor.u32 $0x8, v2;
	v1 =	vmul.u32 $0x8, v1;
	s10 =	simm.s32 $0x8;
	[dreg:$0x1c] =	wrdreg s31;
	s23 =	simm.s32 $0x1  }
.LBB2_1:
0x20: {  	s31 =	rddreg [dreg:$0x7]  }
0x21: {  	[tilespmem:s3], [sflag:$0x8] =	stream.linear.gather [hbm4b:s31+s3], $0x1E0, $0x38;
	[tilespmem:$0x19B00] =	vst v63  }
0x22: {  	_ =	swait.ge [sflag:s10], $0x1E0  }
0x23: {  	s17 =	rddreg [dreg:$0x6];
	[sflag:s10] =	ssyncset.done $0x0  }
0x24: {  	s2 =	rddreg [dreg:$0x1a];
	[sflag:s10] =	ssyncadd.s32 $0xFFFFFE20  }
0x25: {  	[tilespmem:s2], [sflag:$0x8] =	stream.linear.gather [hbm4b:s17+s3], $0x100, $0x38;
	[tilespmem:$0x19B00] =	vst v63  }
0x26: {  	_ =	swait.ge [sflag:s10], $0x100  }
0x27: {  	[sflag:s10] =	ssyncset.done $0x0  }
0x28: {  	s18 =	rddreg [dreg:$0x8];
	[sflag:s10] =	ssyncadd.s32 $0xFFFFFF00  }
0x29: {  	v3 =	vld.msk [tilespmem:s18+$0x0], $0xff;
	_ =	sdelay $0x4  }
0x2a: {  	v4 =	vshrl.u32 v3, $0x3  }
0x2b: {  	v4 =	vmul.u32 $0x30, v4  }
0x2c: {  	v3 =	vand.u32 $0x7, v3  }
0x2d: {  	v3 =	vor.u32 v3, v4  }
0x2e: {  	v3 =	vperm.xlane v3, v0;
	_ =	sdelay $0x1  }
0x2f: {  	v3 =	vadd.s32 v1, v3;
	_ =	sdelay $0x1  }
0x30: {  	s19 =	rddreg [dreg:$0x5]  }
0x31: {  	s20 =	rddreg [dreg:$0x9]  }
0x32: {  	s0 =	simm.s32 $0x18300;
	s21 =	rddreg [dreg:$0x1b]  }
0x33: {  	[tilespmem:s0], [sflag:$0x7] =	stream.indirect_vreg.gather [hbm4b:s19+s3], $0x80, v3, vm0, $0xb8;
	[tilespmem:$0x19B00] =	vst v63  }
0x34: {  	s24 =	rddreg [dreg:$0xa]  }
0x35: {  	[tilespmem:s21], [sflag:$0x7] =	stream.indirect_vreg.gather [hbm4b:s20+s3], $0x80, v3, vm0, $0xb8;
	[tilespmem:$0x19B00] =	vst v63  }
0x36: {  	s9 =	rddreg [dreg:$0x1c]  }
0x37: {  	[tilespmem:s9], [sflag:$0x7] =	stream.indirect_vreg.gather [hbm4b:s24+s3], $0x80, v3, vm0, $0xb8;
	[tilespmem:$0x19B00] =	vst v63  }
0x38: {  	v3 =	vld [tilespmem:$0x0];
	_ =	sdelay $0x4  }
0x39: {  	v34 =	vshrl.u32 v3, $0x3  }
0x3a: {  	v4 =	vmul.u32 $0x30, v34  }
0x3b: {  	v3 =	vand.u32 $0x7, v3  }
0x3c: {  	v3 =	vor.u32 v3, v4  }
0x3d: {  	v4 =	vperm.xlane v3, v0;
	_ =	sdelay $0x1  }
0x3e: {  	v4 =	vadd.s32 v1, v4;
	_ =	sdelay $0x3  }
0x3f: {  	v3 =	vperm.xlane v3, v2  }
0x40: {  	[tilespmem:s22], [sflag:$0x1] =	stream.indirect_vreg.gather [hbm4b:s1+s3], $0x80, v4, vm0, $0xb8;
	[tilespmem:$0x19B00] =	vst v63  }
0x41: {  	s31 =	simm.s32 $0xB00;
	v3 =	vadd.s32 v1, v3  }
0x42: {  	[tilespmem:s31], [sflag:$0x1] =	stream.indirect_vreg.gather [hbm4b:s5+s3], $0x80, v4, vm0, $0xb8;
	[tilespmem:$0x19B00] =	vst v63  }
0x43: {  	s2 =	simm.s32 $0x1300  }
0x44: {  	[tilespmem:s2], [sflag:$0x1] =	stream.indirect_vreg.gather [hbm4b:s6+s3], $0x80, v4, vm0, $0xb8;
	[tilespmem:$0x19B00] =	vst v63  }
0x45: {  	s9 =	simm.s32 $0x1B00  }
0x46: {  	[tilespmem:s9], [sflag:$0x1] =	stream.indirect_vreg.gather [hbm4b:s1+s3], $0x80, v3, vm0, $0xb8;
	[tilespmem:$0x19B00] =	vst v63  }
0x47: {  	s11 =	simm.s32 $0x2300  }
0x48: {  	[tilespmem:s11], [sflag:$0x1] =	stream.indirect_vreg.gather [hbm4b:s5+s3], $0x80, v3, vm0, $0xb8;
	[tilespmem:$0x19B00] =	vst v63  }
0x49: {  	s12 =	simm.s32 $0x2B00  }
0x4a: {  	[tilespmem:s12], [sflag:$0x1] =	stream.indirect_vreg.gather [hbm4b:s6+s3], $0x80, v3, vm0, $0xb8;
	[tilespmem:$0x19B00] =	vst v63  }
0x4b: {  	v3 =	vld [tilespmem:$0x10];
	_ =	sdelay $0x4  }
0x4c: {  	v35 =	vshrl.u32 v3, $0x3  }
0x4d: {  	v4 =	vmul.u32 $0x30, v35  }
0x4e: {  	v3 =	vand.u32 $0x7, v3  }
0x4f: {  	v3 =	vor.u32 v3, v4  }
0x50: {  	v4 =	vperm.xlane v3, v0;
	_ =	sdelay $0x1  }
0x51: {  	v4 =	vadd.s32 v1, v4;
	_ =	sdelay $0x3  }
0x52: {  	s14 =	simm.s32 $0x3300;
	v3 =	vperm.xlane v3, v2  }
0x53: {  	[tilespmem:s14], [sflag:$0x1] =	stream.indirect_vreg.gather [hbm4b:s1+s3], $0x80, v4, vm0, $0xb8;
	[tilespmem:$0x19B00] =	vst v63  }
0x54: {  	s15 =	simm.s32 $0x3B00;
	v3 =	vadd.s32 v1, v3  }
0x55: {  	[tilespmem:s15], [sflag:$0x1] =	stream.indirect_vreg.gather [hbm4b:s5+s3], $0x80, v4, vm0, $0xb8;
	[tilespmem:$0x19B00] =	vst v63  }
0x56: {  	s16 =	simm.s32 $0x4300  }
0x57: {  	[tilespmem:s16], [sflag:$0x1] =	stream.indirect_vreg.gather [hbm4b:s6+s3], $0x80, v4, vm0, $0xb8;
	[tilespmem:$0x19B00] =	vst v63  }
0x58: {  	s17 =	simm.s32 $0x4B00  }
0x59: {  	[tilespmem:s17], [sflag:$0x1] =	stream.indirect_vreg.gather [hbm4b:s1+s3], $0x80, v3, vm0, $0xb8;
	[tilespmem:$0x19B00] =	vst v63  }
0x5a: {  	s21 =	simm.s32 $0x5300  }
0x5b: {  	[tilespmem:s21], [sflag:$0x1] =	stream.indirect_vreg.gather [hbm4b:s5+s3], $0x80, v3, vm0, $0xb8;
	[tilespmem:$0x19B00] =	vst v63  }
0x5c: {  	s24 =	simm.s32 $0x5B00  }
0x5d: {  	[tilespmem:s24], [sflag:$0x1] =	stream.indirect_vreg.gather [hbm4b:s6+s3], $0x80, v3, vm0, $0xb8;
	[tilespmem:$0x19B00] =	vst v63  }
0x5e: {  	v3 =	vld [tilespmem:$0x20];
	_ =	sdelay $0x4  }
0x5f: {  	v36 =	vshrl.u32 v3, $0x3  }
0x60: {  	v4 =	vmul.u32 $0x30, v36  }
0x61: {  	v3 =	vand.u32 $0x7, v3  }
0x62: {  	v3 =	vor.u32 v3, v4  }
0x63: {  	v4 =	vperm.xlane v3, v0;
	_ =	sdelay $0x1  }
0x64: {  	v4 =	vadd.s32 v1, v4;
	_ =	sdelay $0x3  }
0x65: {  	v3 =	vperm.xlane v3, v2  }
0x66: {  	[tilespmem:s4], [sflag:$0x2] =	stream.indirect_vreg.gather [hbm4b:s1+s3], $0x80, v4, vm0, $0xb8;
	[tilespmem:$0x19B00] =	vst v63  }
0x67: {  	s31 =	simm.s32 $0x6B00;
	v3 =	vadd.s32 v1, v3  }
0x68: {  	[tilespmem:s31], [sflag:$0x2] =	stream.indirect_vreg.gather [hbm4b:s5+s3], $0x80, v4, vm0, $0xb8;
	[tilespmem:$0x19B00] =	vst v63  }
0x69: {  	s2 =	simm.s32 $0x7300  }
0x6a: {  	[tilespmem:s2], [sflag:$0x2] =	stream.indirect_vreg.gather [hbm4b:s6+s3], $0x80, v4, vm0, $0xb8;
	[tilespmem:$0x19B00] =	vst v63  }
0x6b: {  	s21 =	simm.s32 $0x7B00  }
0x6c: {  	[tilespmem:s21], [sflag:$0x2] =	stream.indirect_vreg.gather [hbm4b:s1+s3], $0x80, v3, vm0, $0xb8;
	[tilespmem:$0x19B00] =	vst v63  }
0x6d: {  	s24 =	simm.s32 $0x8300  }
0x6e: {  	[tilespmem:s24], [sflag:$0x2] =	stream.indirect_vreg.gather [hbm4b:s5+s3], $0x80, v3, vm0, $0xb8;
	[tilespmem:$0x19B00] =	vst v63  }
0x6f: {  	s31 =	simm.s32 $0x8B00  }
0x70: {  	[tilespmem:s31], [sflag:$0x2] =	stream.indirect_vreg.gather [hbm4b:s6+s3], $0x80, v3, vm0, $0xb8;
	[tilespmem:$0x19B00] =	vst v63  }
0x71: {  	v3 =	vld [tilespmem:$0x30];
	_ =	sdelay $0x4  }
0x72: {  	v37 =	vshrl.u32 v3, $0x3  }
0x73: {  	v4 =	vmul.u32 $0x30, v37  }
0x74: {  	v3 =	vand.u32 $0x7, v3  }
0x75: {  	v3 =	vor.u32 v3, v4  }
0x76: {  	v4 =	vperm.xlane v3, v0;
	_ =	sdelay $0x1  }
0x77: {  	v4 =	vadd.s32 v1, v4;
	_ =	sdelay $0x3  }
0x78: {  	s2 =	simm.s32 $0x9300;
	v3 =	vperm.xlane v3, v2  }
0x79: {  	[tilespmem:s2], [sflag:$0x2] =	stream.indirect_vreg.gather [hbm4b:s1+s3], $0x80, v4, vm0, $0xb8;
	[tilespmem:$0x19B00] =	vst v63  }
0x7a: {  	s21 =	simm.s32 $0x9B00;
	v3 =	vadd.s32 v1, v3  }
0x7b: {  	[tilespmem:s21], [sflag:$0x2] =	stream.indirect_vreg.gather [hbm4b:s5+s3], $0x80, v4, vm0, $0xb8;
	[tilespmem:$0x19B00] =	vst v63  }
0x7c: {  	s2 =	simm.s32 $0xA300  }
0x7d: {  	[tilespmem:s2], [sflag:$0x2] =	stream.indirect_vreg.gather [hbm4b:s6+s3], $0x80, v4, vm0, $0xb8;
	[tilespmem:$0x19B00] =	vst v63  }
0x7e: {  	s21 =	simm.s32 $0xAB00  }
0x7f: {  	[tilespmem:s21], [sflag:$0x2] =	stream.indirect_vreg.gather [hbm4b:s1+s3], $0x80, v3, vm0, $0xb8;
	[tilespmem:$0x19B00] =	vst v63  }
0x80: {  	s2 =	simm.s32 $0xB300  }
0x81: {  	[tilespmem:s2], [sflag:$0x2] =	stream.indirect_vreg.gather [hbm4b:s5+s3], $0x80, v3, vm0, $0xb8;
	[tilespmem:$0x19B00] =	vst v63  }
0x82: {  	s21 =	simm.s32 $0xBB00  }
0x83: {  	[tilespmem:s21], [sflag:$0x2] =	stream.indirect_vreg.gather [hbm4b:s6+s3], $0x80, v3, vm0, $0xb8;
	[tilespmem:$0x19B00] =	vst v63  }
0x84: {  	v3 =	vld [tilespmem:$0x40];
	_ =	sdelay $0x4  }
0x85: {  	v38 =	vshrl.u32 v3, $0x3  }
0x86: {  	v4 =	vmul.u32 $0x30, v38  }
0x87: {  	v3 =	vand.u32 $0x7, v3  }
0x88: {  	v3 =	vor.u32 v3, v4  }
0x89: {  	v4 =	vperm.xlane v3, v0;
	_ =	sdelay $0x1  }
0x8a: {  	v4 =	vadd.s32 v1, v4;
	_ =	sdelay $0x3  }
0x8b: {  	v3 =	vperm.xlane v3, v2  }
0x8c: {  	[tilespmem:s8], [sflag:$0x3] =	stream.indirect_vreg.gather [hbm4b:s1+s3], $0x80, v4, vm0, $0xb8;
	[tilespmem:$0x19B00] =	vst v63  }
0x8d: {  	s2 =	simm.s32 $0xCB00;
	v3 =	vadd.s32 v1, v3  }
0x8e: {  	[tilespmem:s2], [sflag:$0x3] =	stream.indirect_vreg.gather [hbm4b:s5+s3], $0x80, v4, vm0, $0xb8;
	[tilespmem:$0x19B00] =	vst v63  }
0x8f: {  	s2 =	simm.s32 $0xD300  }
0x90: {  	[tilespmem:s2], [sflag:$0x3] =	stream.indirect_vreg.gather [hbm4b:s6+s3], $0x80, v4, vm0, $0xb8;
	[tilespmem:$0x19B00] =	vst v63  }
0x91: {  	s2 =	simm.s32 $0xDB00  }
0x92: {  	[tilespmem:s2], [sflag:$0x3] =	stream.indirect_vreg.gather [hbm4b:s1+s3], $0x80, v3, vm0, $0xb8;
	[tilespmem:$0x19B00] =	vst v63  }
0x93: {  	s2 =	simm.s32 $0xE300  }
0x94: {  	[tilespmem:s2], [sflag:$0x3] =	stream.indirect_vreg.gather [hbm4b:s5+s3], $0x80, v3, vm0, $0xb8;
	[tilespmem:$0x19B00] =	vst v63  }
0x95: {  	s2 =	simm.s32 $0xEB00  }
0x96: {  	[tilespmem:s2], [sflag:$0x3] =	stream.indirect_vreg.gather [hbm4b:s6+s3], $0x80, v3, vm0, $0xb8;
	[tilespmem:$0x19B00] =	vst v63  }
0x97: {  	v3 =	vld [tilespmem:$0x50];
	_ =	sdelay $0x4  }
0x98: {  	v39 =	vshrl.u32 v3, $0x3  }
0x99: {  	v4 =	vmul.u32 $0x30, v39  }
0x9a: {  	v3 =	vand.u32 $0x7, v3  }
0x9b: {  	v3 =	vor.u32 v3, v4  }
0x9c: {  	v4 =	vperm.xlane v3, v0;
	_ =	sdelay $0x1  }
0x9d: {  	v4 =	vadd.s32 v1, v4;
	_ =	sdelay $0x3  }
0x9e: {  	s2 =	simm.s32 $0xF300;
	v3 =	vperm.xlane v3, v2  }
0x9f: {  	[tilespmem:s2], [sflag:$0x3] =	stream.indirect_vreg.gather [hbm4b:s1+s3], $0x80, v4, vm0, $0xb8;
	[tilespmem:$0x19B00] =	vst v63  }
0xa0: {  	v3 =	vadd.s32 v1, v3;
	s2 =	simm.s32 $0xFB00  }
0xa1: {  	[tilespmem:s2], [sflag:$0x3] =	stream.indirect_vreg.gather [hbm4b:s5+s3], $0x80, v4, vm0, $0xb8;
	[tilespmem:$0x19B00] =	vst v63  }
0xa2: {  	s2 =	simm.s32 $0x10300  }
0xa3: {  	[tilespmem:s2], [sflag:$0x3] =	stream.indirect_vreg.gather [hbm4b:s6+s3], $0x80, v4, vm0, $0xb8;
	[tilespmem:$0x19B00] =	vst v63  }
0xa4: {  	s2 =	simm.s32 $0x10B00  }
0xa5: {  	[tilespmem:s2], [sflag:$0x3] =	stream.indirect_vreg.gather [hbm4b:s1+s3], $0x80, v3, vm0, $0xb8;
	[tilespmem:$0x19B00] =	vst v63  }
0xa6: {  	s2 =	simm.s32 $0x11300  }
0xa7: {  	[tilespmem:s2], [sflag:$0x3] =	stream.indirect_vreg.gather [hbm4b:s5+s3], $0x80, v3, vm0, $0xb8;
	[tilespmem:$0x19B00] =	vst v63  }
0xa8: {  	s2 =	simm.s32 $0x11B00  }
0xa9: {  	[tilespmem:s2], [sflag:$0x3] =	stream.indirect_vreg.gather [hbm4b:s6+s3], $0x80, v3, vm0, $0xb8;
	[tilespmem:$0x19B00] =	vst v63  }
0xaa: {  	_ =	swait.ge [sflag:s23], $0x6000  }
0xab: {  	[sflag:s23] =	ssyncset.done $0x0  }
0xac: {  	s2 =	rddreg [dreg:$0x1d];
	[sflag:s23] =	ssyncadd.s32 $0xFFFFA000  }
0xad: {  	[hbm4b:s2+s3] =	stream.linear.scatter [tilespmem:s22], [sflag:$0x5], $0x6000, $0x38;
	[tilespmem:$0x19B00] =	vst v63  }
0xae: {  	v3 =	vld [tilespmem:$0x60];
	_ =	sdelay $0x4  }
0xaf: {  	v40 =	vshrl.u32 v3, $0x3  }
0xb0: {  	v4 =	vmul.u32 $0x30, v40  }
0xb1: {  	v3 =	vand.u32 $0x7, v3  }
0xb2: {  	v3 =	vor.u32 v3, v4  }
0xb3: {  	v4 =	vperm.xlane v3, v0;
	_ =	sdelay $0x1  }
0xb4: {  	v4 =	vadd.s32 v1, v4;
	_ =	sdelay $0x3  }
0xb5: {  	s2 =	simm.s32 $0x12300;
	v3 =	vperm.xlane v3, v2  }
0xb6: {  	[tilespmem:s2], [sflag:$0x4] =	stream.indirect_vreg.gather [hbm4b:s1+s3], $0x80, v4, vm0, $0xb8;
	[tilespmem:$0x19B00] =	vst v63  }
0xb7: {  	s0 =	simm.s32 $0x12B00;
	v3 =	vadd.s32 v1, v3  }
0xb8: {  	[tilespmem:s0], [sflag:$0x4] =	stream.indirect_vreg.gather [hbm4b:s5+s3], $0x80, v4, vm0, $0xb8;
	[tilespmem:$0x19B00] =	vst v63  }
0xb9: {  	s0 =	simm.s32 $0x13300  }
0xba: {  	[tilespmem:s0], [sflag:$0x4] =	stream.indirect_vreg.gather [hbm4b:s6+s3], $0x80, v4, vm0, $0xb8;
	[tilespmem:$0x19B00] =	vst v63  }
0xbb: {  	s0 =	simm.s32 $0x13B00  }
0xbc: {  	[tilespmem:s0], [sflag:$0x4] =	stream.indirect_vreg.gather [hbm4b:s1+s3], $0x80, v3, vm0, $0xb8;
	[tilespmem:$0x19B00] =	vst v63  }
0xbd: {  	s0 =	simm.s32 $0x14300  }
0xbe: {  	[tilespmem:s0], [sflag:$0x4] =	stream.indirect_vreg.gather [hbm4b:s5+s3], $0x80, v3, vm0, $0xb8;
	[tilespmem:$0x19B00] =	vst v63  }
0xbf: {  	s0 =	simm.s32 $0x14B00  }
0xc0: {  	[tilespmem:s0], [sflag:$0x4] =	stream.indirect_vreg.gather [hbm4b:s6+s3], $0x80, v3, vm0, $0xb8;
	[tilespmem:$0x19B00] =	vst v63  }
0xc1: {  	v3 =	vld [tilespmem:$0x70];
	_ =	sdelay $0x4  }
0xc2: {  	v41 =	vshrl.u32 v3, $0x3  }
0xc3: {  	v4 =	vmul.u32 $0x30, v41  }
0xc4: {  	v3 =	vand.u32 $0x7, v3  }
0xc5: {  	v3 =	vor.u32 v3, v4  }
0xc6: {  	v4 =	vperm.xlane v3, v0;
	_ =	sdelay $0x1  }
0xc7: {  	v4 =	vadd.s32 v1, v4;
	_ =	sdelay $0x3  }
0xc8: {  	s0 =	simm.s32 $0x15300;
	v3 =	vperm.xlane v3, v2  }
0xc9: {  	[tilespmem:s0], [sflag:$0x4] =	stream.indirect_vreg.gather [hbm4b:s1+s3], $0x80, v4, vm0, $0xb8;
	[tilespmem:$0x19B00] =	vst v63  }
0xca: {  	v3 =	vadd.s32 v1, v3;
	s0 =	simm.s32 $0x15B00  }
0xcb: {  	[tilespmem:s0], [sflag:$0x4] =	stream.indirect_vreg.gather [hbm4b:s5+s3], $0x80, v4, vm0, $0xb8;
	[tilespmem:$0x19B00] =	vst v63  }
0xcc: {  	s0 =	simm.s32 $0x16300  }
0xcd: {  	[tilespmem:s0], [sflag:$0x4] =	stream.indirect_vreg.gather [hbm4b:s6+s3], $0x80, v4, vm0, $0xb8;
	[tilespmem:$0x19B00] =	vst v63  }
0xce: {  	s0 =	simm.s32 $0x16B00  }
0xcf: {  	[tilespmem:s0], [sflag:$0x4] =	stream.indirect_vreg.gather [hbm4b:s1+s3], $0x80, v3, vm0, $0xb8;
	[tilespmem:$0x19B00] =	vst v63  }
0xd0: {  	s0 =	simm.s32 $0x17300  }
0xd1: {  	[tilespmem:s0], [sflag:$0x4] =	stream.indirect_vreg.gather [hbm4b:s5+s3], $0x80, v3, vm0, $0xb8;
	[tilespmem:$0x19B00] =	vst v63  }
0xd2: {  	s0 =	simm.s32 $0x17B00  }
0xd3: {  	[tilespmem:s0], [sflag:$0x4] =	stream.indirect_vreg.gather [hbm4b:s6+s3], $0x80, v3, vm0, $0xb8;
	[tilespmem:$0x19B00] =	vst v63  }
0xd4: {  	_ =	swait.ge [sflag:s25], $0x6000  }
0xd5: {  	[sflag:s25] =	ssyncset.done $0x0  }
0xd6: {  	s0 =	rddreg [dreg:$0xb];
	[sflag:s25] =	ssyncadd.s32 $0xFFFFA000  }
0xd7: {  	[hbm4b:s0+s3] =	stream.linear.scatter [tilespmem:s4], [sflag:$0x6], $0x6000, $0x38;
	[tilespmem:$0x19B00] =	vst v63  }
0xd8: {  	_ =	swait.ge [sflag:s26], $0x6000  }
0xd9: {  	[sflag:s26] =	ssyncset.done $0x0  }
0xda: {  	[sflag:s26] =	ssyncadd.s32 $0xFFFFA000  }
0xdb: {  	v3 =	vld [tilespmem:$0x80];
	_ =	sdelay $0x4  }
0xdc: {  	v42 =	vshrl.u32 v3, $0x3  }
0xdd: {  	v4 =	vmul.u32 $0x30, v42  }
0xde: {  	v3 =	vand.u32 $0x7, v3  }
0xdf: {  	v3 =	vor.u32 v3, v4  }
0xe0: {  	v4 =	vperm.xlane v3, v0;
	_ =	sdelay $0x1  }
0xe1: {  	v4 =	vadd.s32 v1, v4;
	_ =	sdelay $0x3  }
0xe2: {  	v3 =	vperm.xlane v3, v2  }
0xe3: {  	[tilespmem:s22], [sflag:$0x1] =	stream.indirect_vreg.gather [hbm4b:s1+s3], $0x80, v4, vm0, $0xb8;
	[tilespmem:$0x19B00] =	vst v63  }
0xe4: {  	s18 =	simm.s32 $0xB00;
	v3 =	vadd.s32 v1, v3  }
0xe5: {  	[tilespmem:s18], [sflag:$0x1] =	stream.indirect_vreg.gather [hbm4b:s5+s3], $0x80, v4, vm0, $0xb8;
	[tilespmem:$0x19B00] =	vst v63  }
0xe6: {  	s19 =	simm.s32 $0x1300  }
0xe7: {  	[tilespmem:s19], [sflag:$0x1] =	stream.indirect_vreg.gather [hbm4b:s6+s3], $0x80, v4, vm0, $0xb8;
	[tilespmem:$0x19B00] =	vst v63  }
0xe8: {  	s20 =	simm.s32 $0x1B00  }
0xe9: {  	[tilespmem:s20], [sflag:$0x1] =	stream.indirect_vreg.gather [hbm4b:s1+s3], $0x80, v3, vm0, $0xb8;
	[tilespmem:$0x19B00] =	vst v63  }
0xea: {  	s13 =	simm.s32 $0x2300  }
0xeb: {  	[tilespmem:s13], [sflag:$0x1] =	stream.indirect_vreg.gather [hbm4b:s5+s3], $0x80, v3, vm0, $0xb8;
	[tilespmem:$0x19B00] =	vst v63  }
0xec: {  	s9 =	simm.s32 $0x2B00  }
0xed: {  	[tilespmem:s9], [sflag:$0x1] =	stream.indirect_vreg.gather [hbm4b:s6+s3], $0x80, v3, vm0, $0xb8;
	[tilespmem:$0x19B00] =	vst v63  }
0xee: {  	v3 =	vld [tilespmem:$0x90];
	_ =	sdelay $0x4  }
0xef: {  	v43 =	vshrl.u32 v3, $0x3  }
0xf0: {  	v4 =	vmul.u32 $0x30, v43  }
0xf1: {  	v3 =	vand.u32 $0x7, v3  }
0xf2: {  	v3 =	vor.u32 v3, v4  }
0xf3: {  	v4 =	vperm.xlane v3, v0;
	_ =	sdelay $0x1  }
0xf4: {  	v4 =	vadd.s32 v1, v4;
	_ =	sdelay $0x3  }
0xf5: {  	s11 =	simm.s32 $0x3300;
	v3 =	vperm.xlane v3, v2  }
0xf6: {  	[tilespmem:s11], [sflag:$0x1] =	stream.indirect_vreg.gather [hbm4b:s1+s3], $0x80, v4, vm0, $0xb8;
	[tilespmem:$0x19B00] =	vst v63  }
0xf7: {  	s14 =	simm.s32 $0x3B00;
	v3 =	vadd.s32 v1, v3  }
0xf8: {  	[tilespmem:s14], [sflag:$0x1] =	stream.indirect_vreg.gather [hbm4b:s5+s3], $0x80, v4, vm0, $0xb8;
	[tilespmem:$0x19B00] =	vst v63  }
0xf9: {  	s15 =	simm.s32 $0x4300  }
0xfa: {  	[tilespmem:s15], [sflag:$0x1] =	stream.indirect_vreg.gather [hbm4b:s6+s3], $0x80, v4, vm0, $0xb8;
	[tilespmem:$0x19B00] =	vst v63  }
0xfb: {  	s16 =	simm.s32 $0x4B00  }
0xfc: {  	[tilespmem:s16], [sflag:$0x1] =	stream.indirect_vreg.gather [hbm4b:s1+s3], $0x80, v3, vm0, $0xb8;
	[tilespmem:$0x19B00] =	vst v63  }
0xfd: {  	s17 =	simm.s32 $0x5300  }
0xfe: {  	[tilespmem:s17], [sflag:$0x1] =	stream.indirect_vreg.gather [hbm4b:s5+s3], $0x80, v3, vm0, $0xb8;
	[tilespmem:$0x19B00] =	vst v63  }
0xff: {  	s12 =	simm.s32 $0x5B00  }
0x100: {  	[tilespmem:s12], [sflag:$0x1] =	stream.indirect_vreg.gather [hbm4b:s6+s3], $0x80, v3, vm0, $0xb8;
	[tilespmem:$0x19B00] =	vst v63  }
0x101: {  	_ =	swait.ge [sflag:s28], $0x6000  }
0x102: {  	[sflag:s28] =	ssyncset.done $0x0  }
0x103: {  	s19 =	rddreg [dreg:$0xc];
	[sflag:s28] =	ssyncadd.s32 $0xFFFFA000  }
0x104: {  	[hbm4b:s19+s3] =	stream.linear.scatter [tilespmem:s8], [sflag:$0x5], $0x6000, $0x38;
	[tilespmem:$0x19B00] =	vst v63  }
0x105: {  	_ =	swait.ge [sflag:s29], $0x6000  }
0x106: {  	[sflag:s29] =	ssyncset.done $0x0  }
0x107: {  	[sflag:s29] =	ssyncadd.s32 $0xFFFFA000  }
0x108: {  	v3 =	vld [tilespmem:$0xA0];
	_ =	sdelay $0x4  }
0x109: {  	v44 =	vshrl.u32 v3, $0x3  }
0x10a: {  	v4 =	vmul.u32 $0x30, v44  }
0x10b: {  	v3 =	vand.u32 $0x7, v3  }
0x10c: {  	v3 =	vor.u32 v3, v4  }
0x10d: {  	v4 =	vperm.xlane v3, v0;
	_ =	sdelay $0x1  }
0x10e: {  	v4 =	vadd.s32 v1, v4;
	_ =	sdelay $0x3  }
0x10f: {  	v3 =	vperm.xlane v3, v2  }
0x110: {  	[tilespmem:s4], [sflag:$0x2] =	stream.indirect_vreg.gather [hbm4b:s1+s3], $0x80, v4, vm0, $0xb8;
	[tilespmem:$0x19B00] =	vst v63  }
0x111: {  	s20 =	simm.s32 $0x6B00;
	v3 =	vadd.s32 v1, v3  }
0x112: {  	[tilespmem:s20], [sflag:$0x2] =	stream.indirect_vreg.gather [hbm4b:s5+s3], $0x80, v4, vm0, $0xb8;
	[tilespmem:$0x19B00] =	vst v63  }
0x113: {  	s9 =	simm.s32 $0x7300  }
0x114: {  	[tilespmem:s9], [sflag:$0x2] =	stream.indirect_vreg.gather [hbm4b:s6+s3], $0x80, v4, vm0, $0xb8;
	[tilespmem:$0x19B00] =	vst v63  }
0x115: {  	s11 =	simm.s32 $0x7B00  }
0x116: {  	[tilespmem:s11], [sflag:$0x2] =	stream.indirect_vreg.gather [hbm4b:s1+s3], $0x80, v3, vm0, $0xb8;
	[tilespmem:$0x19B00] =	vst v63  }
0x117: {  	s12 =	simm.s32 $0x8300  }
0x118: {  	[tilespmem:s12], [sflag:$0x2] =	stream.indirect_vreg.gather [hbm4b:s5+s3], $0x80, v3, vm0, $0xb8;
	[tilespmem:$0x19B00] =	vst v63  }
0x119: {  	s24 =	simm.s32 $0x8B00  }
0x11a: {  	[tilespmem:s24], [sflag:$0x2] =	stream.indirect_vreg.gather [hbm4b:s6+s3], $0x80, v3, vm0, $0xb8;
	[tilespmem:$0x19B00] =	vst v63  }
0x11b: {  	v3 =	vld [tilespmem:$0xB0];
	_ =	sdelay $0x4  }
0x11c: {  	v45 =	vshrl.u32 v3, $0x3  }
0x11d: {  	v4 =	vmul.u32 $0x30, v45  }
0x11e: {  	v3 =	vand.u32 $0x7, v3  }
0x11f: {  	v3 =	vor.u32 v3, v4  }
0x120: {  	v4 =	vperm.xlane v3, v0;
	_ =	sdelay $0x1  }
0x121: {  	v4 =	vadd.s32 v1, v4;
	_ =	sdelay $0x3  }
0x122: {  	s31 =	simm.s32 $0x9300;
	v3 =	vperm.xlane v3, v2  }
0x123: {  	[tilespmem:s31], [sflag:$0x2] =	stream.indirect_vreg.gather [hbm4b:s1+s3], $0x80, v4, vm0, $0xb8;
	[tilespmem:$0x19B00] =	vst v63  }
0x124: {  	s13 =	simm.s32 $0x9B00;
	v3 =	vadd.s32 v1, v3  }
0x125: {  	[tilespmem:s13], [sflag:$0x2] =	stream.indirect_vreg.gather [hbm4b:s5+s3], $0x80, v4, vm0, $0xb8;
	[tilespmem:$0x19B00] =	vst v63  }
0x126: {  	s14 =	simm.s32 $0xA300  }
0x127: {  	[tilespmem:s14], [sflag:$0x2] =	stream.indirect_vreg.gather [hbm4b:s6+s3], $0x80, v4, vm0, $0xb8;
	[tilespmem:$0x19B00] =	vst v63  }
0x128: {  	s15 =	simm.s32 $0xAB00  }
0x129: {  	[tilespmem:s15], [sflag:$0x2] =	stream.indirect_vreg.gather [hbm4b:s1+s3], $0x80, v3, vm0, $0xb8;
	[tilespmem:$0x19B00] =	vst v63  }
0x12a: {  	s16 =	simm.s32 $0xB300  }
0x12b: {  	[tilespmem:s16], [sflag:$0x2] =	stream.indirect_vreg.gather [hbm4b:s5+s3], $0x80, v3, vm0, $0xb8;
	[tilespmem:$0x19B00] =	vst v63  }
0x12c: {  	s21 =	simm.s32 $0xBB00  }
0x12d: {  	[tilespmem:s21], [sflag:$0x2] =	stream.indirect_vreg.gather [hbm4b:s6+s3], $0x80, v3, vm0, $0xb8;
	[tilespmem:$0x19B00] =	vst v63  }
0x12e: {  	_ =	swait.ge [sflag:s30], $0x6000  }
0x12f: {  	[sflag:s30] =	ssyncset.done $0x0  }
0x130: {  	s17 =	rddreg [dreg:$0xd];
	[sflag:s30] =	ssyncadd.s32 $0xFFFFA000  }
0x131: {  	[hbm4b:s17+s3] =	stream.linear.scatter [tilespmem:s2], [sflag:$0x6], $0x6000, $0x38;
	[tilespmem:$0x19B00] =	vst v63  }
0x132: {  	_ =	swait.ge [sflag:s26], $0x6000  }
0x133: {  	[sflag:s26] =	ssyncset.done $0x0  }
0x134: {  	[sflag:s26] =	ssyncadd.s32 $0xFFFFA000  }
0x135: {  	v3 =	vld [tilespmem:$0xC0];
	_ =	sdelay $0x4  }
0x136: {  	v46 =	vshrl.u32 v3, $0x3  }
0x137: {  	v4 =	vmul.u32 $0x30, v46  }
0x138: {  	v3 =	vand.u32 $0x7, v3  }
0x139: {  	v3 =	vor.u32 v3, v4  }
0x13a: {  	v4 =	vperm.xlane v3, v0;
	_ =	sdelay $0x1  }
0x13b: {  	v4 =	vadd.s32 v1, v4;
	_ =	sdelay $0x3  }
0x13c: {  	v3 =	vperm.xlane v3, v2  }
0x13d: {  	[tilespmem:s8], [sflag:$0x3] =	stream.indirect_vreg.gather [hbm4b:s1+s3], $0x80, v4, vm0, $0xb8;
	[tilespmem:$0x19B00] =	vst v63  }
0x13e: {  	s18 =	simm.s32 $0xCB00;
	v3 =	vadd.s32 v1, v3  }
0x13f: {  	[tilespmem:s18], [sflag:$0x3] =	stream.indirect_vreg.gather [hbm4b:s5+s3], $0x80, v4, vm0, $0xb8;
	[tilespmem:$0x19B00] =	vst v63  }
0x140: {  	s19 =	simm.s32 $0xD300  }
0x141: {  	[tilespmem:s19], [sflag:$0x3] =	stream.indirect_vreg.gather [hbm4b:s6+s3], $0x80, v4, vm0, $0xb8;
	[tilespmem:$0x19B00] =	vst v63  }
0x142: {  	s20 =	simm.s32 $0xDB00  }
0x143: {  	[tilespmem:s20], [sflag:$0x3] =	stream.indirect_vreg.gather [hbm4b:s1+s3], $0x80, v3, vm0, $0xb8;
	[tilespmem:$0x19B00] =	vst v63  }
0x144: {  	s21 =	simm.s32 $0xE300  }
0x145: {  	[tilespmem:s21], [sflag:$0x3] =	stream.indirect_vreg.gather [hbm4b:s5+s3], $0x80, v3, vm0, $0xb8;
	[tilespmem:$0x19B00] =	vst v63  }
0x146: {  	s24 =	simm.s32 $0xEB00  }
0x147: {  	[tilespmem:s24], [sflag:$0x3] =	stream.indirect_vreg.gather [hbm4b:s6+s3], $0x80, v3, vm0, $0xb8;
	[tilespmem:$0x19B00] =	vst v63  }
0x148: {  	v3 =	vld [tilespmem:$0xD0];
	_ =	sdelay $0x4  }
0x149: {  	v47 =	vshrl.u32 v3, $0x3  }
0x14a: {  	v4 =	vmul.u32 $0x30, v47  }
0x14b: {  	v3 =	vand.u32 $0x7, v3  }
0x14c: {  	v3 =	vor.u32 v3, v4  }
0x14d: {  	v4 =	vperm.xlane v3, v0;
	_ =	sdelay $0x1  }
0x14e: {  	v4 =	vadd.s32 v1, v4;
	_ =	sdelay $0x3  }
0x14f: {  	s31 =	simm.s32 $0xF300;
	v3 =	vperm.xlane v3, v2  }
0x150: {  	[tilespmem:s31], [sflag:$0x3] =	stream.indirect_vreg.gather [hbm4b:s1+s3], $0x80, v4, vm0, $0xb8;
	[tilespmem:$0x19B00] =	vst v63  }
0x151: {  	s9 =	simm.s32 $0xFB00;
	v3 =	vadd.s32 v1, v3  }
0x152: {  	[tilespmem:s9], [sflag:$0x3] =	stream.indirect_vreg.gather [hbm4b:s5+s3], $0x80, v4, vm0, $0xb8;
	[tilespmem:$0x19B00] =	vst v63  }
0x153: {  	s11 =	simm.s32 $0x10300  }
0x154: {  	[tilespmem:s11], [sflag:$0x3] =	stream.indirect_vreg.gather [hbm4b:s6+s3], $0x80, v4, vm0, $0xb8;
	[tilespmem:$0x19B00] =	vst v63  }
0x155: {  	s12 =	simm.s32 $0x10B00  }
0x156: {  	[tilespmem:s12], [sflag:$0x3] =	stream.indirect_vreg.gather [hbm4b:s1+s3], $0x80, v3, vm0, $0xb8;
	[tilespmem:$0x19B00] =	vst v63  }
0x157: {  	s13 =	simm.s32 $0x11300  }
0x158: {  	[tilespmem:s13], [sflag:$0x3] =	stream.indirect_vreg.gather [hbm4b:s5+s3], $0x80, v3, vm0, $0xb8;
	[tilespmem:$0x19B00] =	vst v63  }
0x159: {  	s20 =	simm.s32 $0x11B00  }
0x15a: {  	[tilespmem:s20], [sflag:$0x3] =	stream.indirect_vreg.gather [hbm4b:s6+s3], $0x80, v3, vm0, $0xb8;
	[tilespmem:$0x19B00] =	vst v63  }
0x15b: {  	_ =	swait.ge [sflag:s23], $0x6000  }
0x15c: {  	[sflag:s23] =	ssyncset.done $0x0  }
0x15d: {  	s21 =	rddreg [dreg:$0xe];
	[sflag:s23] =	ssyncadd.s32 $0xFFFFA000  }
0x15e: {  	[hbm4b:s21+s3] =	stream.linear.scatter [tilespmem:s22], [sflag:$0x5], $0x6000, $0x38;
	[tilespmem:$0x19B00] =	vst v63  }
0x15f: {  	_ =	swait.ge [sflag:s29], $0x6000  }
0x160: {  	[sflag:s29] =	ssyncset.done $0x0  }
0x161: {  	[sflag:s29] =	ssyncadd.s32 $0xFFFFA000  }
0x162: {  	v3 =	vld [tilespmem:$0xE0];
	_ =	sdelay $0x4  }
0x163: {  	v48 =	vshrl.u32 v3, $0x3  }
0x164: {  	v4 =	vmul.u32 $0x30, v48  }
0x165: {  	v3 =	vand.u32 $0x7, v3  }
0x166: {  	v3 =	vor.u32 v3, v4  }
0x167: {  	v4 =	vperm.xlane v3, v0;
	_ =	sdelay $0x1  }
0x168: {  	v4 =	vadd.s32 v1, v4;
	_ =	sdelay $0x3  }
0x169: {  	v3 =	vperm.xlane v3, v2  }
0x16a: {  	[tilespmem:s2], [sflag:$0x4] =	stream.indirect_vreg.gather [hbm4b:s1+s3], $0x80, v4, vm0, $0xb8;
	[tilespmem:$0x19B00] =	vst v63  }
0x16b: {  	s24 =	simm.s32 $0x12B00;
	v3 =	vadd.s32 v1, v3  }
0x16c: {  	[tilespmem:s24], [sflag:$0x4] =	stream.indirect_vreg.gather [hbm4b:s5+s3], $0x80, v4, vm0, $0xb8;
	[tilespmem:$0x19B00] =	vst v63  }
0x16d: {  	s31 =	simm.s32 $0x13300  }
0x16e: {  	[tilespmem:s31], [sflag:$0x4] =	stream.indirect_vreg.gather [hbm4b:s6+s3], $0x80, v4, vm0, $0xb8;
	[tilespmem:$0x19B00] =	vst v63  }
0x16f: {  	s9 =	simm.s32 $0x13B00  }
0x170: {  	[tilespmem:s9], [sflag:$0x4] =	stream.indirect_vreg.gather [hbm4b:s1+s3], $0x80, v3, vm0, $0xb8;
	[tilespmem:$0x19B00] =	vst v63  }
0x171: {  	s11 =	simm.s32 $0x14300  }
0x172: {  	[tilespmem:s11], [sflag:$0x4] =	stream.indirect_vreg.gather [hbm4b:s5+s3], $0x80, v3, vm0, $0xb8;
	[tilespmem:$0x19B00] =	vst v63  }
0x173: {  	s12 =	simm.s32 $0x14B00  }
0x174: {  	[tilespmem:s12], [sflag:$0x4] =	stream.indirect_vreg.gather [hbm4b:s6+s3], $0x80, v3, vm0, $0xb8;
	[tilespmem:$0x19B00] =	vst v63  }
0x175: {  	v3 =	vld [tilespmem:$0xF0];
	_ =	sdelay $0x4  }
0x176: {  	v49 =	vshrl.u32 v3, $0x3  }
0x177: {  	v4 =	vmul.u32 $0x30, v49  }
0x178: {  	v3 =	vand.u32 $0x7, v3  }
0x179: {  	v3 =	vor.u32 v3, v4  }
0x17a: {  	v4 =	vperm.xlane v3, v0;
	_ =	sdelay $0x1  }
0x17b: {  	v4 =	vadd.s32 v1, v4;
	_ =	sdelay $0x3  }
0x17c: {  	s13 =	simm.s32 $0x15300;
	v3 =	vperm.xlane v3, v2  }
0x17d: {  	[tilespmem:s13], [sflag:$0x4] =	stream.indirect_vreg.gather [hbm4b:s1+s3], $0x80, v4, vm0, $0xb8;
	[tilespmem:$0x19B00] =	vst v63  }
0x17e: {  	s9 =	simm.s32 $0x15B00;
	v3 =	vadd.s32 v1, v3  }
0x17f: {  	[tilespmem:s9], [sflag:$0x4] =	stream.indirect_vreg.gather [hbm4b:s5+s3], $0x80, v4, vm0, $0xb8;
	[tilespmem:$0x19B00] =	vst v63  }
0x180: {  	s11 =	simm.s32 $0x16300  }
0x181: {  	[tilespmem:s11], [sflag:$0x4] =	stream.indirect_vreg.gather [hbm4b:s6+s3], $0x80, v4, vm0, $0xb8;
	[tilespmem:$0x19B00] =	vst v63  }
0x182: {  	s12 =	simm.s32 $0x16B00  }
0x183: {  	[tilespmem:s12], [sflag:$0x4] =	stream.indirect_vreg.gather [hbm4b:s1+s3], $0x80, v3, vm0, $0xb8;
	[tilespmem:$0x19B00] =	vst v63  }
0x184: {  	s13 =	simm.s32 $0x17300  }
0x185: {  	[tilespmem:s13], [sflag:$0x4] =	stream.indirect_vreg.gather [hbm4b:s5+s3], $0x80, v3, vm0, $0xb8;
	[tilespmem:$0x19B00] =	vst v63  }
0x186: {  	s0 =	simm.s32 $0x17B00  }
0x187: {  	[tilespmem:s0], [sflag:$0x4] =	stream.indirect_vreg.gather [hbm4b:s6+s3], $0x80, v3, vm0, $0xb8;
	[tilespmem:$0x19B00] =	vst v63  }
0x188: {  	_ =	swait.ge [sflag:s25], $0x6000  }
0x189: {  	[sflag:s25] =	ssyncset.done $0x0  }
0x18a: {  	s0 =	rddreg [dreg:$0xf];
	[sflag:s25] =	ssyncadd.s32 $0xFFFFA000  }
0x18b: {  	[hbm4b:s0+s3] =	stream.linear.scatter [tilespmem:s4], [sflag:$0x6], $0x6000, $0x38;
	[tilespmem:$0x19B00] =	vst v63  }
0x18c: {  	_ =	swait.ge [sflag:s26], $0x6000  }
0x18d: {  	[sflag:s26] =	ssyncset.done $0x0  }
0x18e: {  	[sflag:s26] =	ssyncadd.s32 $0xFFFFA000  }
0x18f: {  	v3 =	vld [tilespmem:$0x100];
	_ =	sdelay $0x4  }
0x190: {  	v50 =	vshrl.u32 v3, $0x3  }
0x191: {  	v4 =	vmul.u32 $0x30, v50  }
0x192: {  	v3 =	vand.u32 $0x7, v3  }
0x193: {  	v3 =	vor.u32 v3, v4  }
0x194: {  	v4 =	vperm.xlane v3, v0;
	_ =	sdelay $0x1  }
0x195: {  	v4 =	vadd.s32 v1, v4;
	_ =	sdelay $0x3  }
0x196: {  	v3 =	vperm.xlane v3, v2  }
0x197: {  	[tilespmem:s22], [sflag:$0x1] =	stream.indirect_vreg.gather [hbm4b:s1+s3], $0x80, v4, vm0, $0xb8;
	[tilespmem:$0x19B00] =	vst v63  }
0x198: {  	s0 =	simm.s32 $0xB00;
	v3 =	vadd.s32 v1, v3  }
0x199: {  	[tilespmem:s0], [sflag:$0x1] =	stream.indirect_vreg.gather [hbm4b:s5+s3], $0x80, v4, vm0, $0xb8;
	[tilespmem:$0x19B00] =	vst v63  }
0x19a: {  	s0 =	simm.s32 $0x1300  }
0x19b: {  	[tilespmem:s0], [sflag:$0x1] =	stream.indirect_vreg.gather [hbm4b:s6+s3], $0x80, v4, vm0, $0xb8;
	[tilespmem:$0x19B00] =	vst v63  }
0x19c: {  	s0 =	simm.s32 $0x1B00  }
0x19d: {  	[tilespmem:s0], [sflag:$0x1] =	stream.indirect_vreg.gather [hbm4b:s1+s3], $0x80, v3, vm0, $0xb8;
	[tilespmem:$0x19B00] =	vst v63  }
0x19e: {  	s0 =	simm.s32 $0x2300  }
0x19f: {  	[tilespmem:s0], [sflag:$0x1] =	stream.indirect_vreg.gather [hbm4b:s5+s3], $0x80, v3, vm0, $0xb8;
	[tilespmem:$0x19B00] =	vst v63  }
0x1a0: {  	s0 =	simm.s32 $0x2B00  }
0x1a1: {  	[tilespmem:s0], [sflag:$0x1] =	stream.indirect_vreg.gather [hbm4b:s6+s3], $0x80, v3, vm0, $0xb8;
	[tilespmem:$0x19B00] =	vst v63  }
0x1a2: {  	v3 =	vld [tilespmem:$0x110];
	_ =	sdelay $0x4  }
0x1a3: {  	v51 =	vshrl.u32 v3, $0x3  }
0x1a4: {  	v4 =	vmul.u32 $0x30, v51  }
0x1a5: {  	v3 =	vand.u32 $0x7, v3  }
0x1a6: {  	v3 =	vor.u32 v3, v4  }
0x1a7: {  	v4 =	vperm.xlane v3, v0;
	_ =	sdelay $0x1  }
0x1a8: {  	v4 =	vadd.s32 v1, v4;
	_ =	sdelay $0x3  }
0x1a9: {  	s0 =	simm.s32 $0x3300;
	v3 =	vperm.xlane v3, v2  }
0x1aa: {  	[tilespmem:s0], [sflag:$0x1] =	stream.indirect_vreg.gather [hbm4b:s1+s3], $0x80, v4, vm0, $0xb8;
	[tilespmem:$0x19B00] =	vst v63  }
0x1ab: {  	v3 =	vadd.s32 v1, v3;
	s0 =	simm.s32 $0x3B00  }
0x1ac: {  	[tilespmem:s0], [sflag:$0x1] =	stream.indirect_vreg.gather [hbm4b:s5+s3], $0x80, v4, vm0, $0xb8;
	[tilespmem:$0x19B00] =	vst v63  }
0x1ad: {  	s0 =	simm.s32 $0x4300  }
0x1ae: {  	[tilespmem:s0], [sflag:$0x1] =	stream.indirect_vreg.gather [hbm4b:s6+s3], $0x80, v4, vm0, $0xb8;
	[tilespmem:$0x19B00] =	vst v63  }
0x1af: {  	s0 =	simm.s32 $0x4B00  }
0x1b0: {  	[tilespmem:s0], [sflag:$0x1] =	stream.indirect_vreg.gather [hbm4b:s1+s3], $0x80, v3, vm0, $0xb8;
	[tilespmem:$0x19B00] =	vst v63  }
0x1b1: {  	s0 =	simm.s32 $0x5300  }
0x1b2: {  	[tilespmem:s0], [sflag:$0x1] =	stream.indirect_vreg.gather [hbm4b:s5+s3], $0x80, v3, vm0, $0xb8;
	[tilespmem:$0x19B00] =	vst v63  }
0x1b3: {  	s0 =	simm.s32 $0x5B00  }
0x1b4: {  	[tilespmem:s0], [sflag:$0x1] =	stream.indirect_vreg.gather [hbm4b:s6+s3], $0x80, v3, vm0, $0xb8;
	[tilespmem:$0x19B00] =	vst v63  }
0x1b5: {  	_ =	swait.ge [sflag:s28], $0x6000  }
0x1b6: {  	[sflag:s28] =	ssyncset.done $0x0  }
0x1b7: {  	s0 =	rddreg [dreg:$0x10];
	[sflag:s28] =	ssyncadd.s32 $0xFFFFA000  }
0x1b8: {  	[hbm4b:s0+s3] =	stream.linear.scatter [tilespmem:s8], [sflag:$0x5], $0x6000, $0x38;
	[tilespmem:$0x19B00] =	vst v63  }
0x1b9: {  	_ =	swait.ge [sflag:s29], $0x6000  }
0x1ba: {  	[sflag:s29] =	ssyncset.done $0x0  }
0x1bb: {  	[sflag:s29] =	ssyncadd.s32 $0xFFFFA000  }
0x1bc: {  	v3 =	vld [tilespmem:$0x120];
	_ =	sdelay $0x4  }
0x1bd: {  	v52 =	vshrl.u32 v3, $0x3  }
0x1be: {  	v4 =	vmul.u32 $0x30, v52  }
0x1bf: {  	v3 =	vand.u32 $0x7, v3  }
0x1c0: {  	v3 =	vor.u32 v3, v4  }
0x1c1: {  	v4 =	vperm.xlane v3, v0;
	_ =	sdelay $0x1  }
0x1c2: {  	v4 =	vadd.s32 v1, v4;
	_ =	sdelay $0x3  }
0x1c3: {  	v3 =	vperm.xlane v3, v2  }
0x1c4: {  	[tilespmem:s4], [sflag:$0x2] =	stream.indirect_vreg.gather [hbm4b:s1+s3], $0x80, v4, vm0, $0xb8;
	[tilespmem:$0x19B00] =	vst v63  }
0x1c5: {  	s0 =	simm.s32 $0x6B00;
	v3 =	vadd.s32 v1, v3  }
0x1c6: {  	[tilespmem:s0], [sflag:$0x2] =	stream.indirect_vreg.gather [hbm4b:s5+s3], $0x80, v4, vm0, $0xb8;
	[tilespmem:$0x19B00] =	vst v63  }
0x1c7: {  	s0 =	simm.s32 $0x7300  }
0x1c8: {  	[tilespmem:s0], [sflag:$0x2] =	stream.indirect_vreg.gather [hbm4b:s6+s3], $0x80, v4, vm0, $0xb8;
	[tilespmem:$0x19B00] =	vst v63  }
0x1c9: {  	s0 =	simm.s32 $0x7B00  }
0x1ca: {  	[tilespmem:s0], [sflag:$0x2] =	stream.indirect_vreg.gather [hbm4b:s1+s3], $0x80, v3, vm0, $0xb8;
	[tilespmem:$0x19B00] =	vst v63  }
0x1cb: {  	s0 =	simm.s32 $0x8300  }
0x1cc: {  	[tilespmem:s0], [sflag:$0x2] =	stream.indirect_vreg.gather [hbm4b:s5+s3], $0x80, v3, vm0, $0xb8;
	[tilespmem:$0x19B00] =	vst v63  }
0x1cd: {  	s0 =	simm.s32 $0x8B00  }
0x1ce: {  	[tilespmem:s0], [sflag:$0x2] =	stream.indirect_vreg.gather [hbm4b:s6+s3], $0x80, v3, vm0, $0xb8;
	[tilespmem:$0x19B00] =	vst v63  }
0x1cf: {  	v3 =	vld [tilespmem:$0x130];
	_ =	sdelay $0x4  }
0x1d0: {  	v53 =	vshrl.u32 v3, $0x3  }
0x1d1: {  	v4 =	vmul.u32 $0x30, v53  }
0x1d2: {  	v3 =	vand.u32 $0x7, v3  }
0x1d3: {  	v3 =	vor.u32 v3, v4  }
0x1d4: {  	v4 =	vperm.xlane v3, v0;
	_ =	sdelay $0x1  }
0x1d5: {  	v4 =	vadd.s32 v1, v4;
	_ =	sdelay $0x3  }
0x1d6: {  	s0 =	simm.s32 $0x9300;
	v3 =	vperm.xlane v3, v2  }
0x1d7: {  	[tilespmem:s0], [sflag:$0x2] =	stream.indirect_vreg.gather [hbm4b:s1+s3], $0x80, v4, vm0, $0xb8;
	[tilespmem:$0x19B00] =	vst v63  }
0x1d8: {  	v3 =	vadd.s32 v1, v3;
	s0 =	simm.s32 $0x9B00  }
0x1d9: {  	[tilespmem:s0], [sflag:$0x2] =	stream.indirect_vreg.gather [hbm4b:s5+s3], $0x80, v4, vm0, $0xb8;
	[tilespmem:$0x19B00] =	vst v63  }
0x1da: {  	s0 =	simm.s32 $0xA300  }
0x1db: {  	[tilespmem:s0], [sflag:$0x2] =	stream.indirect_vreg.gather [hbm4b:s6+s3], $0x80, v4, vm0, $0xb8;
	[tilespmem:$0x19B00] =	vst v63  }
0x1dc: {  	s0 =	simm.s32 $0xAB00  }
0x1dd: {  	[tilespmem:s0], [sflag:$0x2] =	stream.indirect_vreg.gather [hbm4b:s1+s3], $0x80, v3, vm0, $0xb8;
	[tilespmem:$0x19B00] =	vst v63  }
0x1de: {  	s0 =	simm.s32 $0xB300  }
0x1df: {  	[tilespmem:s0], [sflag:$0x2] =	stream.indirect_vreg.gather [hbm4b:s5+s3], $0x80, v3, vm0, $0xb8;
	[tilespmem:$0x19B00] =	vst v63  }
0x1e0: {  	s0 =	simm.s32 $0xBB00  }
0x1e1: {  	[tilespmem:s0], [sflag:$0x2] =	stream.indirect_vreg.gather [hbm4b:s6+s3], $0x80, v3, vm0, $0xb8;
	[tilespmem:$0x19B00] =	vst v63  }
0x1e2: {  	_ =	swait.ge [sflag:s30], $0x6000  }
0x1e3: {  	[sflag:s30] =	ssyncset.done $0x0  }
0x1e4: {  	s0 =	rddreg [dreg:$0x11];
	[sflag:s30] =	ssyncadd.s32 $0xFFFFA000  }
0x1e5: {  	[hbm4b:s0+s3] =	stream.linear.scatter [tilespmem:s2], [sflag:$0x6], $0x6000, $0x38;
	[tilespmem:$0x19B00] =	vst v63  }
0x1e6: {  	_ =	swait.ge [sflag:s26], $0x6000  }
0x1e7: {  	[sflag:s26] =	ssyncset.done $0x0  }
0x1e8: {  	[sflag:s26] =	ssyncadd.s32 $0xFFFFA000  }
0x1e9: {  	v3 =	vld [tilespmem:$0x140];
	_ =	sdelay $0x4  }
0x1ea: {  	v54 =	vshrl.u32 v3, $0x3  }
0x1eb: {  	v4 =	vmul.u32 $0x30, v54  }
0x1ec: {  	v3 =	vand.u32 $0x7, v3  }
0x1ed: {  	v3 =	vor.u32 v3, v4  }
0x1ee: {  	v4 =	vperm.xlane v3, v0;
	_ =	sdelay $0x1  }
0x1ef: {  	v4 =	vadd.s32 v1, v4;
	_ =	sdelay $0x3  }
0x1f0: {  	v3 =	vperm.xlane v3, v2  }
0x1f1: {  	[tilespmem:s8], [sflag:$0x3] =	stream.indirect_vreg.gather [hbm4b:s1+s3], $0x80, v4, vm0, $0xb8;
	[tilespmem:$0x19B00] =	vst v63  }
0x1f2: {  	s14 =	simm.s32 $0xCB00;
	v3 =	vadd.s32 v1, v3  }
0x1f3: {  	[tilespmem:s14], [sflag:$0x3] =	stream.indirect_vreg.gather [hbm4b:s5+s3], $0x80, v4, vm0, $0xb8;
	[tilespmem:$0x19B00] =	vst v63  }
0x1f4: {  	s15 =	simm.s32 $0xD300  }
0x1f5: {  	[tilespmem:s15], [sflag:$0x3] =	stream.indirect_vreg.gather [hbm4b:s6+s3], $0x80, v4, vm0, $0xb8;
	[tilespmem:$0x19B00] =	vst v63  }
0x1f6: {  	s16 =	simm.s32 $0xDB00  }
0x1f7: {  	[tilespmem:s16], [sflag:$0x3] =	stream.indirect_vreg.gather [hbm4b:s1+s3], $0x80, v3, vm0, $0xb8;
	[tilespmem:$0x19B00] =	vst v63  }
0x1f8: {  	s17 =	simm.s32 $0xE300  }
0x1f9: {  	[tilespmem:s17], [sflag:$0x3] =	stream.indirect_vreg.gather [hbm4b:s5+s3], $0x80, v3, vm0, $0xb8;
	[tilespmem:$0x19B00] =	vst v63  }
0x1fa: {  	s0 =	simm.s32 $0xEB00  }
0x1fb: {  	[tilespmem:s0], [sflag:$0x3] =	stream.indirect_vreg.gather [hbm4b:s6+s3], $0x80, v3, vm0, $0xb8;
	[tilespmem:$0x19B00] =	vst v63  }
0x1fc: {  	v3 =	vld [tilespmem:$0x150];
	_ =	sdelay $0x4  }
0x1fd: {  	v55 =	vshrl.u32 v3, $0x3  }
0x1fe: {  	v4 =	vmul.u32 $0x30, v55  }
0x1ff: {  	v3 =	vand.u32 $0x7, v3  }
0x200: {  	v3 =	vor.u32 v3, v4  }
0x201: {  	v4 =	vperm.xlane v3, v0;
	_ =	sdelay $0x1  }
0x202: {  	v4 =	vadd.s32 v1, v4;
	_ =	sdelay $0x3  }
0x203: {  	s0 =	simm.s32 $0xF300;
	v3 =	vperm.xlane v3, v2  }
0x204: {  	[tilespmem:s0], [sflag:$0x3] =	stream.indirect_vreg.gather [hbm4b:s1+s3], $0x80, v4, vm0, $0xb8;
	[tilespmem:$0x19B00] =	vst v63  }
0x205: {  	s18 =	simm.s32 $0xFB00;
	v3 =	vadd.s32 v1, v3  }
0x206: {  	[tilespmem:s18], [sflag:$0x3] =	stream.indirect_vreg.gather [hbm4b:s5+s3], $0x80, v4, vm0, $0xb8;
	[tilespmem:$0x19B00] =	vst v63  }
0x207: {  	s19 =	simm.s32 $0x10300  }
0x208: {  	[tilespmem:s19], [sflag:$0x3] =	stream.indirect_vreg.gather [hbm4b:s6+s3], $0x80, v4, vm0, $0xb8;
	[tilespmem:$0x19B00] =	vst v63  }
0x209: {  	s0 =	simm.s32 $0x10B00  }
0x20a: {  	[tilespmem:s0], [sflag:$0x3] =	stream.indirect_vreg.gather [hbm4b:s1+s3], $0x80, v3, vm0, $0xb8;
	[tilespmem:$0x19B00] =	vst v63  }
0x20b: {  	s0 =	simm.s32 $0x11300  }
0x20c: {  	[tilespmem:s0], [sflag:$0x3] =	stream.indirect_vreg.gather [hbm4b:s5+s3], $0x80, v3, vm0, $0xb8;
	[tilespmem:$0x19B00] =	vst v63  }
0x20d: {  	s0 =	simm.s32 $0x11B00  }
0x20e: {  	[tilespmem:s0], [sflag:$0x3] =	stream.indirect_vreg.gather [hbm4b:s6+s3], $0x80, v3, vm0, $0xb8;
	[tilespmem:$0x19B00] =	vst v63  }
0x20f: {  	_ =	swait.ge [sflag:s23], $0x6000  }
0x210: {  	[sflag:s23] =	ssyncset.done $0x0  }
0x211: {  	s0 =	rddreg [dreg:$0x12];
	[sflag:s23] =	ssyncadd.s32 $0xFFFFA000  }
0x212: {  	[hbm4b:s0+s3] =	stream.linear.scatter [tilespmem:s22], [sflag:$0x5], $0x6000, $0x38;
	[tilespmem:$0x19B00] =	vst v63  }
0x213: {  	_ =	swait.ge [sflag:s29], $0x6000  }
0x214: {  	[sflag:s29] =	ssyncset.done $0x0  }
0x215: {  	[sflag:s29] =	ssyncadd.s32 $0xFFFFA000  }
0x216: {  	v3 =	vld [tilespmem:$0x160];
	_ =	sdelay $0x4  }
0x217: {  	v56 =	vshrl.u32 v3, $0x3  }
0x218: {  	v4 =	vmul.u32 $0x30, v56  }
0x219: {  	v3 =	vand.u32 $0x7, v3  }
0x21a: {  	v3 =	vor.u32 v3, v4  }
0x21b: {  	v4 =	vperm.xlane v3, v0;
	_ =	sdelay $0x1  }
0x21c: {  	v4 =	vadd.s32 v1, v4;
	_ =	sdelay $0x3  }
0x21d: {  	v3 =	vperm.xlane v3, v2  }
0x21e: {  	[tilespmem:s2], [sflag:$0x4] =	stream.indirect_vreg.gather [hbm4b:s1+s3], $0x80, v4, vm0, $0xb8;
	[tilespmem:$0x19B00] =	vst v63  }
0x21f: {  	s20 =	simm.s32 $0x12B00;
	v3 =	vadd.s32 v1, v3  }
0x220: {  	[tilespmem:s20], [sflag:$0x4] =	stream.indirect_vreg.gather [hbm4b:s5+s3], $0x80, v4, vm0, $0xb8;
	[tilespmem:$0x19B00] =	vst v63  }
0x221: {  	s21 =	simm.s32 $0x13300  }
0x222: {  	[tilespmem:s21], [sflag:$0x4] =	stream.indirect_vreg.gather [hbm4b:s6+s3], $0x80, v4, vm0, $0xb8;
	[tilespmem:$0x19B00] =	vst v63  }
0x223: {  	s24 =	simm.s32 $0x13B00  }
0x224: {  	[tilespmem:s24], [sflag:$0x4] =	stream.indirect_vreg.gather [hbm4b:s1+s3], $0x80, v3, vm0, $0xb8;
	[tilespmem:$0x19B00] =	vst v63  }
0x225: {  	s31 =	simm.s32 $0x14300  }
0x226: {  	[tilespmem:s31], [sflag:$0x4] =	stream.indirect_vreg.gather [hbm4b:s5+s3], $0x80, v3, vm0, $0xb8;
	[tilespmem:$0x19B00] =	vst v63  }
0x227: {  	s24 =	simm.s32 $0x14B00  }
0x228: {  	[tilespmem:s24], [sflag:$0x4] =	stream.indirect_vreg.gather [hbm4b:s6+s3], $0x80, v3, vm0, $0xb8;
	[tilespmem:$0x19B00] =	vst v63  }
0x229: {  	v3 =	vld [tilespmem:$0x170];
	_ =	sdelay $0x4  }
0x22a: {  	v57 =	vshrl.u32 v3, $0x3  }
0x22b: {  	v4 =	vmul.u32 $0x30, v57  }
0x22c: {  	v3 =	vand.u32 $0x7, v3  }
0x22d: {  	v3 =	vor.u32 v3, v4  }
0x22e: {  	v4 =	vperm.xlane v3, v0;
	_ =	sdelay $0x1  }
0x22f: {  	v4 =	vadd.s32 v1, v4;
	_ =	sdelay $0x3  }
0x230: {  	s31 =	simm.s32 $0x15300;
	v3 =	vperm.xlane v3, v2  }
0x231: {  	[tilespmem:s31], [sflag:$0x4] =	stream.indirect_vreg.gather [hbm4b:s1+s3], $0x80, v4, vm0, $0xb8;
	[tilespmem:$0x19B00] =	vst v63  }
0x232: {  	s9 =	simm.s32 $0x15B00;
	v3 =	vadd.s32 v1, v3  }
0x233: {  	[tilespmem:s9], [sflag:$0x4] =	stream.indirect_vreg.gather [hbm4b:s5+s3], $0x80, v4, vm0, $0xb8;
	[tilespmem:$0x19B00] =	vst v63  }
0x234: {  	s11 =	simm.s32 $0x16300  }
0x235: {  	[tilespmem:s11], [sflag:$0x4] =	stream.indirect_vreg.gather [hbm4b:s6+s3], $0x80, v4, vm0, $0xb8;
	[tilespmem:$0x19B00] =	vst v63  }
0x236: {  	s12 =	simm.s32 $0x16B00  }
0x237: {  	[tilespmem:s12], [sflag:$0x4] =	stream.indirect_vreg.gather [hbm4b:s1+s3], $0x80, v3, vm0, $0xb8;
	[tilespmem:$0x19B00] =	vst v63  }
0x238: {  	s13 =	simm.s32 $0x17300  }
0x239: {  	[tilespmem:s13], [sflag:$0x4] =	stream.indirect_vreg.gather [hbm4b:s5+s3], $0x80, v3, vm0, $0xb8;
	[tilespmem:$0x19B00] =	vst v63  }
0x23a: {  	s11 =	simm.s32 $0x17B00  }
0x23b: {  	[tilespmem:s11], [sflag:$0x4] =	stream.indirect_vreg.gather [hbm4b:s6+s3], $0x80, v3, vm0, $0xb8;
	[tilespmem:$0x19B00] =	vst v63  }
0x23c: {  	_ =	swait.ge [sflag:s25], $0x6000  }
0x23d: {  	[sflag:s25] =	ssyncset.done $0x0  }
0x23e: {  	s12 =	rddreg [dreg:$0x13];
	[sflag:s25] =	ssyncadd.s32 $0xFFFFA000  }
0x23f: {  	[hbm4b:s12+s3] =	stream.linear.scatter [tilespmem:s4], [sflag:$0x6], $0x6000, $0x38;
	[tilespmem:$0x19B00] =	vst v63  }
0x240: {  	_ =	swait.ge [sflag:s26], $0x6000  }
0x241: {  	[sflag:s26] =	ssyncset.done $0x0  }
0x242: {  	[sflag:s26] =	ssyncadd.s32 $0xFFFFA000  }
0x243: {  	v3 =	vld [tilespmem:$0x180];
	_ =	sdelay $0x4  }
0x244: {  	v58 =	vshrl.u32 v3, $0x3  }
0x245: {  	v4 =	vmul.u32 $0x30, v58  }
0x246: {  	v3 =	vand.u32 $0x7, v3  }
0x247: {  	v3 =	vor.u32 v3, v4  }
0x248: {  	v4 =	vperm.xlane v3, v0;
	_ =	sdelay $0x1  }
0x249: {  	v4 =	vadd.s32 v1, v4;
	_ =	sdelay $0x3  }
0x24a: {  	v3 =	vperm.xlane v3, v2  }
0x24b: {  	[tilespmem:s22], [sflag:$0x1] =	stream.indirect_vreg.gather [hbm4b:s1+s3], $0x80, v4, vm0, $0xb8;
	[tilespmem:$0x19B00] =	vst v63  }
0x24c: {  	s13 =	simm.s32 $0xB00;
	v3 =	vadd.s32 v1, v3  }
0x24d: {  	[tilespmem:s13], [sflag:$0x1] =	stream.indirect_vreg.gather [hbm4b:s5+s3], $0x80, v4, vm0, $0xb8;
	[tilespmem:$0x19B00] =	vst v63  }
0x24e: {  	s20 =	simm.s32 $0x1300  }
0x24f: {  	[tilespmem:s20], [sflag:$0x1] =	stream.indirect_vreg.gather [hbm4b:s6+s3], $0x80, v4, vm0, $0xb8;
	[tilespmem:$0x19B00] =	vst v63  }
0x250: {  	s21 =	simm.s32 $0x1B00  }
0x251: {  	[tilespmem:s21], [sflag:$0x1] =	stream.indirect_vreg.gather [hbm4b:s1+s3], $0x80, v3, vm0, $0xb8;
	[tilespmem:$0x19B00] =	vst v63  }
0x252: {  	s24 =	simm.s32 $0x2300  }
0x253: {  	[tilespmem:s24], [sflag:$0x1] =	stream.indirect_vreg.gather [hbm4b:s5+s3], $0x80, v3, vm0, $0xb8;
	[tilespmem:$0x19B00] =	vst v63  }
0x254: {  	s31 =	simm.s32 $0x2B00  }
0x255: {  	[tilespmem:s31], [sflag:$0x1] =	stream.indirect_vreg.gather [hbm4b:s6+s3], $0x80, v3, vm0, $0xb8;
	[tilespmem:$0x19B00] =	vst v63  }
0x256: {  	v3 =	vld [tilespmem:$0x190];
	_ =	sdelay $0x4  }
0x257: {  	v59 =	vshrl.u32 v3, $0x3  }
0x258: {  	v4 =	vmul.u32 $0x30, v59  }
0x259: {  	v3 =	vand.u32 $0x7, v3  }
0x25a: {  	v3 =	vor.u32 v3, v4  }
0x25b: {  	v4 =	vperm.xlane v3, v0;
	_ =	sdelay $0x1  }
0x25c: {  	v4 =	vadd.s32 v1, v4;
	_ =	sdelay $0x3  }
0x25d: {  	s9 =	simm.s32 $0x3300;
	v3 =	vperm.xlane v3, v2  }
0x25e: {  	[tilespmem:s9], [sflag:$0x1] =	stream.indirect_vreg.gather [hbm4b:s1+s3], $0x80, v4, vm0, $0xb8;
	[tilespmem:$0x19B00] =	vst v63  }
0x25f: {  	s11 =	simm.s32 $0x3B00;
	v3 =	vadd.s32 v1, v3  }
0x260: {  	[tilespmem:s11], [sflag:$0x1] =	stream.indirect_vreg.gather [hbm4b:s5+s3], $0x80, v4, vm0, $0xb8;
	[tilespmem:$0x19B00] =	vst v63  }
0x261: {  	s12 =	simm.s32 $0x4300  }
0x262: {  	[tilespmem:s12], [sflag:$0x1] =	stream.indirect_vreg.gather [hbm4b:s6+s3], $0x80, v4, vm0, $0xb8;
	[tilespmem:$0x19B00] =	vst v63  }
0x263: {  	s13 =	simm.s32 $0x4B00  }
0x264: {  	[tilespmem:s13], [sflag:$0x1] =	stream.indirect_vreg.gather [hbm4b:s1+s3], $0x80, v3, vm0, $0xb8;
	[tilespmem:$0x19B00] =	vst v63  }
0x265: {  	s20 =	simm.s32 $0x5300  }
0x266: {  	[tilespmem:s20], [sflag:$0x1] =	stream.indirect_vreg.gather [hbm4b:s5+s3], $0x80, v3, vm0, $0xb8;
	[tilespmem:$0x19B00] =	vst v63  }
0x267: {  	s21 =	simm.s32 $0x5B00  }
0x268: {  	[tilespmem:s21], [sflag:$0x1] =	stream.indirect_vreg.gather [hbm4b:s6+s3], $0x80, v3, vm0, $0xb8;
	[tilespmem:$0x19B00] =	vst v63  }
0x269: {  	_ =	swait.ge [sflag:s28], $0x6000  }
0x26a: {  	[sflag:s28] =	ssyncset.done $0x0  }
0x26b: {  	s24 =	rddreg [dreg:$0x14];
	[sflag:s28] =	ssyncadd.s32 $0xFFFFA000  }
0x26c: {  	[hbm4b:s24+s3] =	stream.linear.scatter [tilespmem:s8], [sflag:$0x5], $0x6000, $0x38;
	[tilespmem:$0x19B00] =	vst v63  }
0x26d: {  	_ =	swait.ge [sflag:s29], $0x6000  }
0x26e: {  	[sflag:s29] =	ssyncset.done $0x0  }
0x26f: {  	[sflag:s29] =	ssyncadd.s32 $0xFFFFA000  }
0x270: {  	v3 =	vld [tilespmem:$0x1A0];
	_ =	sdelay $0x4  }
0x271: {  	v60 =	vshrl.u32 v3, $0x3  }
0x272: {  	v4 =	vmul.u32 $0x30, v60  }
0x273: {  	v3 =	vand.u32 $0x7, v3  }
0x274: {  	v3 =	vor.u32 v3, v4  }
0x275: {  	v4 =	vperm.xlane v3, v0;
	_ =	sdelay $0x1  }
0x276: {  	v4 =	vadd.s32 v1, v4;
	_ =	sdelay $0x3  }
0x277: {  	v3 =	vperm.xlane v3, v2  }
0x278: {  	[tilespmem:s4], [sflag:$0x2] =	stream.indirect_vreg.gather [hbm4b:s1+s3], $0x80, v4, vm0, $0xb8;
	[tilespmem:$0x19B00] =	vst v63  }
0x279: {  	s31 =	simm.s32 $0x6B00;
	v3 =	vadd.s32 v1, v3  }
0x27a: {  	[tilespmem:s31], [sflag:$0x2] =	stream.indirect_vreg.gather [hbm4b:s5+s3], $0x80, v4, vm0, $0xb8;
	[tilespmem:$0x19B00] =	vst v63  }
0x27b: {  	s9 =	simm.s32 $0x7300  }
0x27c: {  	[tilespmem:s9], [sflag:$0x2] =	stream.indirect_vreg.gather [hbm4b:s6+s3], $0x80, v4, vm0, $0xb8;
	[tilespmem:$0x19B00] =	vst v63  }
0x27d: {  	s11 =	simm.s32 $0x7B00  }
0x27e: {  	[tilespmem:s11], [sflag:$0x2] =	stream.indirect_vreg.gather [hbm4b:s1+s3], $0x80, v3, vm0, $0xb8;
	[tilespmem:$0x19B00] =	vst v63  }
0x27f: {  	s12 =	simm.s32 $0x8300  }
0x280: {  	[tilespmem:s12], [sflag:$0x2] =	stream.indirect_vreg.gather [hbm4b:s5+s3], $0x80, v3, vm0, $0xb8;
	[tilespmem:$0x19B00] =	vst v63  }
0x281: {  	s13 =	simm.s32 $0x8B00  }
0x282: {  	[tilespmem:s13], [sflag:$0x2] =	stream.indirect_vreg.gather [hbm4b:s6+s3], $0x80, v3, vm0, $0xb8;
	[tilespmem:$0x19B00] =	vst v63  }
0x283: {  	v3 =	vld [tilespmem:$0x1B0];
	_ =	sdelay $0x4  }
0x284: {  	v61 =	vshrl.u32 v3, $0x3  }
0x285: {  	v4 =	vmul.u32 $0x30, v61  }
0x286: {  	v3 =	vand.u32 $0x7, v3  }
0x287: {  	v3 =	vor.u32 v3, v4  }
0x288: {  	v4 =	vperm.xlane v3, v0;
	_ =	sdelay $0x1  }
0x289: {  	v4 =	vadd.s32 v1, v4;
	_ =	sdelay $0x3  }
0x28a: {  	s20 =	simm.s32 $0x9300;
	v3 =	vperm.xlane v3, v2  }
0x28b: {  	[tilespmem:s20], [sflag:$0x2] =	stream.indirect_vreg.gather [hbm4b:s1+s3], $0x80, v4, vm0, $0xb8;
	[tilespmem:$0x19B00] =	vst v63  }
0x28c: {  	s21 =	simm.s32 $0x9B00;
	v3 =	vadd.s32 v1, v3  }
0x28d: {  	[tilespmem:s21], [sflag:$0x2] =	stream.indirect_vreg.gather [hbm4b:s5+s3], $0x80, v4, vm0, $0xb8;
	[tilespmem:$0x19B00] =	vst v63  }
0x28e: {  	s24 =	simm.s32 $0xA300  }
0x28f: {  	[tilespmem:s24], [sflag:$0x2] =	stream.indirect_vreg.gather [hbm4b:s6+s3], $0x80, v4, vm0, $0xb8;
	[tilespmem:$0x19B00] =	vst v63  }
0x290: {  	s31 =	simm.s32 $0xAB00  }
0x291: {  	[tilespmem:s31], [sflag:$0x2] =	stream.indirect_vreg.gather [hbm4b:s1+s3], $0x80, v3, vm0, $0xb8;
	[tilespmem:$0x19B00] =	vst v63  }
0x292: {  	s9 =	simm.s32 $0xB300  }
0x293: {  	[tilespmem:s9], [sflag:$0x2] =	stream.indirect_vreg.gather [hbm4b:s5+s3], $0x80, v3, vm0, $0xb8;
	[tilespmem:$0x19B00] =	vst v63  }
0x294: {  	s11 =	simm.s32 $0xBB00  }
0x295: {  	[tilespmem:s11], [sflag:$0x2] =	stream.indirect_vreg.gather [hbm4b:s6+s3], $0x80, v3, vm0, $0xb8;
	[tilespmem:$0x19B00] =	vst v63  }
0x296: {  	_ =	swait.ge [sflag:s30], $0x6000  }
0x297: {  	[sflag:s30] =	ssyncset.done $0x0  }
0x298: {  	s12 =	rddreg [dreg:$0x15];
	[sflag:s30] =	ssyncadd.s32 $0xFFFFA000  }
0x299: {  	[hbm4b:s12+s3] =	stream.linear.scatter [tilespmem:s2], [sflag:$0x6], $0x6000, $0x38;
	[tilespmem:$0x19B00] =	vst v63  }
0x29a: {  	_ =	swait.ge [sflag:s26], $0x6000  }
0x29b: {  	[sflag:s26] =	ssyncset.done $0x0  }
0x29c: {  	[sflag:s26] =	ssyncadd.s32 $0xFFFFA000  }
0x29d: {  	v3 =	vld [tilespmem:$0x1C0];
	_ =	sdelay $0x4  }
0x29e: {  	v62 =	vshrl.u32 v3, $0x3  }
0x29f: {  	v4 =	vmul.u32 $0x30, v62  }
0x2a0: {  	v3 =	vand.u32 $0x7, v3  }
0x2a1: {  	v3 =	vor.u32 v3, v4  }
0x2a2: {  	v4 =	vperm.xlane v3, v0;
	_ =	sdelay $0x1  }
0x2a3: {  	v4 =	vadd.s32 v1, v4;
	_ =	sdelay $0x3  }
0x2a4: {  	v3 =	vperm.xlane v3, v2  }
0x2a5: {  	[tilespmem:s8], [sflag:$0x3] =	stream.indirect_vreg.gather [hbm4b:s1+s3], $0x80, v4, vm0, $0xb8;
	[tilespmem:$0x19B00] =	vst v63  }
0x2a6: {  	s14 =	simm.s32 $0xCB00;
	v3 =	vadd.s32 v1, v3  }
0x2a7: {  	[tilespmem:s14], [sflag:$0x3] =	stream.indirect_vreg.gather [hbm4b:s5+s3], $0x80, v4, vm0, $0xb8;
	[tilespmem:$0x19B00] =	vst v63  }
0x2a8: {  	s15 =	simm.s32 $0xD300  }
0x2a9: {  	[tilespmem:s15], [sflag:$0x3] =	stream.indirect_vreg.gather [hbm4b:s6+s3], $0x80, v4, vm0, $0xb8;
	[tilespmem:$0x19B00] =	vst v63  }
0x2aa: {  	s16 =	simm.s32 $0xDB00  }
0x2ab: {  	[tilespmem:s16], [sflag:$0x3] =	stream.indirect_vreg.gather [hbm4b:s1+s3], $0x80, v3, vm0, $0xb8;
	[tilespmem:$0x19B00] =	vst v63  }
0x2ac: {  	s17 =	simm.s32 $0xE300  }
0x2ad: {  	[tilespmem:s17], [sflag:$0x3] =	stream.indirect_vreg.gather [hbm4b:s5+s3], $0x80, v3, vm0, $0xb8;
	[tilespmem:$0x19B00] =	vst v63  }
0x2ae: {  	s13 =	simm.s32 $0xEB00  }
0x2af: {  	[tilespmem:s13], [sflag:$0x3] =	stream.indirect_vreg.gather [hbm4b:s6+s3], $0x80, v3, vm0, $0xb8;
	[tilespmem:$0x19B00] =	vst v63  }
0x2b0: {  	v3 =	vld [tilespmem:$0x1D0];
	_ =	sdelay $0x4  }
0x2b1: {  	v63 =	vshrl.u32 v3, $0x3  }
0x2b2: {  	v4 =	vmul.u32 $0x30, v63  }
0x2b3: {  	v3 =	vand.u32 $0x7, v3  }
0x2b4: {  	v3 =	vor.u32 v3, v4  }
0x2b5: {  	v4 =	vperm.xlane v3, v0;
	_ =	sdelay $0x1  }
0x2b6: {  	v4 =	vadd.s32 v1, v4;
	_ =	sdelay $0x3  }
0x2b7: {  	s14 =	simm.s32 $0xF300;
	v3 =	vperm.xlane v3, v2  }
0x2b8: {  	[tilespmem:s14], [sflag:$0x3] =	stream.indirect_vreg.gather [hbm4b:s1+s3], $0x80, v4, vm0, $0xb8;
	[tilespmem:$0x19B00] =	vst v63  }
0x2b9: {  	s18 =	simm.s32 $0xFB00;
	v3 =	vadd.s32 v1, v3  }
0x2ba: {  	[tilespmem:s18], [sflag:$0x3] =	stream.indirect_vreg.gather [hbm4b:s5+s3], $0x80, v4, vm0, $0xb8;
	[tilespmem:$0x19B00] =	vst v63  }
0x2bb: {  	s19 =	simm.s32 $0x10300  }
0x2bc: {  	[tilespmem:s19], [sflag:$0x3] =	stream.indirect_vreg.gather [hbm4b:s6+s3], $0x80, v4, vm0, $0xb8;
	[tilespmem:$0x19B00] =	vst v63  }
0x2bd: {  	s15 =	simm.s32 $0x10B00  }
0x2be: {  	[tilespmem:s15], [sflag:$0x3] =	stream.indirect_vreg.gather [hbm4b:s1+s3], $0x80, v3, vm0, $0xb8;
	[tilespmem:$0x19B00] =	vst v63  }
0x2bf: {  	s16 =	simm.s32 $0x11300  }
0x2c0: {  	[tilespmem:s16], [sflag:$0x3] =	stream.indirect_vreg.gather [hbm4b:s5+s3], $0x80, v3, vm0, $0xb8;
	[tilespmem:$0x19B00] =	vst v63  }
0x2c1: {  	s17 =	simm.s32 $0x11B00  }
0x2c2: {  	[tilespmem:s17], [sflag:$0x3] =	stream.indirect_vreg.gather [hbm4b:s6+s3], $0x80, v3, vm0, $0xb8;
	[tilespmem:$0x19B00] =	vst v63  }
0x2c3: {  	_ =	swait.ge [sflag:s23], $0x6000  }
0x2c4: {  	[sflag:s23] =	ssyncset.done $0x0  }
0x2c5: {  	s18 =	rddreg [dreg:$0x16];
	[sflag:s23] =	ssyncadd.s32 $0xFFFFA000  }
0x2c6: {  	[hbm4b:s18+s3] =	stream.linear.scatter [tilespmem:s22], [sflag:$0x5], $0x6000, $0x38;
	[tilespmem:$0x19B00] =	vst v63  }
0x2c7: {  	_ =	swait.ge [sflag:s25], $0x6000  }
0x2c8: {  	[sflag:s25] =	ssyncset.done $0x0  }
0x2c9: {  	s19 =	rddreg [dreg:$0x17];
	[sflag:s25] =	ssyncadd.s32 $0xFFFFA000  }
0x2ca: {  	[hbm4b:s19+s3] =	stream.linear.scatter [tilespmem:s4], [sflag:$0x6], $0x6000, $0x38;
	[tilespmem:$0x19B00] =	vst v63  }
0x2cb: {  	_ =	swait.ge [sflag:s28], $0x6000  }
0x2cc: {  	[sflag:s28] =	ssyncset.done $0x0  }
0x2cd: {  	s20 =	rddreg [dreg:$0x18];
	[sflag:s28] =	ssyncadd.s32 $0xFFFFA000  }
0x2ce: {  	[hbm4b:s20+s3] =	stream.linear.scatter [tilespmem:s8], [sflag:$0x5], $0x6000, $0x38;
	[tilespmem:$0x19B00] =	vst v63  }
0x2cf: {  	_ =	swait.ge [sflag:s29], $0x6000  }
0x2d0: {  	[sflag:s29] =	ssyncset.done $0x0  }
0x2d1: {  	[sflag:s29] =	ssyncadd.s32 $0xFFFFA000  }
0x2d2: {  	_ =	swait.ge [sflag:s26], $0x6000  }
0x2d3: {  	[sflag:s26] =	ssyncset.done $0x0  }
0x2d4: {  	[sflag:s26] =	ssyncadd.s32 $0xFFFFA000  }
0x2d5: {  	_ =	swait.ge [sflag:s29], $0x6000  }
0x2d6: {  	[sflag:s29] =	ssyncset.done $0x0  }
0x2d7: {  	[sflag:s29] =	ssyncadd.s32 $0xFFFFA000  }
0x2d8: {  	_ =	swait.ge [sflag:s26], $0x6000  }
0x2d9: {  	[sflag:s26] =	ssyncset.done $0x0  }
0x2da: {  	s21 =	simm.s32 $0x7;
	[sflag:s26] =	ssyncadd.s32 $0xFFFFA000  }
0x2db: {  	_ =	swait.ge [sflag:s21], $0x1800  }
0x2dc: {  	p0 =	sne.s32 s7, $0x1;
	s31 =	simm.s32 $0x18300;
	[sflag:s21] =	ssyncset.done $0x0  }
.Ltmp0:
0x2dd: {  	s24 =	rddreg [dreg:$0x19];
	[sflag:s21] =	ssyncadd.s32 $0xFFFFE800;
	(pc) =	sbr.rel @p0 .LBB2_1-.Ltmp0, $4  }
0x2de: {  	[hbm4b:s24+s3] =	stream.linear.scatter [tilespmem:s31], [sflag:$0x8], $0x1800, $0x38;
	[tilespmem:$0x19B00] =	vst v63  }
0x2df: {  	_ =	swait.ge [sflag:s10], $0x1800  }
0x2e0: {  	[sflag:s10] =	ssyncset.done $0x0  }
0x2e1: {  	s7 =	sadd.s32 $0xFFFFFFFF, s7;
	[sflag:s10] =	ssyncadd.s32 $0xFFFFE800  }
0x2e2: {  	_ =	sfence.sel $0x180000  }
0x2e3: {  	[bflag:$0x0] =	sbarrier.arrive $0xFFFF  }
0x2e4: {  	_ =	strace $0x90000047  }
0x2e5: {  	s0 =	stileid.u32;
	[bflag:$0x2] =	sbarrier.arrive $0xFFFF  }
0x2e6: {  	p0 =	sne.s32 s0, $0x0;
	s0 =	rddreg [dreg:$0x4]  }
0x2e7: {  	s0 =	sadd.s32 @!p0 $0x100000, s0  }
0x2e8: {  	[sflag:s0] =	ssyncadd.tile.s32 @!p0 $0x1;
	_ =	shalt  }
.Lfunc_end2:
_tile_overlayer_lowered:
.L_overlay_start_2:
0x2e9: {  	(tag) =	ssettag $0x2  }
0x2ea: {  	s0 =	rddreg [dreg:$0x0];
	s2 =	stileid.u32  }
0x2eb: {  	s1 =	rddreg [dreg:$0x1];
	p0 =	sne.s32 s2, $0x0  }
0x2ec: {  	s3 =	rddreg [dreg:$0x2];
	[bflag:$0x3] =	sbarrier.arrive $0xFFFF;
	s2 =	simm.s32 @!p0 $0x1C08  }
0x2ed: {  	[timem:s3], [sflag:s2] =	dma.local @!p0 [hbm:s0], s1  }
0x2ee: {  	s0 =	simm.s32 @!p0 $0x8  }
0x2ef: {  	_ =	swait.ge @!p0 [sflag:s0], s1  }
0x2f0: {  	s1 =	ssub.s32 @!p0 $0x0, s1;
	[sflag:s0] =	ssyncset.done @!p0 $0x0  }
0x2f1: {  	[sflag:s0] =	ssyncadd.s32 @!p0 s1  }
0x2f2: {  	[bflag:$0x3] =	sbarrier.arrive $0xFFFF  }
0x2f3: {  	_ =	shalt  }

</sc_bundles>
